<compile_context>
chip_gen: v7x
topology: tpu7x:2x2x1
jax: 0.10.2.dev20260603
libtpu: 0.0.44.dev20260713+nightly
codegen_flags: <defaults>
</compile_context>

<pallas_src>
import functools

import jax
import jax.numpy as jnp
from jax import lax
from jax.experimental import pallas as pl
from jax.experimental.pallas import tpu as pltpu
from jax.experimental.pallas import tpu_sc as plsc

_K = 8192
_D = 256
_N = 4096
_BT = 256
_BK = 512
_TG = _N // _BT
_KG = _K // _BK

_NC = 2
_NS = 16
_NW = _NC * _NS
_BPW = _N // _NW
_BINS_PW = _K // _NW
_IDX_TOTAL = 4 * _N



def _argmin_tail(k, d, z2_scr, bv_scr, bi_scr, idx_ref):
    lm = jnp.min(d, axis=1, keepdims=True)
    ii = lax.broadcasted_iota(jnp.int32, d.shape, 1)
    li = jnp.min(jnp.where(d == lm, ii, _BK), axis=1, keepdims=True)
    cand = li + k * _BK

    @pl.when(k == 0)
    def _():
        bv_scr[...] = lm
        bi_scr[...] = cand

    @pl.when(k > 0)
    def _():
        upd = lm < bv_scr[...]
        bi_scr[...] = jnp.where(upd, cand, bi_scr[...])
        bv_scr[...] = jnp.where(upd, lm, bv_scr[...])

    @pl.when(k == _KG - 1)
    def _():
        idx_ref[...] = bi_scr[...]


def _dist_block(r, wt):
    mm = lax.dot_general(r, wt, (((1,), (0,)), ((), ())),
                         preferred_element_type=jnp.float32)
    w2 = jnp.sum(wt * wt, axis=0, keepdims=True)
    return mm, w2


def _argmin_first_body(r_ref, wt_ref, idx_ref, z2_scr, bv_scr, bi_scr):
    k = pl.program_id(1)

    @pl.when(k == 0)
    def _():
        r = r_ref[...]
        z2_scr[...] = jnp.sum(r * r, axis=1, keepdims=True)

    mm, w2 = _dist_block(r_ref[...], wt_ref[:, pl.ds(k * _BK, _BK)])
    d = (z2_scr[...] + w2) - 2.0 * mm
    _argmin_tail(k, d, z2_scr, bv_scr, bi_scr, idx_ref)


def _argmin_step_body(rp_ref, q_ref, wt_ref, idx_ref, r_out_ref,
                      z2_scr, bv_scr, bi_scr):
    k = pl.program_id(1)

    @pl.when(k == 0)
    def _():
        r = rp_ref[...] - q_ref[...]
        r_out_ref[...] = r
        z2_scr[...] = jnp.sum(r * r, axis=1, keepdims=True)

    mm, w2 = _dist_block(r_out_ref[...], wt_ref[:, pl.ds(k * _BK, _BK)])
    d = (z2_scr[...] + w2) - 2.0 * mm
    _argmin_tail(k, d, z2_scr, bv_scr, bi_scr, idx_ref)


_tok_spec = pl.BlockSpec((_BT, _D), lambda t, k: (t, 0))
_wt_spec = pl.BlockSpec((_D, _K), lambda t, k: (0, 0))
_idx_spec = pl.BlockSpec((_BT, 1), lambda t, k: (t, 0))
_scratch = [
    pltpu.VMEM((_BT, 1), jnp.float32),
    pltpu.VMEM((_BT, 1), jnp.float32),
    pltpu.VMEM((_BT, 1), jnp.int32),
]

_argmin_first = pl.pallas_call(
    _argmin_first_body,
    grid=(_TG, _KG),
    in_specs=[_tok_spec, _wt_spec],
    out_specs=_idx_spec,
    out_shape=jax.ShapeDtypeStruct((_N, 1), jnp.int32),
    scratch_shapes=_scratch,
)

_argmin_step = pl.pallas_call(
    _argmin_step_body,
    grid=(_TG, _KG),
    in_specs=[_tok_spec, _tok_spec, _wt_spec],
    out_specs=[_idx_spec, _tok_spec],
    out_shape=[
        jax.ShapeDtypeStruct((_N, 1), jnp.int32),
        jax.ShapeDtypeStruct((_N, _D), jnp.float32),
    ],
    scratch_shapes=_scratch,
)



def _gather_body(table_ref, idx_ref, out_ref, idx_v, rows_v, sem):
    wid = lax.axis_index("s") * _NC + lax.axis_index("c")
    base = wid * _BPW
    pltpu.sync_copy(idx_ref.at[pl.ds(base, _BPW)], idx_v)
    pltpu.async_copy(table_ref.at[idx_v], rows_v, sem).wait()
    pltpu.sync_copy(rows_v, out_ref.at[pl.ds(base, _BPW)])


@functools.cache
def _sc_mesh():
    return plsc.VectorSubcoreMesh(core_axis_name="c", subcore_axis_name="s",
                                  num_cores=_NC, num_subcores=_NS)


@functools.cache
def _gather_kernel():
    return pl.kernel(
        _gather_body,
        out_type=jax.ShapeDtypeStruct((_N, _D), jnp.float32),
        mesh=_sc_mesh(),
        scratch_types=[
            pltpu.VMEM((_BPW,), jnp.int32),
            pltpu.VMEM((_BPW, _D), jnp.float32),
            pltpu.SemaphoreType.DMA,
        ],
    )



def _bincount_body(idx_ref, out_ref, idx_v, hist_v, acc_v):
    wid = lax.axis_index("s") * _NC + lax.axis_index("c")
    base_bin = wid * _BINS_PW
    lanes = lax.iota(jnp.int32, 16)
    zeros = jnp.zeros((16,), jnp.float32)
    ones = jnp.ones((16,), jnp.float32)

    def zero_body(i, c):
        hist_v[pl.ds(i * 16, 16)] = zeros
        return c

    lax.fori_loop(0, 16 * _BINS_PW // 16, zero_body, 0)

    pltpu.sync_copy(idx_ref, idx_v)

    def scat_body(i, c):
        v = idx_v[pl.ds(i * 16, 16)]
        rel = v - base_bin
        m = (rel >= 0) & (rel < _BINS_PW)
        relc = jnp.where(m, rel, 0)
        flat = lanes * _BINS_PW + relc
        plsc.addupdate_scatter(hist_v, [flat], ones, mask=m)
        return c

    lax.fori_loop(0, _IDX_TOTAL // 16, scat_body, 0)

    for c in range(_BINS_PW // 16):
        acc = hist_v[pl.ds(c * 16, 16)]
        for r in range(1, 16):
            acc = acc + hist_v[pl.ds(r * _BINS_PW + c * 16, 16)]
        acc_v[pl.ds(c * 16, 16)] = acc

    pltpu.sync_copy(acc_v, out_ref.at[pl.ds(base_bin, _BINS_PW)])


@functools.cache
def _bincount_kernel():
    return pl.kernel(
        _bincount_body,
        out_type=jax.ShapeDtypeStruct((_K,), jnp.float32),
        mesh=_sc_mesh(),
        scratch_types=[
            pltpu.VMEM((_IDX_TOTAL,), jnp.int32),
            pltpu.VMEM((16 * _BINS_PW,), jnp.float32),
            pltpu.VMEM((_BINS_PW,), jnp.float32),
        ],
        compiler_params=pltpu.CompilerParams(needs_layout_passes=False),
    )



def _perp_body(c_ref, o_ref):
    p = c_ref[...] / float(_IDX_TOTAL)
    ent = p * jnp.log(jnp.maximum(p, 1e-10))
    s = jnp.sum(ent, axis=(0, 1), keepdims=True)
    o_ref[...] = jnp.exp(-s)


_perp = pl.pallas_call(
    _perp_body,
    out_shape=jax.ShapeDtypeStruct((1, 1), jnp.float32),
)



def kernel(z, codebook):
    B, C, H, W = z.shape
    flat_z = jnp.transpose(z, (0, 2, 3, 1)).reshape(-1, C)
    wt = codebook.T

    gather = _gather_kernel()
    idx0 = _argmin_first(flat_z, wt)
    q0 = gather(codebook, idx0.reshape(-1))
    idx1, r1 = _argmin_step(flat_z, q0, wt)
    q1 = gather(codebook, idx1.reshape(-1))
    idx2, r2 = _argmin_step(r1, q1, wt)
    q2 = gather(codebook, idx2.reshape(-1))
    idx3, r3 = _argmin_step(r2, q2, wt)
    q3 = gather(codebook, idx3.reshape(-1))

    r4 = r3 - q3
    cum1 = q1 + q0
    cum2 = q2 + cum1
    cum3 = q3 + cum2
    st = cum3 + (r4 - cum3)

    idx_all = jnp.concatenate(
        [idx0.reshape(-1), idx1.reshape(-1), idx2.reshape(-1), idx3.reshape(-1)],
        axis=0)
    counts = _bincount_kernel()(idx_all)
    perp = _perp(counts.reshape(64, 128)).reshape(())

    def unflat(x):
        return x.reshape(B, H, W, C).transpose(0, 3, 1, 2)

    return (unflat(q0), unflat(cum1), unflat(cum2), unflat(cum3), unflat(st),
            idx0.reshape(-1), idx1.reshape(-1), idx2.reshape(-1),
            idx3.reshape(-1), perp)

# --- scband reference (transcript-rebuilt; emitter-appended) ---
"""Pipeline reference for scband-residual-quantizer-57475252355773 (READ-ONLY COPY).

The authoritative reference and input builder live on the scoring server;
editing this copy changes nothing except your own understanding.
"""

import jax, jax.numpy as jnp
import numpy as np

DEPTH = 4
K = 8192
D = 256


def setup_inputs(seed: int = 0) -> dict:
    key = jax.random.key(seed)
    k1, k2 = jax.random.split(key)
    z = jax.random.normal(k1, (4, 256, 32, 32), dtype=jnp.float32)
    codebook = jax.random.uniform(k2, (K, D), dtype=jnp.float32, minval=-1.0 / K, maxval=1.0 / K)
    return {"z": z, "codebook": codebook}


def _quantize(z, W):
    B, C, H, Wd = z.shape
    flat_z = jnp.transpose(z, (0, 2, 3, 1)).reshape(-1, C)
    dists = (
        jnp.sum(flat_z ** 2, axis=1, keepdims=True)
        + jnp.sum(W ** 2, axis=1)
        - 2.0 * flat_z @ W.T
    )
    indices = jnp.argmin(dists, axis=1)
    quantized = jnp.take(W, indices, axis=0).reshape(B, H, Wd, C).transpose(0, 3, 1, 2)
    return quantized, indices


def reference(z, codebook):
    quantized_list = []
    indices_list = []
    r = z
    for _ in range(DEPTH):
        q, idx = _quantize(r, codebook)
        quantized_list.append(q)
        indices_list.append(idx)
        r = r - q
    for i in range(1, DEPTH):
        quantized_list[i] = quantized_list[i] + quantized_list[i - 1]
    quantized_st = quantized_list[-1] + jax.lax.stop_gradient(r - quantized_list[-1])
    indices_all = jnp.concatenate(indices_list, axis=0)
    # mean of one-hot over rows == bincount / num_rows (mathematically identical)
    counts = jnp.bincount(indices_all, length=K)
    probs = counts.astype(jnp.float32) / indices_all.shape[0]
    perplexity = jnp.exp(-jnp.sum(probs * jnp.log(jnp.maximum(probs, 1e-10))))
    return (*quantized_list, quantized_st, *indices_list, perplexity)

if __name__ == "__main__":
    import jax
    _d = setup_inputs()
    print(jax.jit(kernel)(*tuple(_d.values())))

</pallas_src>

<mosaic_0001>
#map = affine_map<(d0, d1) -> (0, 0)>
#map1 = affine_map<(d0, d1) -> (0)>
module attributes {stable_mosaic.version = 14 : i64} {
  func.func @_gather_body(%arg0: i32, %arg1: i32, %arg2: memref<8192x256xf32, #tpu.memory_space<hbm>>, %arg3: memref<4096xi32, #tpu.memory_space<hbm>>, %arg4: memref<4096x256xf32, #tpu.memory_space<hbm>>, %arg5: memref<128xi32, #tpu.memory_space<vmem>>, %arg6: memref<128x256xf32, #tpu.memory_space<vmem>>, %arg7: memref<!tpu.dma_semaphore, #tpu.memory_space<semaphore_mem>>) attributes {dimension_semantics = [#tpu.dimension_semantics<core_parallel>, #tpu.dimension_semantics<subcore_parallel>], iteration_bounds = array<i64: 2, 16>, scalar_prefetch = 0 : i64, scratch_operands = 3 : i64, tpu.core_type = #tpu.core_type<sc_vector_subcore>, window_params = [{transform_indices = #map}, {transform_indices = #map1}, {transform_indices = #map}]} {
    %mul3A = arith.constant 2 : i32
    %mul3A_0 = arith.muli %arg1, %mul3A : i32
    %add3A = arith.addi %mul3A_0, %arg0 : i32
    %mul3A_1 = arith.constant 128 : i32
    %mul3A_2 = arith.muli %add3A, %mul3A_1 : i32
    "tpu.region"() ({
      %run_scoped3A = tpu.sem_alloc : memref<!tpu.dma_semaphore, #tpu.memory_space<semaphore_mem>>
      %dma_start3A_7 = tpu.memref_slice %arg3[%mul3A_2] : memref<4096xi32, #tpu.memory_space<hbm>> -> memref<128xi32, #tpu.memory_space<hbm>>
      %dma_start3A_8 = tpu.memref_slice %arg3[%mul3A_2] : memref<4096xi32, #tpu.memory_space<hbm>> -> memref<128xi32, #tpu.memory_space<hbm>>
      tpu.enqueue_dma source(%dma_start3A_8 : memref<128xi32, #tpu.memory_space<hbm>>) target(%arg5 : memref<128xi32, #tpu.memory_space<vmem>>) target_semaphore(%run_scoped3A : memref<!tpu.dma_semaphore, #tpu.memory_space<semaphore_mem>>)
      %dma_wait3A_9 = tpu.memref_slice %arg3[%mul3A_2] : memref<4096xi32, #tpu.memory_space<hbm>> -> memref<128xi32, #tpu.memory_space<hbm>>
      %dma_wait3A_10 = tpu.memref_slice %arg3[%mul3A_2] : memref<4096xi32, #tpu.memory_space<hbm>> -> memref<128xi32, #tpu.memory_space<hbm>>
      tpu.wait_dma2 semaphore(%run_scoped3A : memref<!tpu.dma_semaphore, #tpu.memory_space<semaphore_mem>>) src(%dma_wait3A_10 : memref<128xi32, #tpu.memory_space<hbm>>) dst(%arg5 : memref<128xi32, #tpu.memory_space<vmem>>)
      tpu.yield
    }) : () -> ()
    %dma_start3A = arith.constant 0 : i32
    %dma_start3A_3 = arith.constant 0 : i32
    %dma_start3A_4 = tpu.memref_slice %arg2[%dma_start3A, %dma_start3A_3] : memref<8192x256xf32, #tpu.memory_space<hbm>> -> memref<8192x256xf32, #tpu.memory_space<hbm>>
    tpu.enqueue_indirect_dma source(%dma_start3A_4 : memref<8192x256xf32, #tpu.memory_space<hbm>>) target(%arg6 : memref<128x256xf32, #tpu.memory_space<vmem>>) offsets(%arg5 : memref<128xi32, #tpu.memory_space<vmem>>) semaphore(%arg7 : memref<!tpu.dma_semaphore, #tpu.memory_space<semaphore_mem>>)
    %dma_wait3A = arith.constant 0 : i32
    %dma_wait3A_5 = arith.constant 0 : i32
    %dma_wait3A_6 = tpu.memref_slice %arg2[%dma_wait3A, %dma_wait3A_5] : memref<8192x256xf32, #tpu.memory_space<hbm>> -> memref<8192x256xf32, #tpu.memory_space<hbm>>
    tpu.wait_indirect_dma semaphore(%arg7 : memref<!tpu.dma_semaphore, #tpu.memory_space<semaphore_mem>>) src(%dma_wait3A_6 : memref<8192x256xf32, #tpu.memory_space<hbm>>) dst(%arg6 : memref<128x256xf32, #tpu.memory_space<vmem>>)
    "tpu.region"() ({
      %run_scoped3A = tpu.sem_alloc : memref<!tpu.dma_semaphore, #tpu.memory_space<semaphore_mem>>
      %dma_start3A_7 = arith.constant 0 : i32
      %dma_start3A_8 = tpu.memref_slice %arg4[%mul3A_2, %dma_start3A_7] : memref<4096x256xf32, #tpu.memory_space<hbm>> -> memref<128x256xf32, #tpu.memory_space<hbm>>
      %dma_start3A_9 = arith.constant 0 : i32
      %dma_start3A_10 = tpu.memref_slice %arg4[%mul3A_2, %dma_start3A_9] : memref<4096x256xf32, #tpu.memory_space<hbm>> -> memref<128x256xf32, #tpu.memory_space<hbm>>
      tpu.enqueue_dma source(%arg6 : memref<128x256xf32, #tpu.memory_space<vmem>>) target(%dma_start3A_10 : memref<128x256xf32, #tpu.memory_space<hbm>>) target_semaphore(%run_scoped3A : memref<!tpu.dma_semaphore, #tpu.memory_space<semaphore_mem>>)
      %dma_wait3A_11 = arith.constant 0 : i32
      %dma_wait3A_12 = tpu.memref_slice %arg4[%mul3A_2, %dma_wait3A_11] : memref<4096x256xf32, #tpu.memory_space<hbm>> -> memref<128x256xf32, #tpu.memory_space<hbm>>
      %dma_wait3A_13 = arith.constant 0 : i32
      %dma_wait3A_14 = tpu.memref_slice %arg4[%mul3A_2, %dma_wait3A_13] : memref<4096x256xf32, #tpu.memory_space<hbm>> -> memref<128x256xf32, #tpu.memory_space<hbm>>
      tpu.wait_dma2 semaphore(%run_scoped3A : memref<!tpu.dma_semaphore, #tpu.memory_space<semaphore_mem>>) src(%arg6 : memref<128x256xf32, #tpu.memory_space<vmem>>) dst(%dma_wait3A_14 : memref<128x256xf32, #tpu.memory_space<hbm>>)
      tpu.yield
    }) : () -> ()
    return
  }
}

#map = affine_map<(d0, d1) -> (0)>
module attributes {stable_mosaic.version = 14 : i64} {
  func.func @_bincount_body(%arg0: i32, %arg1: i32, %arg2: memref<16384xi32, #tpu.memory_space<hbm>>, %arg3: memref<8192xf32, #tpu.memory_space<hbm>>, %arg4: memref<16384xi32, #tpu.memory_space<vmem>>, %arg5: memref<4096xf32, #tpu.memory_space<vmem>>, %arg6: memref<256xf32, #tpu.memory_space<vmem>>) attributes {dimension_semantics = [#tpu.dimension_semantics<core_parallel>, #tpu.dimension_semantics<subcore_parallel>], iteration_bounds = array<i64: 2, 16>, scalar_prefetch = 0 : i64, scratch_operands = 3 : i64, tpu.core_type = #tpu.core_type<sc_vector_subcore>, window_params = [{transform_indices = #map}, {transform_indices = #map}]} {
    %mul3A = arith.constant 2 : i32
    %mul3A_0 = arith.muli %arg1, %mul3A : i32
    %add3A = arith.addi %mul3A_0, %arg0 : i32
    %mul3A_1 = arith.constant 256 : i32
    %mul3A_2 = arith.muli %add3A, %mul3A_1 : i32
    %iota3A = tpu.iota {dimensions = array<i32: 0>} : vector<16xi32>
    %broadcast_in_dim3A = arith.constant 0.000000e+00 : f32
    %broadcast_in_dim3A_3 = vector.broadcast %broadcast_in_dim3A : f32 to vector<16xf32>
    %broadcast_in_dim3A_4 = arith.constant 1.000000e+00 : f32
    %broadcast_in_dim3A_5 = vector.broadcast %broadcast_in_dim3A_4 : f32 to vector<16xf32>
    %scan3A = arith.constant 0 : i32
    %scan3A_6 = arith.constant 0 : i32
    %scan3A_7 = arith.constant 256 : i32
    %scan3A_8 = arith.addi %scan3A_6, %scan3A_7 : i32
    %scan3A_9 = arith.constant 1 : i32
    scf.for %scan3A_799 = %scan3A_6 to %scan3A_8 step %scan3A_9  : i32 {
      %mul3A_800 = arith.constant 16 : i32
      %mul3A_801 = arith.muli %scan3A_799, %mul3A_800 : i32
      %swap3A_802 = arith.index_cast %mul3A_801 : i32 to index
      %swap3A_803 = tpu.vector_load %arg5[%swap3A_802] {strides = array<i32>} : memref<4096xf32, #tpu.memory_space<vmem>>, vector<16xf32>,
      tpu.vector_store %arg5[%swap3A_802], %broadcast_in_dim3A_3 {strides = array<i32>} : memref<4096xf32, #tpu.memory_space<vmem>>, vector<16xf32>,
    }
    %scan3A_10 = arith.constant 256 : i32
    "tpu.region"() ({
      %run_scoped3A = tpu.sem_alloc : memref<!tpu.dma_semaphore, #tpu.memory_space<semaphore_mem>>
      tpu.enqueue_dma source(%arg2 : memref<16384xi32, #tpu.memory_space<hbm>>) target(%arg4 : memref<16384xi32, #tpu.memory_space<vmem>>) target_semaphore(%run_scoped3A : memref<!tpu.dma_semaphore, #tpu.memory_space<semaphore_mem>>)
      tpu.wait_dma2 semaphore(%run_scoped3A : memref<!tpu.dma_semaphore, #tpu.memory_space<semaphore_mem>>) src(%arg2 : memref<16384xi32, #tpu.memory_space<hbm>>) dst(%arg4 : memref<16384xi32, #tpu.memory_space<vmem>>)
      tpu.yield
    }) : () -> ()
    %scan3A_11 = arith.constant 0 : i32
    %scan3A_12 = arith.constant 0 : i32
    %scan3A_13 = arith.constant 1024 : i32
    %scan3A_14 = arith.addi %scan3A_12, %scan3A_13 : i32
    %scan3A_15 = arith.constant 1 : i32
    scf.for %scan3A_799 = %scan3A_12 to %scan3A_14 step %scan3A_15  : i32 {
      %mul3A_800 = arith.constant 16 : i32
      %mul3A_801 = arith.muli %scan3A_799, %mul3A_800 : i32
      %get3A_802 = arith.index_cast %mul3A_801 : i32 to index
      %get3A_803 = tpu.vector_load %arg4[%get3A_802] {strides = array<i32>} : memref<16384xi32, #tpu.memory_space<vmem>>, vector<16xi32>,
      %sub3A = vector.broadcast %mul3A_2 : i32 to vector<16xi32>
      %sub3A_804 = arith.subi %get3A_803, %sub3A : vector<16xi32>
      %ge3A = arith.constant 0 : i32
      %ge3A_805 = vector.broadcast %ge3A : i32 to vector<16xi32>
      %ge3A_806 = arith.cmpi sge, %sub3A_804, %ge3A_805 : vector<16xi32>
      %lt3A = arith.constant 256 : i32
      %lt3A_807 = vector.broadcast %lt3A : i32 to vector<16xi32>
      %lt3A_808 = arith.cmpi slt, %sub3A_804, %lt3A_807 : vector<16xi32>
      %and3A = arith.andi %ge3A_806, %lt3A_808 : vector<16xi1>
      %jit3A = arith.constant 0 : i32
      %broadcast_in_dim3A_809 = vector.broadcast %jit3A : i32 to vector<16xi32>
      %select_n3A = arith.select %and3A, %sub3A_804, %broadcast_in_dim3A_809 : vector<16xi1>, vector<16xi32>
      %mul3A_810 = arith.constant 256 : i32
      %mul3A_811 = vector.broadcast %mul3A_810 : i32 to vector<16xi32>
      %mul3A_812 = arith.muli %iota3A, %mul3A_811 : vector<16xi32>
      %add3A_813 = arith.addi %mul3A_812, %select_n3A : vector<16xi32>
      tpu.vector_store_idx %arg5[%add3A_813], %broadcast_in_dim3A_5 masked %and3A {add = true} : memref<4096xf32, #tpu.memory_space<vmem>>[vector<16xi32>], vector<16xf32>, vector<16xi1>
    }
    %scan3A_16 = arith.constant 1024 : i32
    %get3A = arith.constant 0 : index
    %get3A_17 = tpu.vector_load %arg5[%get3A] {strides = array<i32>} : memref<4096xf32, #tpu.memory_space<vmem>>, vector<16xf32>,
    %get3A_18 = arith.constant 256 : index
    %get3A_19 = tpu.vector_load %arg5[%get3A_18] {strides = array<i32>} : memref<4096xf32, #tpu.memory_space<vmem>>, vector<16xf32>,
    %add3A_20 = arith.addf %get3A_17, %get3A_19 : vector<16xf32>
    %get3A_21 = arith.constant 512 : index
    %get3A_22 = tpu.vector_load %arg5[%get3A_21] {strides = array<i32>} : memref<4096xf32, #tpu.memory_space<vmem>>, vector<16xf32>,
    %add3A_23 = arith.addf %add3A_20, %get3A_22 : vector<16xf32>
    %get3A_24 = arith.constant 768 : index
    %get3A_25 = tpu.vector_load %arg5[%get3A_24] {strides = array<i32>} : memref<4096xf32, #tpu.memory_space<vmem>>, vector<16xf32>,
    %add3A_26 = arith.addf %add3A_23, %get3A_25 : vector<16xf32>
    %get3A_27 = arith.constant 1024 : index
    %get3A_28 = tpu.vector_load %arg5[%get3A_27] {strides = array<i32>} : memref<4096xf32, #tpu.memory_space<vmem>>, vector<16xf32>,
    %add3A_29 = arith.addf %add3A_26, %get3A_28 : vector<16xf32>
    %get3A_30 = arith.constant 1280 : index
    %get3A_31 = tpu.vector_load %arg5[%get3A_30] {strides = array<i32>} : memref<4096xf32, #tpu.memory_space<vmem>>, vector<16xf32>,
    %add3A_32 = arith.addf %add3A_29, %get3A_31 : vector<16xf32>
    %get3A_33 = arith.constant 1536 : index
    %get3A_34 = tpu.vector_load %arg5[%get3A_33] {strides = array<i32>} : memref<4096xf32, #tpu.memory_space<vmem>>, vector<16xf32>,
    %add3A_35 = arith.addf %add3A_32, %get3A_34 : vector<16xf32>
    %get3A_36 = arith.constant 1792 : index
    %get3A_37 = tpu.vector_load %arg5[%get3A_36] {strides = array<i32>} : memref<4096xf32, #tpu.memory_space<vmem>>, vector<16xf32>,
    %add3A_38 = arith.addf %add3A_35, %get3A_37 : vector<16xf32>
    %get3A_39 = arith.constant 2048 : index
    %get3A_40 = tpu.vector_load %arg5[%get3A_39] {strides = array<i32>} : memref<4096xf32, #tpu.memory_space<vmem>>, vector<16xf32>,
    %add3A_41 = arith.addf %add3A_38, %get3A_40 : vector<16xf32>
    %get3A_42 = arith.constant 2304 : index
    %get3A_43 = tpu.vector_load %arg5[%get3A_42] {strides = array<i32>} : memref<4096xf32, #tpu.memory_space<vmem>>, vector<16xf32>,
    %add3A_44 = arith.addf %add3A_41, %get3A_43 : vector<16xf32>
    %get3A_45 = arith.constant 2560 : index
    %get3A_46 = tpu.vector_load %arg5[%get3A_45] {strides = array<i32>} : memref<4096xf32, #tpu.memory_space<vmem>>, vector<16xf32>,
    %add3A_47 = arith.addf %add3A_44, %get3A_46 : vector<16xf32>
    %get3A_48 = arith.constant 2816 : index
    %get3A_49 = tpu.vector_load %arg5[%get3A_48] {strides = array<i32>} : memref<4096xf32, #tpu.memory_space<vmem>>, vector<16xf32>,
    %add3A_50 = arith.addf %add3A_47, %get3A_49 : vector<16xf32>
    %get3A_51 = arith.constant 3072 : index
    %get3A_52 = tpu.vector_load %arg5[%get3A_51] {strides = array<i32>} : memref<4096xf32, #tpu.memory_space<vmem>>, vector<16xf32>,
    %add3A_53 = arith.addf %add3A_50, %get3A_52 : vector<16xf32>
    %get3A_54 = arith.constant 3328 : index
    %get3A_55 = tpu.vector_load %arg5[%get3A_54] {strides = array<i32>} : memref<4096xf32, #tpu.memory_space<vmem>>, vector<16xf32>,
    %add3A_56 = arith.addf %add3A_53, %get3A_55 : vector<16xf32>
    %get3A_57 = arith.constant 3584 : index
    %get3A_58 = tpu.vector_load %arg5[%get3A_57] {strides = array<i32>} : memref<4096xf32, #tpu.memory_space<vmem>>, vector<16xf32>,
    %add3A_59 = arith.addf %add3A_56, %get3A_58 : vector<16xf32>
    %get3A_60 = arith.constant 3840 : index
    %get3A_61 = tpu.vector_load %arg5[%get3A_60] {strides = array<i32>} : memref<4096xf32, #tpu.memory_space<vmem>>, vector<16xf32>,
    %add3A_62 = arith.addf %add3A_59, %get3A_61 : vector<16xf32>
    %swap3A = arith.constant 0 : index
    %swap3A_63 = tpu.vector_load %arg6[%swap3A] {strides = array<i32>} : memref<256xf32, #tpu.memory_space<vmem>>, vector<16xf32>,
    tpu.vector_store %arg6[%swap3A], %add3A_62 {strides = array<i32>} : memref<256xf32, #tpu.memory_space<vmem>>, vector<16xf32>,
    %get3A_64 = arith.constant 16 : index
    %get3A_65 = tpu.vector_load %arg5[%get3A_64] {strides = array<i32>} : memref<4096xf32, #tpu.memory_space<vmem>>, vector<16xf32>,
    %get3A_66 = arith.constant 272 : index
    %get3A_67 = tpu.vector_load %arg5[%get3A_66] {strides = array<i32>} : memref<4096xf32, #tpu.memory_space<vmem>>, vector<16xf32>,
    %add3A_68 = arith.addf %get3A_65, %get3A_67 : vector<16xf32>
    %get3A_69 = arith.constant 528 : index
    %get3A_70 = tpu.vector_load %arg5[%get3A_69] {strides = array<i32>} : memref<4096xf32, #tpu.memory_space<vmem>>, vector<16xf32>,
    %add3A_71 = arith.addf %add3A_68, %get3A_70 : vector<16xf32>
    %get3A_72 = arith.constant 784 : index
    %get3A_73 = tpu.vector_load %arg5[%get3A_72] {strides = array<i32>} : memref<4096xf32, #tpu.memory_space<vmem>>, vector<16xf32>,
    %add3A_74 = arith.addf %add3A_71, %get3A_73 : vector<16xf32>
    %get3A_75 = arith.constant 1040 : index
    %get3A_76 = tpu.vector_load %arg5[%get3A_75] {strides = array<i32>} : memref<4096xf32, #tpu.memory_space<vmem>>, vector<16xf32>,
    %add3A_77 = arith.addf %add3A_74, %get3A_76 : vector<16xf32>
    %get3A_78 = arith.constant 1296 : index
    %get3A_79 = tpu.vector_load %arg5[%get3A_78] {strides = array<i32>} : memref<4096xf32, #tpu.memory_space<vmem>>, vector<16xf32>,
    %add3A_80 = arith.addf %add3A_77, %get3A_79 : vector<16xf32>
    %get3A_81 = arith.constant 1552 : index
    %get3A_82 = tpu.vector_load %arg5[%get3A_81] {strides = array<i32>} : memref<4096xf32, #tpu.memory_space<vmem>>, vector<16xf32>,
    %add3A_83 = arith.addf %add3A_80, %get3A_82 : vector<16xf32>
    %get3A_84 = arith.constant 1808 : index
    %get3A_85 = tpu.vector_load %arg5[%get3A_84] {strides = array<i32>} : memref<4096xf32, #tpu.memory_space<vmem>>, vector<16xf32>,
    %add3A_86 = arith.addf %add3A_83, %get3A_85 : vector<16xf32>
    %get3A_87 = arith.constant 2064 : index
    %get3A_88 = tpu.vector_load %arg5[%get3A_87] {strides = array<i32>} : memref<4096xf32, #tpu.memory_space<vmem>>, vector<16xf32>,
    %add3A_89 = arith.addf %add3A_86, %get3A_88 : vector<16xf32>
    %get3A_90 = arith.constant 2320 : index
    %get3A_91 = tpu.vector_load %arg5[%get3A_90] {strides = array<i32>} : memref<4096xf32, #tpu.memory_space<vmem>>, vector<16xf32>,
    %add3A_92 = arith.addf %add3A_89, %get3A_91 : vector<16xf32>
    %get3A_93 = arith.constant 2576 : index
    %get3A_94 = tpu.vector_load %arg5[%get3A_93] {strides = array<i32>} : memref<4096xf32, #tpu.memory_space<vmem>>, vector<16xf32>,
    %add3A_95 = arith.addf %add3A_92, %get3A_94 : vector<16xf32>
    %get3A_96 = arith.constant 2832 : index
    %get3A_97 = tpu.vector_load %arg5[%get3A_96] {strides = array<i32>} : memref<4096xf32, #tpu.memory_space<vmem>>, vector<16xf32>,
    %add3A_98 = arith.addf %add3A_95, %get3A_97 : vector<16xf32>
    %get3A_99 = arith.constant 3088 : index
    %get3A_100 = tpu.vector_load %arg5[%get3A_99] {strides = array<i32>} : memref<4096xf32, #tpu.memory_space<vmem>>, vector<16xf32>,
    %add3A_101 = arith.addf %add3A_98, %get3A_100 : vector<16xf32>
    %get3A_102 = arith.constant 3344 : index
    %get3A_103 = tpu.vector_load %arg5[%get3A_102] {strides = array<i32>} : memref<4096xf32, #tpu.memory_space<vmem>>, vector<16xf32>,
    %add3A_104 = arith.addf %add3A_101, %get3A_103 : vector<16xf32>
    %get3A_105 = arith.constant 3600 : index
    %get3A_106 = tpu.vector_load %arg5[%get3A_105] {strides = array<i32>} : memref<4096xf32, #tpu.memory_space<vmem>>, vector<16xf32>,
    %add3A_107 = arith.addf %add3A_104, %get3A_106 : vector<16xf32>
    %get3A_108 = arith.constant 3856 : index
    %get3A_109 = tpu.vector_load %arg5[%get3A_108] {strides = array<i32>} : memref<4096xf32, #tpu.memory_space<vmem>>, vector<16xf32>,
    %add3A_110 = arith.addf %add3A_107, %get3A_109 : vector<16xf32>
    %swap3A_111 = arith.constant 16 : index
    %swap3A_112 = tpu.vector_load %arg6[%swap3A_111] {strides = array<i32>} : memref<256xf32, #tpu.memory_space<vmem>>, vector<16xf32>,
    tpu.vector_store %arg6[%swap3A_111], %add3A_110 {strides = array<i32>} : memref<256xf32, #tpu.memory_space<vmem>>, vector<16xf32>,
    %get3A_113 = arith.constant 32 : index
    %get3A_114 = tpu.vector_load %arg5[%get3A_113] {strides = array<i32>} : memref<4096xf32, #tpu.memory_space<vmem>>, vector<16xf32>,
    %get3A_115 = arith.constant 288 : index
    %get3A_116 = tpu.vector_load %arg5[%get3A_115] {strides = array<i32>} : memref<4096xf32, #tpu.memory_space<vmem>>, vector<16xf32>,
    %add3A_117 = arith.addf %get3A_114, %get3A_116 : vector<16xf32>
    %get3A_118 = arith.constant 544 : index
    %get3A_119 = tpu.vector_load %arg5[%get3A_118] {strides = array<i32>} : memref<4096xf32, #tpu.memory_space<vmem>>, vector<16xf32>,
    %add3A_120 = arith.addf %add3A_117, %get3A_119 : vector<16xf32>
    %get3A_121 = arith.constant 800 : index
    %get3A_122 = tpu.vector_load %arg5[%get3A_121] {strides = array<i32>} : memref<4096xf32, #tpu.memory_space<vmem>>, vector<16xf32>,
    %add3A_123 = arith.addf %add3A_120, %get3A_122 : vector<16xf32>
    %get3A_124 = arith.constant 1056 : index
    %get3A_125 = tpu.vector_load %arg5[%get3A_124] {strides = array<i32>} : memref<4096xf32, #tpu.memory_space<vmem>>, vector<16xf32>,
    %add3A_126 = arith.addf %add3A_123, %get3A_125 : vector<16xf32>
    %get3A_127 = arith.constant 1312 : index
    %get3A_128 = tpu.vector_load %arg5[%get3A_127] {strides = array<i32>} : memref<4096xf32, #tpu.memory_space<vmem>>, vector<16xf32>,
    %add3A_129 = arith.addf %add3A_126, %get3A_128 : vector<16xf32>
    %get3A_130 = arith.constant 1568 : index
    %get3A_131 = tpu.vector_load %arg5[%get3A_130] {strides = array<i32>} : memref<4096xf32, #tpu.memory_space<vmem>>, vector<16xf32>,
    %add3A_132 = arith.addf %add3A_129, %get3A_131 : vector<16xf32>
    %get3A_133 = arith.constant 1824 : index
    %get3A_134 = tpu.vector_load %arg5[%get3A_133] {strides = array<i32>} : memref<4096xf32, #tpu.memory_space<vmem>>, vector<16xf32>,
    %add3A_135 = arith.addf %add3A_132, %get3A_134 : vector<16xf32>
    %get3A_136 = arith.constant 2080 : index
    %get3A_137 = tpu.vector_load %arg5[%get3A_136] {strides = array<i32>} : memref<4096xf32, #tpu.memory_space<vmem>>, vector<16xf32>,
    %add3A_138 = arith.addf %add3A_135, %get3A_137 : vector<16xf32>
    %get3A_139 = arith.constant 2336 : index
    %get3A_140 = tpu.vector_load %arg5[%get3A_139] {strides = array<i32>} : memref<4096xf32, #tpu.memory_space<vmem>>, vector<16xf32>,
    %add3A_141 = arith.addf %add3A_138, %get3A_140 : vector<16xf32>
    %get3A_142 = arith.constant 2592 : index
    %get3A_143 = tpu.vector_load %arg5[%get3A_142] {strides = array<i32>} : memref<4096xf32, #tpu.memory_space<vmem>>, vector<16xf32>,
    %add3A_144 = arith.addf %add3A_141, %get3A_143 : vector<16xf32>
    %get3A_145 = arith.constant 2848 : index
    %get3A_146 = tpu.vector_load %arg5[%get3A_145] {strides = array<i32>} : memref<4096xf32, #tpu.memory_space<vmem>>, vector<16xf32>,
    %add3A_147 = arith.addf %add3A_144, %get3A_146 : vector<16xf32>
    %get3A_148 = arith.constant 3104 : index
    %get3A_149 = tpu.vector_load %arg5[%get3A_148] {strides = array<i32>} : memref<4096xf32, #tpu.memory_space<vmem>>, vector<16xf32>,
    %add3A_150 = arith.addf %add3A_147, %get3A_149 : vector<16xf32>
    %get3A_151 = arith.constant 3360 : index
    %get3A_152 = tpu.vector_load %arg5[%get3A_151] {strides = array<i32>} : memref<4096xf32, #tpu.memory_space<vmem>>, vector<16xf32>,
    %add3A_153 = arith.addf %add3A_150, %get3A_152 : vector<16xf32>
    %get3A_154 = arith.constant 3616 : index
    %get3A_155 = tpu.vector_load %arg5[%get3A_154] {strides = array<i32>} : memref<4096xf32, #tpu.memory_space<vmem>>, vector<16xf32>,
    %add3A_156 = arith.addf %add3A_153, %get3A_155 : vector<16xf32>
    %get3A_157 = arith.constant 3872 : index
    %get3A_158 = tpu.vector_load %arg5[%get3A_157] {strides = array<i32>} : memref<4096xf32, #tpu.memory_space<vmem>>, vector<16xf32>,
    %add3A_159 = arith.addf %add3A_156, %get3A_158 : vector<16xf32>
    %swap3A_160 = arith.constant 32 : index
    %swap3A_161 = tpu.vector_load %arg6[%swap3A_160] {strides = array<i32>} : memref<256xf32, #tpu.memory_space<vmem>>, vector<16xf32>,
    tpu.vector_store %arg6[%swap3A_160], %add3A_159 {strides = array<i32>} : memref<256xf32, #tpu.memory_space<vmem>>, vector<16xf32>,
    %get3A_162 = arith.constant 48 : index
    %get3A_163 = tpu.vector_load %arg5[%get3A_162] {strides = array<i32>} : memref<4096xf32, #tpu.memory_space<vmem>>, vector<16xf32>,
    %get3A_164 = arith.constant 304 : index
    %get3A_165 = tpu.vector_load %arg5[%get3A_164] {strides = array<i32>} : memref<4096xf32, #tpu.memory_space<vmem>>, vector<16xf32>,
    %add3A_166 = arith.addf %get3A_163, %get3A_165 : vector<16xf32>
    %get3A_167 = arith.constant 560 : index
    %get3A_168 = tpu.vector_load %arg5[%get3A_167] {strides = array<i32>} : memref<4096xf32, #tpu.memory_space<vmem>>, vector<16xf32>,
    %add3A_169 = arith.addf %add3A_166, %get3A_168 : vector<16xf32>
    %get3A_170 = arith.constant 816 : index
    %get3A_171 = tpu.vector_load %arg5[%get3A_170] {strides = array<i32>} : memref<4096xf32, #tpu.memory_space<vmem>>, vector<16xf32>,
    %add3A_172 = arith.addf %add3A_169, %get3A_171 : vector<16xf32>
    %get3A_173 = arith.constant 1072 : index
    %get3A_174 = tpu.vector_load %arg5[%get3A_173] {strides = array<i32>} : memref<4096xf32, #tpu.memory_space<vmem>>, vector<16xf32>,
    %add3A_175 = arith.addf %add3A_172, %get3A_174 : vector<16xf32>
    %get3A_176 = arith.constant 1328 : index
    %get3A_177 = tpu.vector_load %arg5[%get3A_176] {strides = array<i32>} : memref<4096xf32, #tpu.memory_space<vmem>>, vector<16xf32>,
    %add3A_178 = arith.addf %add3A_175, %get3A_177 : vector<16xf32>
    %get3A_179 = arith.constant 1584 : index
    %get3A_180 = tpu.vector_load %arg5[%get3A_179] {strides = array<i32>} : memref<4096xf32, #tpu.memory_space<vmem>>, vector<16xf32>,
    %add3A_181 = arith.addf %add3A_178, %get3A_180 : vector<16xf32>
    %get3A_182 = arith.constant 1840 : index
    %get3A_183 = tpu.vector_load %arg5[%get3A_182] {strides = array<i32>} : memref<4096xf32, #tpu.memory_space<vmem>>, vector<16xf32>,
    %add3A_184 = arith.addf %add3A_181, %get3A_183 : vector<16xf32>
    %get3A_185 = arith.constant 2096 : index
    %get3A_186 = tpu.vector_load %arg5[%get3A_185] {strides = array<i32>} : memref<4096xf32, #tpu.memory_space<vmem>>, vector<16xf32>,
    %add3A_187 = arith.addf %add3A_184, %get3A_186 : vector<16xf32>
    %get3A_188 = arith.constant 2352 : index
    %get3A_189 = tpu.vector_load %arg5[%get3A_188] {strides = array<i32>} : memref<4096xf32, #tpu.memory_space<vmem>>, vector<16xf32>,
    %add3A_190 = arith.addf %add3A_187, %get3A_189 : vector<16xf32>
    %get3A_191 = arith.constant 2608 : index
    %get3A_192 = tpu.vector_load %arg5[%get3A_191] {strides = array<i32>} : memref<4096xf32, #tpu.memory_space<vmem>>, vector<16xf32>,
    %add3A_193 = arith.addf %add3A_190, %get3A_192 : vector<16xf32>
    %get3A_194 = arith.constant 2864 : index
    %get3A_195 = tpu.vector_load %arg5[%get3A_194] {strides = array<i32>} : memref<4096xf32, #tpu.memory_space<vmem>>, vector<16xf32>,
    %add3A_196 = arith.addf %add3A_193, %get3A_195 : vector<16xf32>
    %get3A_197 = arith.constant 3120 : index
    %get3A_198 = tpu.vector_load %arg5[%get3A_197] {strides = array<i32>} : memref<4096xf32, #tpu.memory_space<vmem>>, vector<16xf32>,
    %add3A_199 = arith.addf %add3A_196, %get3A_198 : vector<16xf32>
    %get3A_200 = arith.constant 3376 : index
    %get3A_201 = tpu.vector_load %arg5[%get3A_200] {strides = array<i32>} : memref<4096xf32, #tpu.memory_space<vmem>>, vector<16xf32>,
    %add3A_202 = arith.addf %add3A_199, %get3A_201 : vector<16xf32>
    %get3A_203 = arith.constant 3632 : index
    %get3A_204 = tpu.vector_load %arg5[%get3A_203] {strides = array<i32>} : memref<4096xf32, #tpu.memory_space<vmem>>, vector<16xf32>,
    %add3A_205 = arith.addf %add3A_202, %get3A_204 : vector<16xf32>
    %get3A_206 = arith.constant 3888 : index
    %get3A_207 = tpu.vector_load %arg5[%get3A_206] {strides = array<i32>} : memref<4096xf32, #tpu.memory_space<vmem>>, vector<16xf32>,
    %add3A_208 = arith.addf %add3A_205, %get3A_207 : vector<16xf32>
    %swap3A_209 = arith.constant 48 : index
    %swap3A_210 = tpu.vector_load %arg6[%swap3A_209] {strides = array<i32>} : memref<256xf32, #tpu.memory_space<vmem>>, vector<16xf32>,
    tpu.vector_store %arg6[%swap3A_209], %add3A_208 {strides = array<i32>} : memref<256xf32, #tpu.memory_space<vmem>>, vector<16xf32>,
    %get3A_211 = arith.constant 64 : index
    %get3A_212 = tpu.vector_load %arg5[%get3A_211] {strides = array<i32>} : memref<4096xf32, #tpu.memory_space<vmem>>, vector<16xf32>,
    %get3A_213 = arith.constant 320 : index
    %get3A_214 = tpu.vector_load %arg5[%get3A_213] {strides = array<i32>} : memref<4096xf32, #tpu.memory_space<vmem>>, vector<16xf32>,
    %add3A_215 = arith.addf %get3A_212, %get3A_214 : vector<16xf32>
    %get3A_216 = arith.constant 576 : index
    %get3A_217 = tpu.vector_load %arg5[%get3A_216] {strides = array<i32>} : memref<4096xf32, #tpu.memory_space<vmem>>, vector<16xf32>,
    %add3A_218 = arith.addf %add3A_215, %get3A_217 : vector<16xf32>
    %get3A_219 = arith.constant 832 : index
    %get3A_220 = tpu.vector_load %arg5[%get3A_219] {strides = array<i32>} : memref<4096xf32, #tpu.memory_space<vmem>>, vector<16xf32>,
    %add3A_221 = arith.addf %add3A_218, %get3A_220 : vector<16xf32>
    %get3A_222 = arith.constant 1088 : index
    %get3A_223 = tpu.vector_load %arg5[%get3A_222] {strides = array<i32>} : memref<4096xf32, #tpu.memory_space<vmem>>, vector<16xf32>,
    %add3A_224 = arith.addf %add3A_221, %get3A_223 : vector<16xf32>
    %get3A_225 = arith.constant 1344 : index
    %get3A_226 = tpu.vector_load %arg5[%get3A_225] {strides = array<i32>} : memref<4096xf32, #tpu.memory_space<vmem>>, vector<16xf32>,
    %add3A_227 = arith.addf %add3A_224, %get3A_226 : vector<16xf32>
    %get3A_228 = arith.constant 1600 : index
    %get3A_229 = tpu.vector_load %arg5[%get3A_228] {strides = array<i32>} : memref<4096xf32, #tpu.memory_space<vmem>>, vector<16xf32>,
    %add3A_230 = arith.addf %add3A_227, %get3A_229 : vector<16xf32>
    %get3A_231 = arith.constant 1856 : index
    %get3A_232 = tpu.vector_load %arg5[%get3A_231] {strides = array<i32>} : memref<4096xf32, #tpu.memory_space<vmem>>, vector<16xf32>,
    %add3A_233 = arith.addf %add3A_230, %get3A_232 : vector<16xf32>
    %get3A_234 = arith.constant 2112 : index
    %get3A_235 = tpu.vector_load %arg5[%get3A_234] {strides = array<i32>} : memref<4096xf32, #tpu.memory_space<vmem>>, vector<16xf32>,
    %add3A_236 = arith.addf %add3A_233, %get3A_235 : vector<16xf32>
    %get3A_237 = arith.constant 2368 : index
    %get3A_238 = tpu.vector_load %arg5[%get3A_237] {strides = array<i32>} : memref<4096xf32, #tpu.memory_space<vmem>>, vector<16xf32>,
    %add3A_239 = arith.addf %add3A_236, %get3A_238 : vector<16xf32>
    %get3A_240 = arith.constant 2624 : index
    %get3A_241 = tpu.vector_load %arg5[%get3A_240] {strides = array<i32>} : memref<4096xf32, #tpu.memory_space<vmem>>, vector<16xf32>,
    %add3A_242 = arith.addf %add3A_239, %get3A_241 : vector<16xf32>
    %get3A_243 = arith.constant 2880 : index
    %get3A_244 = tpu.vector_load %arg5[%get3A_243] {strides = array<i32>} : memref<4096xf32, #tpu.memory_space<vmem>>, vector<16xf32>,
    %add3A_245 = arith.addf %add3A_242, %get3A_244 : vector<16xf32>
    %get3A_246 = arith.constant 3136 : index
    %get3A_247 = tpu.vector_load %arg5[%get3A_246] {strides = array<i32>} : memref<4096xf32, #tpu.memory_space<vmem>>, vector<16xf32>,
    %add3A_248 = arith.addf %add3A_245, %get3A_247 : vector<16xf32>
    %get3A_249 = arith.constant 3392 : index
    %get3A_250 = tpu.vector_load %arg5[%get3A_249] {strides = array<i32>} : memref<4096xf32, #tpu.memory_space<vmem>>, vector<16xf32>,
    %add3A_251 = arith.addf %add3A_248, %get3A_250 : vector<16xf32>
    %get3A_252 = arith.constant 3648 : index
    %get3A_253 = tpu.vector_load %arg5[%get3A_252] {strides = array<i32>} : memref<4096xf32, #tpu.memory_space<vmem>>, vector<16xf32>,
    %add3A_254 = arith.addf %add3A_251, %get3A_253 : vector<16xf32>
    %get3A_255 = arith.constant 3904 : index
    %get3A_256 = tpu.vector_load %arg5[%get3A_255] {strides = array<i32>} : memref<4096xf32, #tpu.memory_space<vmem>>, vector<16xf32>,
    %add3A_257 = arith.addf %add3A_254, %get3A_256 : vector<16xf32>
    %swap3A_258 = arith.constant 64 : index
    %swap3A_259 = tpu.vector_load %arg6[%swap3A_258] {strides = array<i32>} : memref<256xf32, #tpu.memory_space<vmem>>, vector<16xf32>,
    tpu.vector_store %arg6[%swap3A_258], %add3A_257 {strides = array<i32>} : memref<256xf32, #tpu.memory_space<vmem>>, vector<16xf32>,
    %get3A_260 = arith.constant 80 : index
    %get3A_261 = tpu.vector_load %arg5[%get3A_260] {strides = array<i32>} : memref<4096xf32, #tpu.memory_space<vmem>>, vector<16xf32>,
    %get3A_262 = arith.constant 336 : index
    %get3A_263 = tpu.vector_load %arg5[%get3A_262] {strides = array<i32>} : memref<4096xf32, #tpu.memory_space<vmem>>, vector<16xf32>,
    %add3A_264 = arith.addf %get3A_261, %get3A_263 : vector<16xf32>
    %get3A_265 = arith.constant 592 : index
    %get3A_266 = tpu.vector_load %arg5[%get3A_265] {strides = array<i32>} : memref<4096xf32, #tpu.memory_space<vmem>>, vector<16xf32>,
    %add3A_267 = arith.addf %add3A_264, %get3A_266 : vector<16xf32>
    %get3A_268 = arith.constant 848 : index
    %get3A_269 = tpu.vector_load %arg5[%get3A_268] {strides = array<i32>} : memref<4096xf32, #tpu.memory_space<vmem>>, vector<16xf32>,
    %add3A_270 = arith.addf %add3A_267, %get3A_269 : vector<16xf32>
    %get3A_271 = arith.constant 1104 : index
    %get3A_272 = tpu.vector_load %arg5[%get3A_271] {strides = array<i32>} : memref<4096xf32, #tpu.memory_space<vmem>>, vector<16xf32>,
    %add3A_273 = arith.addf %add3A_270, %get3A_272 : vector<16xf32>
    %get3A_274 = arith.constant 1360 : index
    %get3A_275 = tpu.vector_load %arg5[%get3A_274] {strides = array<i32>} : memref<4096xf32, #tpu.memory_space<vmem>>, vector<16xf32>,
    %add3A_276 = arith.addf %add3A_273, %get3A_275 : vector<16xf32>
    %get3A_277 = arith.constant 1616 : index
    %get3A_278 = tpu.vector_load %arg5[%get3A_277] {strides = array<i32>} : memref<4096xf32, #tpu.memory_space<vmem>>, vector<16xf32>,
    %add3A_279 = arith.addf %add3A_276, %get3A_278 : vector<16xf32>
    %get3A_280 = arith.constant 1872 : index
    %get3A_281 = tpu.vector_load %arg5[%get3A_280] {strides = array<i32>} : memref<4096xf32, #tpu.memory_space<vmem>>, vector<16xf32>,
    %add3A_282 = arith.addf %add3A_279, %get3A_281 : vector<16xf32>
    %get3A_283 = arith.constant 2128 : index
    %get3A_284 = tpu.vector_load %arg5[%get3A_283] {strides = array<i32>} : memref<4096xf32, #tpu.memory_space<vmem>>, vector<16xf32>,
    %add3A_285 = arith.addf %add3A_282, %get3A_284 : vector<16xf32>
    %get3A_286 = arith.constant 2384 : index
    %get3A_287 = tpu.vector_load %arg5[%get3A_286] {strides = array<i32>} : memref<4096xf32, #tpu.memory_space<vmem>>, vector<16xf32>,
    %add3A_288 = arith.addf %add3A_285, %get3A_287 : vector<16xf32>
    %get3A_289 = arith.constant 2640 : index
    %get3A_290 = tpu.vector_load %arg5[%get3A_289] {strides = array<i32>} : memref<4096xf32, #tpu.memory_space<vmem>>, vector<16xf32>,
    %add3A_291 = arith.addf %add3A_288, %get3A_290 : vector<16xf32>
    %get3A_292 = arith.constant 2896 : index
    %get3A_293 = tpu.vector_load %arg5[%get3A_292] {strides = array<i32>} : memref<4096xf32, #tpu.memory_space<vmem>>, vector<16xf32>,
    %add3A_294 = arith.addf %add3A_291, %get3A_293 : vector<16xf32>
    %get3A_295 = arith.constant 3152 : index
    %get3A_296 = tpu.vector_load %arg5[%get3A_295] {strides = array<i32>} : memref<4096xf32, #tpu.memory_space<vmem>>, vector<16xf32>,
    %add3A_297 = arith.addf %add3A_294, %get3A_296 : vector<16xf32>
    %get3A_298 = arith.constant 3408 : index
    %get3A_299 = tpu.vector_load %arg5[%get3A_298] {strides = array<i32>} : memref<4096xf32, #tpu.memory_space<vmem>>, vector<16xf32>,
    %add3A_300 = arith.addf %add3A_297, %get3A_299 : vector<16xf32>
    %get3A_301 = arith.constant 3664 : index
    %get3A_302 = tpu.vector_load %arg5[%get3A_301] {strides = array<i32>} : memref<4096xf32, #tpu.memory_space<vmem>>, vector<16xf32>,
    %add3A_303 = arith.addf %add3A_300, %get3A_302 : vector<16xf32>
    %get3A_304 = arith.constant 3920 : index
    %get3A_305 = tpu.vector_load %arg5[%get3A_304] {strides = array<i32>} : memref<4096xf32, #tpu.memory_space<vmem>>, vector<16xf32>,
    %add3A_306 = arith.addf %add3A_303, %get3A_305 : vector<16xf32>
    %swap3A_307 = arith.constant 80 : index
    %swap3A_308 = tpu.vector_load %arg6[%swap3A_307] {strides = array<i32>} : memref<256xf32, #tpu.memory_space<vmem>>, vector<16xf32>,
    tpu.vector_store %arg6[%swap3A_307], %add3A_306 {strides = array<i32>} : memref<256xf32, #tpu.memory_space<vmem>>, vector<16xf32>,
    %get3A_309 = arith.constant 96 : index
    %get3A_310 = tpu.vector_load %arg5[%get3A_309] {strides = array<i32>} : memref<4096xf32, #tpu.memory_space<vmem>>, vector<16xf32>,
    %get3A_311 = arith.constant 352 : index
    %get3A_312 = tpu.vector_load %arg5[%get3A_311] {strides = array<i32>} : memref<4096xf32, #tpu.memory_space<vmem>>, vector<16xf32>,
    %add3A_313 = arith.addf %get3A_310, %get3A_312 : vector<16xf32>
    %get3A_314 = arith.constant 608 : index
    %get3A_315 = tpu.vector_load %arg5[%get3A_314] {strides = array<i32>} : memref<4096xf32, #tpu.memory_space<vmem>>, vector<16xf32>,
    %add3A_316 = arith.addf %add3A_313, %get3A_315 : vector<16xf32>
    %get3A_317 = arith.constant 864 : index
    %get3A_318 = tpu.vector_load %arg5[%get3A_317] {strides = array<i32>} : memref<4096xf32, #tpu.memory_space<vmem>>, vector<16xf32>,
    %add3A_319 = arith.addf %add3A_316, %get3A_318 : vector<16xf32>
    %get3A_320 = arith.constant 1120 : index
    %get3A_321 = tpu.vector_load %arg5[%get3A_320] {strides = array<i32>} : memref<4096xf32, #tpu.memory_space<vmem>>, vector<16xf32>,
    %add3A_322 = arith.addf %add3A_319, %get3A_321 : vector<16xf32>
    %get3A_323 = arith.constant 1376 : index
    %get3A_324 = tpu.vector_load %arg5[%get3A_323] {strides = array<i32>} : memref<4096xf32, #tpu.memory_space<vmem>>, vector<16xf32>,
    %add3A_325 = arith.addf %add3A_322, %get3A_324 : vector<16xf32>
    %get3A_326 = arith.constant 1632 : index
    %get3A_327 = tpu.vector_load %arg5[%get3A_326] {strides = array<i32>} : memref<4096xf32, #tpu.memory_space<vmem>>, vector<16xf32>,
    %add3A_328 = arith.addf %add3A_325, %get3A_327 : vector<16xf32>
    %get3A_329 = arith.constant 1888 : index
    %get3A_330 = tpu.vector_load %arg5[%get3A_329] {strides = array<i32>} : memref<4096xf32, #tpu.memory_space<vmem>>, vector<16xf32>,
    %add3A_331 = arith.addf %add3A_328, %get3A_330 : vector<16xf32>
    %get3A_332 = arith.constant 2144 : index
    %get3A_333 = tpu.vector_load %arg5[%get3A_332] {strides = array<i32>} : memref<4096xf32, #tpu.memory_space<vmem>>, vector<16xf32>,
    %add3A_334 = arith.addf %add3A_331, %get3A_333 : vector<16xf32>
    %get3A_335 = arith.constant 2400 : index
    %get3A_336 = tpu.vector_load %arg5[%get3A_335] {strides = array<i32>} : memref<4096xf32, #tpu.memory_space<vmem>>, vector<16xf32>,
    %add3A_337 = arith.addf %add3A_334, %get3A_336 : vector<16xf32>
    %get3A_338 = arith.constant 2656 : index
    %get3A_339 = tpu.vector_load %arg5[%get3A_338] {strides = array<i32>} : memref<4096xf32, #tpu.memory_space<vmem>>, vector<16xf32>,
    %add3A_340 = arith.addf %add3A_337, %get3A_339 : vector<16xf32>
    %get3A_341 = arith.constant 2912 : index
    %get3A_342 = tpu.vector_load %arg5[%get3A_341] {strides = array<i32>} : memref<4096xf32, #tpu.memory_space<vmem>>, vector<16xf32>,
    %add3A_343 = arith.addf %add3A_340, %get3A_342 : vector<16xf32>
    %get3A_344 = arith.constant 3168 : index
    %get3A_345 = tpu.vector_load %arg5[%get3A_344] {strides = array<i32>} : memref<4096xf32, #tpu.memory_space<vmem>>, vector<16xf32>,
    %add3A_346 = arith.addf %add3A_343, %get3A_345 : vector<16xf32>
    %get3A_347 = arith.constant 3424 : index
    %get3A_348 = tpu.vector_load %arg5[%get3A_347] {strides = array<i32>} : memref<4096xf32, #tpu.memory_space<vmem>>, vector<16xf32>,
    %add3A_349 = arith.addf %add3A_346, %get3A_348 : vector<16xf32>
    %get3A_350 = arith.constant 3680 : index
    %get3A_351 = tpu.vector_load %arg5[%get3A_350] {strides = array<i32>} : memref<4096xf32, #tpu.memory_space<vmem>>, vector<16xf32>,
    %add3A_352 = arith.addf %add3A_349, %get3A_351 : vector<16xf32>
    %get3A_353 = arith.constant 3936 : index
    %get3A_354 = tpu.vector_load %arg5[%get3A_353] {strides = array<i32>} : memref<4096xf32, #tpu.memory_space<vmem>>, vector<16xf32>,
    %add3A_355 = arith.addf %add3A_352, %get3A_354 : vector<16xf32>
    %swap3A_356 = arith.constant 96 : index
    %swap3A_357 = tpu.vector_load %arg6[%swap3A_356] {strides = array<i32>} : memref<256xf32, #tpu.memory_space<vmem>>, vector<16xf32>,
    tpu.vector_store %arg6[%swap3A_356], %add3A_355 {strides = array<i32>} : memref<256xf32, #tpu.memory_space<vmem>>, vector<16xf32>,
    %get3A_358 = arith.constant 112 : index
    %get3A_359 = tpu.vector_load %arg5[%get3A_358] {strides = array<i32>} : memref<4096xf32, #tpu.memory_space<vmem>>, vector<16xf32>,
    %get3A_360 = arith.constant 368 : index
    %get3A_361 = tpu.vector_load %arg5[%get3A_360] {strides = array<i32>} : memref<4096xf32, #tpu.memory_space<vmem>>, vector<16xf32>,
    %add3A_362 = arith.addf %get3A_359, %get3A_361 : vector<16xf32>
    %get3A_363 = arith.constant 624 : index
    %get3A_364 = tpu.vector_load %arg5[%get3A_363] {strides = array<i32>} : memref<4096xf32, #tpu.memory_space<vmem>>, vector<16xf32>,
    %add3A_365 = arith.addf %add3A_362, %get3A_364 : vector<16xf32>
    %get3A_366 = arith.constant 880 : index
    %get3A_367 = tpu.vector_load %arg5[%get3A_366] {strides = array<i32>} : memref<4096xf32, #tpu.memory_space<vmem>>, vector<16xf32>,
    %add3A_368 = arith.addf %add3A_365, %get3A_367 : vector<16xf32>
    %get3A_369 = arith.constant 1136 : index
    %get3A_370 = tpu.vector_load %arg5[%get3A_369] {strides = array<i32>} : memref<4096xf32, #tpu.memory_space<vmem>>, vector<16xf32>,
    %add3A_371 = arith.addf %add3A_368, %get3A_370 : vector<16xf32>
    %get3A_372 = arith.constant 1392 : index
    %get3A_373 = tpu.vector_load %arg5[%get3A_372] {strides = array<i32>} : memref<4096xf32, #tpu.memory_space<vmem>>, vector<16xf32>,
    %add3A_374 = arith.addf %add3A_371, %get3A_373 : vector<16xf32>
    %get3A_375 = arith.constant 1648 : index
    %get3A_376 = tpu.vector_load %arg5[%get3A_375] {strides = array<i32>} : memref<4096xf32, #tpu.memory_space<vmem>>, vector<16xf32>,
    %add3A_377 = arith.addf %add3A_374, %get3A_376 : vector<16xf32>
    %get3A_378 = arith.constant 1904 : index
    %get3A_379 = tpu.vector_load %arg5[%get3A_378] {strides = array<i32>} : memref<4096xf32, #tpu.memory_space<vmem>>, vector<16xf32>,
    %add3A_380 = arith.addf %add3A_377, %get3A_379 : vector<16xf32>
    %get3A_381 = arith.constant 2160 : index
    %get3A_382 = tpu.vector_load %arg5[%get3A_381] {strides = array<i32>} : memref<4096xf32, #tpu.memory_space<vmem>>, vector<16xf32>,
    %add3A_383 = arith.addf %add3A_380, %get3A_382 : vector<16xf32>
    %get3A_384 = arith.constant 2416 : index
    %get3A_385 = tpu.vector_load %arg5[%get3A_384] {strides = array<i32>} : memref<4096xf32, #tpu.memory_space<vmem>>, vector<16xf32>,
    %add3A_386 = arith.addf %add3A_383, %get3A_385 : vector<16xf32>
    %get3A_387 = arith.constant 2672 : index
    %get3A_388 = tpu.vector_load %arg5[%get3A_387] {strides = array<i32>} : memref<4096xf32, #tpu.memory_space<vmem>>, vector<16xf32>,
    %add3A_389 = arith.addf %add3A_386, %get3A_388 : vector<16xf32>
    %get3A_390 = arith.constant 2928 : index
    %get3A_391 = tpu.vector_load %arg5[%get3A_390] {strides = array<i32>} : memref<4096xf32, #tpu.memory_space<vmem>>, vector<16xf32>,
    %add3A_392 = arith.addf %add3A_389, %get3A_391 : vector<16xf32>
    %get3A_393 = arith.constant 3184 : index
    %get3A_394 = tpu.vector_load %arg5[%get3A_393] {strides = array<i32>} : memref<4096xf32, #tpu.memory_space<vmem>>, vector<16xf32>,
    %add3A_395 = arith.addf %add3A_392, %get3A_394 : vector<16xf32>
    %get3A_396 = arith.constant 3440 : index
    %get3A_397 = tpu.vector_load %arg5[%get3A_396] {strides = array<i32>} : memref<4096xf32, #tpu.memory_space<vmem>>, vector<16xf32>,
    %add3A_398 = arith.addf %add3A_395, %get3A_397 : vector<16xf32>
    %get3A_399 = arith.constant 3696 : index
    %get3A_400 = tpu.vector_load %arg5[%get3A_399] {strides = array<i32>} : memref<4096xf32, #tpu.memory_space<vmem>>, vector<16xf32>,
    %add3A_401 = arith.addf %add3A_398, %get3A_400 : vector<16xf32>
    %get3A_402 = arith.constant 3952 : index
    %get3A_403 = tpu.vector_load %arg5[%get3A_402] {strides = array<i32>} : memref<4096xf32, #tpu.memory_space<vmem>>, vector<16xf32>,
    %add3A_404 = arith.addf %add3A_401, %get3A_403 : vector<16xf32>
    %swap3A_405 = arith.constant 112 : index
    %swap3A_406 = tpu.vector_load %arg6[%swap3A_405] {strides = array<i32>} : memref<256xf32, #tpu.memory_space<vmem>>, vector<16xf32>,
    tpu.vector_store %arg6[%swap3A_405], %add3A_404 {strides = array<i32>} : memref<256xf32, #tpu.memory_space<vmem>>, vector<16xf32>,
    %get3A_407 = arith.constant 128 : index
    %get3A_408 = tpu.vector_load %arg5[%get3A_407] {strides = array<i32>} : memref<4096xf32, #tpu.memory_space<vmem>>, vector<16xf32>,
    %get3A_409 = arith.constant 384 : index
    %get3A_410 = tpu.vector_load %arg5[%get3A_409] {strides = array<i32>} : memref<4096xf32, #tpu.memory_space<vmem>>, vector<16xf32>,
    %add3A_411 = arith.addf %get3A_408, %get3A_410 : vector<16xf32>
    %get3A_412 = arith.constant 640 : index
    %get3A_413 = tpu.vector_load %arg5[%get3A_412] {strides = array<i32>} : memref<4096xf32, #tpu.memory_space<vmem>>, vector<16xf32>,
    %add3A_414 = arith.addf %add3A_411, %get3A_413 : vector<16xf32>
    %get3A_415 = arith.constant 896 : index
    %get3A_416 = tpu.vector_load %arg5[%get3A_415] {strides = array<i32>} : memref<4096xf32, #tpu.memory_space<vmem>>, vector<16xf32>,
    %add3A_417 = arith.addf %add3A_414, %get3A_416 : vector<16xf32>
    %get3A_418 = arith.constant 1152 : index
    %get3A_419 = tpu.vector_load %arg5[%get3A_418] {strides = array<i32>} : memref<4096xf32, #tpu.memory_space<vmem>>, vector<16xf32>,
    %add3A_420 = arith.addf %add3A_417, %get3A_419 : vector<16xf32>
    %get3A_421 = arith.constant 1408 : index
    %get3A_422 = tpu.vector_load %arg5[%get3A_421] {strides = array<i32>} : memref<4096xf32, #tpu.memory_space<vmem>>, vector<16xf32>,
    %add3A_423 = arith.addf %add3A_420, %get3A_422 : vector<16xf32>
    %get3A_424 = arith.constant 1664 : index
    %get3A_425 = tpu.vector_load %arg5[%get3A_424] {strides = array<i32>} : memref<4096xf32, #tpu.memory_space<vmem>>, vector<16xf32>,
    %add3A_426 = arith.addf %add3A_423, %get3A_425 : vector<16xf32>
    %get3A_427 = arith.constant 1920 : index
    %get3A_428 = tpu.vector_load %arg5[%get3A_427] {strides = array<i32>} : memref<4096xf32, #tpu.memory_space<vmem>>, vector<16xf32>,
    %add3A_429 = arith.addf %add3A_426, %get3A_428 : vector<16xf32>
    %get3A_430 = arith.constant 2176 : index
    %get3A_431 = tpu.vector_load %arg5[%get3A_430] {strides = array<i32>} : memref<4096xf32, #tpu.memory_space<vmem>>, vector<16xf32>,
    %add3A_432 = arith.addf %add3A_429, %get3A_431 : vector<16xf32>
    %get3A_433 = arith.constant 2432 : index
    %get3A_434 = tpu.vector_load %arg5[%get3A_433] {strides = array<i32>} : memref<4096xf32, #tpu.memory_space<vmem>>, vector<16xf32>,
    %add3A_435 = arith.addf %add3A_432, %get3A_434 : vector<16xf32>
    %get3A_436 = arith.constant 2688 : index
    %get3A_437 = tpu.vector_load %arg5[%get3A_436] {strides = array<i32>} : memref<4096xf32, #tpu.memory_space<vmem>>, vector<16xf32>,
    %add3A_438 = arith.addf %add3A_435, %get3A_437 : vector<16xf32>
    %get3A_439 = arith.constant 2944 : index
    %get3A_440 = tpu.vector_load %arg5[%get3A_439] {strides = array<i32>} : memref<4096xf32, #tpu.memory_space<vmem>>, vector<16xf32>,
    %add3A_441 = arith.addf %add3A_438, %get3A_440 : vector<16xf32>
    %get3A_442 = arith.constant 3200 : index
    %get3A_443 = tpu.vector_load %arg5[%get3A_442] {strides = array<i32>} : memref<4096xf32, #tpu.memory_space<vmem>>, vector<16xf32>,
    %add3A_444 = arith.addf %add3A_441, %get3A_443 : vector<16xf32>
    %get3A_445 = arith.constant 3456 : index
    %get3A_446 = tpu.vector_load %arg5[%get3A_445] {strides = array<i32>} : memref<4096xf32, #tpu.memory_space<vmem>>, vector<16xf32>,
    %add3A_447 = arith.addf %add3A_444, %get3A_446 : vector<16xf32>
    %get3A_448 = arith.constant 3712 : index
    %get3A_449 = tpu.vector_load %arg5[%get3A_448] {strides = array<i32>} : memref<4096xf32, #tpu.memory_space<vmem>>, vector<16xf32>,
    %add3A_450 = arith.addf %add3A_447, %get3A_449 : vector<16xf32>
    %get3A_451 = arith.constant 3968 : index
    %get3A_452 = tpu.vector_load %arg5[%get3A_451] {strides = array<i32>} : memref<4096xf32, #tpu.memory_space<vmem>>, vector<16xf32>,
    %add3A_453 = arith.addf %add3A_450, %get3A_452 : vector<16xf32>
    %swap3A_454 = arith.constant 128 : index
    %swap3A_455 = tpu.vector_load %arg6[%swap3A_454] {strides = array<i32>} : memref<256xf32, #tpu.memory_space<vmem>>, vector<16xf32>,
    tpu.vector_store %arg6[%swap3A_454], %add3A_453 {strides = array<i32>} : memref<256xf32, #tpu.memory_space<vmem>>, vector<16xf32>,
    %get3A_456 = arith.constant 144 : index
    %get3A_457 = tpu.vector_load %arg5[%get3A_456] {strides = array<i32>} : memref<4096xf32, #tpu.memory_space<vmem>>, vector<16xf32>,
    %get3A_458 = arith.constant 400 : index
    %get3A_459 = tpu.vector_load %arg5[%get3A_458] {strides = array<i32>} : memref<4096xf32, #tpu.memory_space<vmem>>, vector<16xf32>,
    %add3A_460 = arith.addf %get3A_457, %get3A_459 : vector<16xf32>
    %get3A_461 = arith.constant 656 : index
    %get3A_462 = tpu.vector_load %arg5[%get3A_461] {strides = array<i32>} : memref<4096xf32, #tpu.memory_space<vmem>>, vector<16xf32>,
    %add3A_463 = arith.addf %add3A_460, %get3A_462 : vector<16xf32>
    %get3A_464 = arith.constant 912 : index
    %get3A_465 = tpu.vector_load %arg5[%get3A_464] {strides = array<i32>} : memref<4096xf32, #tpu.memory_space<vmem>>, vector<16xf32>,
    %add3A_466 = arith.addf %add3A_463, %get3A_465 : vector<16xf32>
    %get3A_467 = arith.constant 1168 : index
    %get3A_468 = tpu.vector_load %arg5[%get3A_467] {strides = array<i32>} : memref<4096xf32, #tpu.memory_space<vmem>>, vector<16xf32>,
    %add3A_469 = arith.addf %add3A_466, %get3A_468 : vector<16xf32>
    %get3A_470 = arith.constant 1424 : index
    %get3A_471 = tpu.vector_load %arg5[%get3A_470] {strides = array<i32>} : memref<4096xf32, #tpu.memory_space<vmem>>, vector<16xf32>,
    %add3A_472 = arith.addf %add3A_469, %get3A_471 : vector<16xf32>
    %get3A_473 = arith.constant 1680 : index
    %get3A_474 = tpu.vector_load %arg5[%get3A_473] {strides = array<i32>} : memref<4096xf32, #tpu.memory_space<vmem>>, vector<16xf32>,
    %add3A_475 = arith.addf %add3A_472, %get3A_474 : vector<16xf32>
    %get3A_476 = arith.constant 1936 : index
    %get3A_477 = tpu.vector_load %arg5[%get3A_476] {strides = array<i32>} : memref<4096xf32, #tpu.memory_space<vmem>>, vector<16xf32>,
    %add3A_478 = arith.addf %add3A_475, %get3A_477 : vector<16xf32>
    %get3A_479 = arith.constant 2192 : index
    %get3A_480 = tpu.vector_load %arg5[%get3A_479] {strides = array<i32>} : memref<4096xf32, #tpu.memory_space<vmem>>, vector<16xf32>,
    %add3A_481 = arith.addf %add3A_478, %get3A_480 : vector<16xf32>
    %get3A_482 = arith.constant 2448 : index
    %get3A_483 = tpu.vector_load %arg5[%get3A_482] {strides = array<i32>} : memref<4096xf32, #tpu.memory_space<vmem>>, vector<16xf32>,
    %add3A_484 = arith.addf %add3A_481, %get3A_483 : vector<16xf32>
    %get3A_485 = arith.constant 2704 : index
    %get3A_486 = tpu.vector_load %arg5[%get3A_485] {strides = array<i32>} : memref<4096xf32, #tpu.memory_space<vmem>>, vector<16xf32>,
    %add3A_487 = arith.addf %add3A_484, %get3A_486 : vector<16xf32>
    %get3A_488 = arith.constant 2960 : index
    %get3A_489 = tpu.vector_load %arg5[%get3A_488] {strides = array<i32>} : memref<4096xf32, #tpu.memory_space<vmem>>, vector<16xf32>,
    %add3A_490 = arith.addf %add3A_487, %get3A_489 : vector<16xf32>
    %get3A_491 = arith.constant 3216 : index
    %get3A_492 = tpu.vector_load %arg5[%get3A_491] {strides = array<i32>} : memref<4096xf32, #tpu.memory_space<vmem>>, vector<16xf32>,
    %add3A_493 = arith.addf %add3A_490, %get3A_492 : vector<16xf32>
    %get3A_494 = arith.constant 3472 : index
    %get3A_495 = tpu.vector_load %arg5[%get3A_494] {strides = array<i32>} : memref<4096xf32, #tpu.memory_space<vmem>>, vector<16xf32>,
    %add3A_496 = arith.addf %add3A_493, %get3A_495 : vector<16xf32>
    %get3A_497 = arith.constant 3728 : index
    %get3A_498 = tpu.vector_load %arg5[%get3A_497] {strides = array<i32>} : memref<4096xf32, #tpu.memory_space<vmem>>, vector<16xf32>,
    %add3A_499 = arith.addf %add3A_496, %get3A_498 : vector<16xf32>
    %get3A_500 = arith.constant 3984 : index
    %get3A_501 = tpu.vector_load %arg5[%get3A_500] {strides = array<i32>} : memref<4096xf32, #tpu.memory_space<vmem>>, vector<16xf32>,
    %add3A_502 = arith.addf %add3A_499, %get3A_501 : vector<16xf32>
    %swap3A_503 = arith.constant 144 : index
    %swap3A_504 = tpu.vector_load %arg6[%swap3A_503] {strides = array<i32>} : memref<256xf32, #tpu.memory_space<vmem>>, vector<16xf32>,
    tpu.vector_store %arg6[%swap3A_503], %add3A_502 {strides = array<i32>} : memref<256xf32, #tpu.memory_space<vmem>>, vector<16xf32>,
    %get3A_505 = arith.constant 160 : index
    %get3A_506 = tpu.vector_load %arg5[%get3A_505] {strides = array<i32>} : memref<4096xf32, #tpu.memory_space<vmem>>, vector<16xf32>,
    %get3A_507 = arith.constant 416 : index
    %get3A_508 = tpu.vector_load %arg5[%get3A_507] {strides = array<i32>} : memref<4096xf32, #tpu.memory_space<vmem>>, vector<16xf32>,
    %add3A_509 = arith.addf %get3A_506, %get3A_508 : vector<16xf32>
    %get3A_510 = arith.constant 672 : index
    %get3A_511 = tpu.vector_load %arg5[%get3A_510] {strides = array<i32>} : memref<4096xf32, #tpu.memory_space<vmem>>, vector<16xf32>,
    %add3A_512 = arith.addf %add3A_509, %get3A_511 : vector<16xf32>
    %get3A_513 = arith.constant 928 : index
    %get3A_514 = tpu.vector_load %arg5[%get3A_513] {strides = array<i32>} : memref<4096xf32, #tpu.memory_space<vmem>>, vector<16xf32>,
    %add3A_515 = arith.addf %add3A_512, %get3A_514 : vector<16xf32>
    %get3A_516 = arith.constant 1184 : index
    %get3A_517 = tpu.vector_load %arg5[%get3A_516] {strides = array<i32>} : memref<4096xf32, #tpu.memory_space<vmem>>, vector<16xf32>,
    %add3A_518 = arith.addf %add3A_515, %get3A_517 : vector<16xf32>
    %get3A_519 = arith.constant 1440 : index
    %get3A_520 = tpu.vector_load %arg5[%get3A_519] {strides = array<i32>} : memref<4096xf32, #tpu.memory_space<vmem>>, vector<16xf32>,
    %add3A_521 = arith.addf %add3A_518, %get3A_520 : vector<16xf32>
    %get3A_522 = arith.constant 1696 : index
    %get3A_523 = tpu.vector_load %arg5[%get3A_522] {strides = array<i32>} : memref<4096xf32, #tpu.memory_space<vmem>>, vector<16xf32>,
    %add3A_524 = arith.addf %add3A_521, %get3A_523 : vector<16xf32>
    %get3A_525 = arith.constant 1952 : index
    %get3A_526 = tpu.vector_load %arg5[%get3A_525] {strides = array<i32>} : memref<4096xf32, #tpu.memory_space<vmem>>, vector<16xf32>,
    %add3A_527 = arith.addf %add3A_524, %get3A_526 : vector<16xf32>
    %get3A_528 = arith.constant 2208 : index
    %get3A_529 = tpu.vector_load %arg5[%get3A_528] {strides = array<i32>} : memref<4096xf32, #tpu.memory_space<vmem>>, vector<16xf32>,
    %add3A_530 = arith.addf %add3A_527, %get3A_529 : vector<16xf32>
    %get3A_531 = arith.constant 2464 : index
    %get3A_532 = tpu.vector_load %arg5[%get3A_531] {strides = array<i32>} : memref<4096xf32, #tpu.memory_space<vmem>>, vector<16xf32>,
    %add3A_533 = arith.addf %add3A_530, %get3A_532 : vector<16xf32>
    %get3A_534 = arith.constant 2720 : index
    %get3A_535 = tpu.vector_load %arg5[%get3A_534] {strides = array<i32>} : memref<4096xf32, #tpu.memory_space<vmem>>, vector<16xf32>,
    %add3A_536 = arith.addf %add3A_533, %get3A_535 : vector<16xf32>
    %get3A_537 = arith.constant 2976 : index
    %get3A_538 = tpu.vector_load %arg5[%get3A_537] {strides = array<i32>} : memref<4096xf32, #tpu.memory_space<vmem>>, vector<16xf32>,
    %add3A_539 = arith.addf %add3A_536, %get3A_538 : vector<16xf32>
    %get3A_540 = arith.constant 3232 : index
    %get3A_541 = tpu.vector_load %arg5[%get3A_540] {strides = array<i32>} : memref<4096xf32, #tpu.memory_space<vmem>>, vector<16xf32>,
    %add3A_542 = arith.addf %add3A_539, %get3A_541 : vector<16xf32>
    %get3A_543 = arith.constant 3488 : index
    %get3A_544 = tpu.vector_load %arg5[%get3A_543] {strides = array<i32>} : memref<4096xf32, #tpu.memory_space<vmem>>, vector<16xf32>,
    %add3A_545 = arith.addf %add3A_542, %get3A_544 : vector<16xf32>
    %get3A_546 = arith.constant 3744 : index
    %get3A_547 = tpu.vector_load %arg5[%get3A_546] {strides = array<i32>} : memref<4096xf32, #tpu.memory_space<vmem>>, vector<16xf32>,
    %add3A_548 = arith.addf %add3A_545, %get3A_547 : vector<16xf32>
    %get3A_549 = arith.constant 4000 : index
    %get3A_550 = tpu.vector_load %arg5[%get3A_549] {strides = array<i32>} : memref<4096xf32, #tpu.memory_space<vmem>>, vector<16xf32>,
    %add3A_551 = arith.addf %add3A_548, %get3A_550 : vector<16xf32>
    %swap3A_552 = arith.constant 160 : index
    %swap3A_553 = tpu.vector_load %arg6[%swap3A_552] {strides = array<i32>} : memref<256xf32, #tpu.memory_space<vmem>>, vector<16xf32>,
    tpu.vector_store %arg6[%swap3A_552], %add3A_551 {strides = array<i32>} : memref<256xf32, #tpu.memory_space<vmem>>, vector<16xf32>,
    %get3A_554 = arith.constant 176 : index
    %get3A_555 = tpu.vector_load %arg5[%get3A_554] {strides = array<i32>} : memref<4096xf32, #tpu.memory_space<vmem>>, vector<16xf32>,
    %get3A_556 = arith.constant 432 : index
    %get3A_557 = tpu.vector_load %arg5[%get3A_556] {strides = array<i32>} : memref<4096xf32, #tpu.memory_space<vmem>>, vector<16xf32>,
    %add3A_558 = arith.addf %get3A_555, %get3A_557 : vector<16xf32>
    %get3A_559 = arith.constant 688 : index
    %get3A_560 = tpu.vector_load %arg5[%get3A_559] {strides = array<i32>} : memref<4096xf32, #tpu.memory_space<vmem>>, vector<16xf32>,
    %add3A_561 = arith.addf %add3A_558, %get3A_560 : vector<16xf32>
    %get3A_562 = arith.constant 944 : index
    %get3A_563 = tpu.vector_load %arg5[%get3A_562] {strides = array<i32>} : memref<4096xf32, #tpu.memory_space<vmem>>, vector<16xf32>,
    %add3A_564 = arith.addf %add3A_561, %get3A_563 : vector<16xf32>
    %get3A_565 = arith.constant 1200 : index
    %get3A_566 = tpu.vector_load %arg5[%get3A_565] {strides = array<i32>} : memref<4096xf32, #tpu.memory_space<vmem>>, vector<16xf32>,
    %add3A_567 = arith.addf %add3A_564, %get3A_566 : vector<16xf32>
    %get3A_568 = arith.constant 1456 : index
    %get3A_569 = tpu.vector_load %arg5[%get3A_568] {strides = array<i32>} : memref<4096xf32, #tpu.memory_space<vmem>>, vector<16xf32>,
    %add3A_570 = arith.addf %add3A_567, %get3A_569 : vector<16xf32>
    %get3A_571 = arith.constant 1712 : index
    %get3A_572 = tpu.vector_load %arg5[%get3A_571] {strides = array<i32>} : memref<4096xf32, #tpu.memory_space<vmem>>, vector<16xf32>,
    %add3A_573 = arith.addf %add3A_570, %get3A_572 : vector<16xf32>
    %get3A_574 = arith.constant 1968 : index
    %get3A_575 = tpu.vector_load %arg5[%get3A_574] {strides = array<i32>} : memref<4096xf32, #tpu.memory_space<vmem>>, vector<16xf32>,
    %add3A_576 = arith.addf %add3A_573, %get3A_575 : vector<16xf32>
    %get3A_577 = arith.constant 2224 : index
    %get3A_578 = tpu.vector_load %arg5[%get3A_577] {strides = array<i32>} : memref<4096xf32, #tpu.memory_space<vmem>>, vector<16xf32>,
    %add3A_579 = arith.addf %add3A_576, %get3A_578 : vector<16xf32>
    %get3A_580 = arith.constant 2480 : index
    %get3A_581 = tpu.vector_load %arg5[%get3A_580] {strides = array<i32>} : memref<4096xf32, #tpu.memory_space<vmem>>, vector<16xf32>,
    %add3A_582 = arith.addf %add3A_579, %get3A_581 : vector<16xf32>
    %get3A_583 = arith.constant 2736 : index
    %get3A_584 = tpu.vector_load %arg5[%get3A_583] {strides = array<i32>} : memref<4096xf32, #tpu.memory_space<vmem>>, vector<16xf32>,
    %add3A_585 = arith.addf %add3A_582, %get3A_584 : vector<16xf32>
    %get3A_586 = arith.constant 2992 : index
    %get3A_587 = tpu.vector_load %arg5[%get3A_586] {strides = array<i32>} : memref<4096xf32, #tpu.memory_space<vmem>>, vector<16xf32>,
    %add3A_588 = arith.addf %add3A_585, %get3A_587 : vector<16xf32>
    %get3A_589 = arith.constant 3248 : index
    %get3A_590 = tpu.vector_load %arg5[%get3A_589] {strides = array<i32>} : memref<4096xf32, #tpu.memory_space<vmem>>, vector<16xf32>,
    %add3A_591 = arith.addf %add3A_588, %get3A_590 : vector<16xf32>
    %get3A_592 = arith.constant 3504 : index
    %get3A_593 = tpu.vector_load %arg5[%get3A_592] {strides = array<i32>} : memref<4096xf32, #tpu.memory_space<vmem>>, vector<16xf32>,
    %add3A_594 = arith.addf %add3A_591, %get3A_593 : vector<16xf32>
    %get3A_595 = arith.constant 3760 : index
    %get3A_596 = tpu.vector_load %arg5[%get3A_595] {strides = array<i32>} : memref<4096xf32, #tpu.memory_space<vmem>>, vector<16xf32>,
    %add3A_597 = arith.addf %add3A_594, %get3A_596 : vector<16xf32>
    %get3A_598 = arith.constant 4016 : index
    %get3A_599 = tpu.vector_load %arg5[%get3A_598] {strides = array<i32>} : memref<4096xf32, #tpu.memory_space<vmem>>, vector<16xf32>,
    %add3A_600 = arith.addf %add3A_597, %get3A_599 : vector<16xf32>
    %swap3A_601 = arith.constant 176 : index
    %swap3A_602 = tpu.vector_load %arg6[%swap3A_601] {strides = array<i32>} : memref<256xf32, #tpu.memory_space<vmem>>, vector<16xf32>,
    tpu.vector_store %arg6[%swap3A_601], %add3A_600 {strides = array<i32>} : memref<256xf32, #tpu.memory_space<vmem>>, vector<16xf32>,
    %get3A_603 = arith.constant 192 : index
    %get3A_604 = tpu.vector_load %arg5[%get3A_603] {strides = array<i32>} : memref<4096xf32, #tpu.memory_space<vmem>>, vector<16xf32>,
    %get3A_605 = arith.constant 448 : index
    %get3A_606 = tpu.vector_load %arg5[%get3A_605] {strides = array<i32>} : memref<4096xf32, #tpu.memory_space<vmem>>, vector<16xf32>,
    %add3A_607 = arith.addf %get3A_604, %get3A_606 : vector<16xf32>
    %get3A_608 = arith.constant 704 : index
    %get3A_609 = tpu.vector_load %arg5[%get3A_608] {strides = array<i32>} : memref<4096xf32, #tpu.memory_space<vmem>>, vector<16xf32>,
    %add3A_610 = arith.addf %add3A_607, %get3A_609 : vector<16xf32>
    %get3A_611 = arith.constant 960 : index
    %get3A_612 = tpu.vector_load %arg5[%get3A_611] {strides = array<i32>} : memref<4096xf32, #tpu.memory_space<vmem>>, vector<16xf32>,
    %add3A_613 = arith.addf %add3A_610, %get3A_612 : vector<16xf32>
    %get3A_614 = arith.constant 1216 : index
    %get3A_615 = tpu.vector_load %arg5[%get3A_614] {strides = array<i32>} : memref<4096xf32, #tpu.memory_space<vmem>>, vector<16xf32>,
    %add3A_616 = arith.addf %add3A_613, %get3A_615 : vector<16xf32>
    %get3A_617 = arith.constant 1472 : index
    %get3A_618 = tpu.vector_load %arg5[%get3A_617] {strides = array<i32>} : memref<4096xf32, #tpu.memory_space<vmem>>, vector<16xf32>,
    %add3A_619 = arith.addf %add3A_616, %get3A_618 : vector<16xf32>
    %get3A_620 = arith.constant 1728 : index
    %get3A_621 = tpu.vector_load %arg5[%get3A_620] {strides = array<i32>} : memref<4096xf32, #tpu.memory_space<vmem>>, vector<16xf32>,
    %add3A_622 = arith.addf %add3A_619, %get3A_621 : vector<16xf32>
    %get3A_623 = arith.constant 1984 : index
    %get3A_624 = tpu.vector_load %arg5[%get3A_623] {strides = array<i32>} : memref<4096xf32, #tpu.memory_space<vmem>>, vector<16xf32>,
    %add3A_625 = arith.addf %add3A_622, %get3A_624 : vector<16xf32>
    %get3A_626 = arith.constant 2240 : index
    %get3A_627 = tpu.vector_load %arg5[%get3A_626] {strides = array<i32>} : memref<4096xf32, #tpu.memory_space<vmem>>, vector<16xf32>,
    %add3A_628 = arith.addf %add3A_625, %get3A_627 : vector<16xf32>
    %get3A_629 = arith.constant 2496 : index
    %get3A_630 = tpu.vector_load %arg5[%get3A_629] {strides = array<i32>} : memref<4096xf32, #tpu.memory_space<vmem>>, vector<16xf32>,
    %add3A_631 = arith.addf %add3A_628, %get3A_630 : vector<16xf32>
    %get3A_632 = arith.constant 2752 : index
    %get3A_633 = tpu.vector_load %arg5[%get3A_632] {strides = array<i32>} : memref<4096xf32, #tpu.memory_space<vmem>>, vector<16xf32>,
    %add3A_634 = arith.addf %add3A_631, %get3A_633 : vector<16xf32>
    %get3A_635 = arith.constant 3008 : index
    %get3A_636 = tpu.vector_load %arg5[%get3A_635] {strides = array<i32>} : memref<4096xf32, #tpu.memory_space<vmem>>, vector<16xf32>,
    %add3A_637 = arith.addf %add3A_634, %get3A_636 : vector<16xf32>
    %get3A_638 = arith.constant 3264 : index
    %get3A_639 = tpu.vector_load %arg5[%get3A_638] {strides = array<i32>} : memref<4096xf32, #tpu.memory_space<vmem>>, vector<16xf32>,
    %add3A_640 = arith.addf %add3A_637, %get3A_639 : vector<16xf32>
    %get3A_641 = arith.constant 3520 : index
    %get3A_642 = tpu.vector_load %arg5[%get3A_641] {strides = array<i32>} : memref<4096xf32, #tpu.memory_space<vmem>>, vector<16xf32>,
    %add3A_643 = arith.addf %add3A_640, %get3A_642 : vector<16xf32>
    %get3A_644 = arith.constant 3776 : index
    %get3A_645 = tpu.vector_load %arg5[%get3A_644] {strides = array<i32>} : memref<4096xf32, #tpu.memory_space<vmem>>, vector<16xf32>,
    %add3A_646 = arith.addf %add3A_643, %get3A_645 : vector<16xf32>
    %get3A_647 = arith.constant 4032 : index
    %get3A_648 = tpu.vector_load %arg5[%get3A_647] {strides = array<i32>} : memref<4096xf32, #tpu.memory_space<vmem>>, vector<16xf32>,
    %add3A_649 = arith.addf %add3A_646, %get3A_648 : vector<16xf32>
    %swap3A_650 = arith.constant 192 : index
    %swap3A_651 = tpu.vector_load %arg6[%swap3A_650] {strides = array<i32>} : memref<256xf32, #tpu.memory_space<vmem>>, vector<16xf32>,
    tpu.vector_store %arg6[%swap3A_650], %add3A_649 {strides = array<i32>} : memref<256xf32, #tpu.memory_space<vmem>>, vector<16xf32>,
    %get3A_652 = arith.constant 208 : index
    %get3A_653 = tpu.vector_load %arg5[%get3A_652] {strides = array<i32>} : memref<4096xf32, #tpu.memory_space<vmem>>, vector<16xf32>,
    %get3A_654 = arith.constant 464 : index
    %get3A_655 = tpu.vector_load %arg5[%get3A_654] {strides = array<i32>} : memref<4096xf32, #tpu.memory_space<vmem>>, vector<16xf32>,
    %add3A_656 = arith.addf %get3A_653, %get3A_655 : vector<16xf32>
    %get3A_657 = arith.constant 720 : index
    %get3A_658 = tpu.vector_load %arg5[%get3A_657] {strides = array<i32>} : memref<4096xf32, #tpu.memory_space<vmem>>, vector<16xf32>,
    %add3A_659 = arith.addf %add3A_656, %get3A_658 : vector<16xf32>
    %get3A_660 = arith.constant 976 : index
    %get3A_661 = tpu.vector_load %arg5[%get3A_660] {strides = array<i32>} : memref<4096xf32, #tpu.memory_space<vmem>>, vector<16xf32>,
    %add3A_662 = arith.addf %add3A_659, %get3A_661 : vector<16xf32>
    %get3A_663 = arith.constant 1232 : index
    %get3A_664 = tpu.vector_load %arg5[%get3A_663] {strides = array<i32>} : memref<4096xf32, #tpu.memory_space<vmem>>, vector<16xf32>,
    %add3A_665 = arith.addf %add3A_662, %get3A_664 : vector<16xf32>
    %get3A_666 = arith.constant 1488 : index
    %get3A_667 = tpu.vector_load %arg5[%get3A_666] {strides = array<i32>} : memref<4096xf32, #tpu.memory_space<vmem>>, vector<16xf32>,
    %add3A_668 = arith.addf %add3A_665, %get3A_667 : vector<16xf32>
    %get3A_669 = arith.constant 1744 : index
    %get3A_670 = tpu.vector_load %arg5[%get3A_669] {strides = array<i32>} : memref<4096xf32, #tpu.memory_space<vmem>>, vector<16xf32>,
    %add3A_671 = arith.addf %add3A_668, %get3A_670 : vector<16xf32>
    %get3A_672 = arith.constant 2000 : index
    %get3A_673 = tpu.vector_load %arg5[%get3A_672] {strides = array<i32>} : memref<4096xf32, #tpu.memory_space<vmem>>, vector<16xf32>,
    %add3A_674 = arith.addf %add3A_671, %get3A_673 : vector<16xf32>
    %get3A_675 = arith.constant 2256 : index
    %get3A_676 = tpu.vector_load %arg5[%get3A_675] {strides = array<i32>} : memref<4096xf32, #tpu.memory_space<vmem>>, vector<16xf32>,
    %add3A_677 = arith.addf %add3A_674, %get3A_676 : vector<16xf32>
    %get3A_678 = arith.constant 2512 : index
    %get3A_679 = tpu.vector_load %arg5[%get3A_678] {strides = array<i32>} : memref<4096xf32, #tpu.memory_space<vmem>>, vector<16xf32>,
    %add3A_680 = arith.addf %add3A_677, %get3A_679 : vector<16xf32>
    %get3A_681 = arith.constant 2768 : index
    %get3A_682 = tpu.vector_load %arg5[%get3A_681] {strides = array<i32>} : memref<4096xf32, #tpu.memory_space<vmem>>, vector<16xf32>,
    %add3A_683 = arith.addf %add3A_680, %get3A_682 : vector<16xf32>
    %get3A_684 = arith.constant 3024 : index
    %get3A_685 = tpu.vector_load %arg5[%get3A_684] {strides = array<i32>} : memref<4096xf32, #tpu.memory_space<vmem>>, vector<16xf32>,
    %add3A_686 = arith.addf %add3A_683, %get3A_685 : vector<16xf32>
    %get3A_687 = arith.constant 3280 : index
    %get3A_688 = tpu.vector_load %arg5[%get3A_687] {strides = array<i32>} : memref<4096xf32, #tpu.memory_space<vmem>>, vector<16xf32>,
    %add3A_689 = arith.addf %add3A_686, %get3A_688 : vector<16xf32>
    %get3A_690 = arith.constant 3536 : index
    %get3A_691 = tpu.vector_load %arg5[%get3A_690] {strides = array<i32>} : memref<4096xf32, #tpu.memory_space<vmem>>, vector<16xf32>,
    %add3A_692 = arith.addf %add3A_689, %get3A_691 : vector<16xf32>
    %get3A_693 = arith.constant 3792 : index
    %get3A_694 = tpu.vector_load %arg5[%get3A_693] {strides = array<i32>} : memref<4096xf32, #tpu.memory_space<vmem>>, vector<16xf32>,
    %add3A_695 = arith.addf %add3A_692, %get3A_694 : vector<16xf32>
    %get3A_696 = arith.constant 4048 : index
    %get3A_697 = tpu.vector_load %arg5[%get3A_696] {strides = array<i32>} : memref<4096xf32, #tpu.memory_space<vmem>>, vector<16xf32>,
    %add3A_698 = arith.addf %add3A_695, %get3A_697 : vector<16xf32>
    %swap3A_699 = arith.constant 208 : index
    %swap3A_700 = tpu.vector_load %arg6[%swap3A_699] {strides = array<i32>} : memref<256xf32, #tpu.memory_space<vmem>>, vector<16xf32>,
    tpu.vector_store %arg6[%swap3A_699], %add3A_698 {strides = array<i32>} : memref<256xf32, #tpu.memory_space<vmem>>, vector<16xf32>,
    %get3A_701 = arith.constant 224 : index
    %get3A_702 = tpu.vector_load %arg5[%get3A_701] {strides = array<i32>} : memref<4096xf32, #tpu.memory_space<vmem>>, vector<16xf32>,
    %get3A_703 = arith.constant 480 : index
    %get3A_704 = tpu.vector_load %arg5[%get3A_703] {strides = array<i32>} : memref<4096xf32, #tpu.memory_space<vmem>>, vector<16xf32>,
    %add3A_705 = arith.addf %get3A_702, %get3A_704 : vector<16xf32>
    %get3A_706 = arith.constant 736 : index
    %get3A_707 = tpu.vector_load %arg5[%get3A_706] {strides = array<i32>} : memref<4096xf32, #tpu.memory_space<vmem>>, vector<16xf32>,
    %add3A_708 = arith.addf %add3A_705, %get3A_707 : vector<16xf32>
    %get3A_709 = arith.constant 992 : index
    %get3A_710 = tpu.vector_load %arg5[%get3A_709] {strides = array<i32>} : memref<4096xf32, #tpu.memory_space<vmem>>, vector<16xf32>,
    %add3A_711 = arith.addf %add3A_708, %get3A_710 : vector<16xf32>
    %get3A_712 = arith.constant 1248 : index
    %get3A_713 = tpu.vector_load %arg5[%get3A_712] {strides = array<i32>} : memref<4096xf32, #tpu.memory_space<vmem>>, vector<16xf32>,
    %add3A_714 = arith.addf %add3A_711, %get3A_713 : vector<16xf32>
    %get3A_715 = arith.constant 1504 : index
    %get3A_716 = tpu.vector_load %arg5[%get3A_715] {strides = array<i32>} : memref<4096xf32, #tpu.memory_space<vmem>>, vector<16xf32>,
    %add3A_717 = arith.addf %add3A_714, %get3A_716 : vector<16xf32>
    %get3A_718 = arith.constant 1760 : index
    %get3A_719 = tpu.vector_load %arg5[%get3A_718] {strides = array<i32>} : memref<4096xf32, #tpu.memory_space<vmem>>, vector<16xf32>,
    %add3A_720 = arith.addf %add3A_717, %get3A_719 : vector<16xf32>
    %get3A_721 = arith.constant 2016 : index
    %get3A_722 = tpu.vector_load %arg5[%get3A_721] {strides = array<i32>} : memref<4096xf32, #tpu.memory_space<vmem>>, vector<16xf32>,
    %add3A_723 = arith.addf %add3A_720, %get3A_722 : vector<16xf32>
    %get3A_724 = arith.constant 2272 : index
    %get3A_725 = tpu.vector_load %arg5[%get3A_724] {strides = array<i32>} : memref<4096xf32, #tpu.memory_space<vmem>>, vector<16xf32>,
    %add3A_726 = arith.addf %add3A_723, %get3A_725 : vector<16xf32>
    %get3A_727 = arith.constant 2528 : index
    %get3A_728 = tpu.vector_load %arg5[%get3A_727] {strides = array<i32>} : memref<4096xf32, #tpu.memory_space<vmem>>, vector<16xf32>,
    %add3A_729 = arith.addf %add3A_726, %get3A_728 : vector<16xf32>
    %get3A_730 = arith.constant 2784 : index
    %get3A_731 = tpu.vector_load %arg5[%get3A_730] {strides = array<i32>} : memref<4096xf32, #tpu.memory_space<vmem>>, vector<16xf32>,
    %add3A_732 = arith.addf %add3A_729, %get3A_731 : vector<16xf32>
    %get3A_733 = arith.constant 3040 : index
    %get3A_734 = tpu.vector_load %arg5[%get3A_733] {strides = array<i32>} : memref<4096xf32, #tpu.memory_space<vmem>>, vector<16xf32>,
    %add3A_735 = arith.addf %add3A_732, %get3A_734 : vector<16xf32>
    %get3A_736 = arith.constant 3296 : index
    %get3A_737 = tpu.vector_load %arg5[%get3A_736] {strides = array<i32>} : memref<4096xf32, #tpu.memory_space<vmem>>, vector<16xf32>,
    %add3A_738 = arith.addf %add3A_735, %get3A_737 : vector<16xf32>
    %get3A_739 = arith.constant 3552 : index
    %get3A_740 = tpu.vector_load %arg5[%get3A_739] {strides = array<i32>} : memref<4096xf32, #tpu.memory_space<vmem>>, vector<16xf32>,
    %add3A_741 = arith.addf %add3A_738, %get3A_740 : vector<16xf32>
    %get3A_742 = arith.constant 3808 : index
    %get3A_743 = tpu.vector_load %arg5[%get3A_742] {strides = array<i32>} : memref<4096xf32, #tpu.memory_space<vmem>>, vector<16xf32>,
    %add3A_744 = arith.addf %add3A_741, %get3A_743 : vector<16xf32>
    %get3A_745 = arith.constant 4064 : index
    %get3A_746 = tpu.vector_load %arg5[%get3A_745] {strides = array<i32>} : memref<4096xf32, #tpu.memory_space<vmem>>, vector<16xf32>,
    %add3A_747 = arith.addf %add3A_744, %get3A_746 : vector<16xf32>
    %swap3A_748 = arith.constant 224 : index
    %swap3A_749 = tpu.vector_load %arg6[%swap3A_748] {strides = array<i32>} : memref<256xf32, #tpu.memory_space<vmem>>, vector<16xf32>,
    tpu.vector_store %arg6[%swap3A_748], %add3A_747 {strides = array<i32>} : memref<256xf32, #tpu.memory_space<vmem>>, vector<16xf32>,
    %get3A_750 = arith.constant 240 : index
    %get3A_751 = tpu.vector_load %arg5[%get3A_750] {strides = array<i32>} : memref<4096xf32, #tpu.memory_space<vmem>>, vector<16xf32>,
    %get3A_752 = arith.constant 496 : index
    %get3A_753 = tpu.vector_load %arg5[%get3A_752] {strides = array<i32>} : memref<4096xf32, #tpu.memory_space<vmem>>, vector<16xf32>,
    %add3A_754 = arith.addf %get3A_751, %get3A_753 : vector<16xf32>
    %get3A_755 = arith.constant 752 : index
    %get3A_756 = tpu.vector_load %arg5[%get3A_755] {strides = array<i32>} : memref<4096xf32, #tpu.memory_space<vmem>>, vector<16xf32>,
    %add3A_757 = arith.addf %add3A_754, %get3A_756 : vector<16xf32>
    %get3A_758 = arith.constant 1008 : index
    %get3A_759 = tpu.vector_load %arg5[%get3A_758] {strides = array<i32>} : memref<4096xf32, #tpu.memory_space<vmem>>, vector<16xf32>,
    %add3A_760 = arith.addf %add3A_757, %get3A_759 : vector<16xf32>
    %get3A_761 = arith.constant 1264 : index
    %get3A_762 = tpu.vector_load %arg5[%get3A_761] {strides = array<i32>} : memref<4096xf32, #tpu.memory_space<vmem>>, vector<16xf32>,
    %add3A_763 = arith.addf %add3A_760, %get3A_762 : vector<16xf32>
    %get3A_764 = arith.constant 1520 : index
    %get3A_765 = tpu.vector_load %arg5[%get3A_764] {strides = array<i32>} : memref<4096xf32, #tpu.memory_space<vmem>>, vector<16xf32>,
    %add3A_766 = arith.addf %add3A_763, %get3A_765 : vector<16xf32>
    %get3A_767 = arith.constant 1776 : index
    %get3A_768 = tpu.vector_load %arg5[%get3A_767] {strides = array<i32>} : memref<4096xf32, #tpu.memory_space<vmem>>, vector<16xf32>,
    %add3A_769 = arith.addf %add3A_766, %get3A_768 : vector<16xf32>
    %get3A_770 = arith.constant 2032 : index
    %get3A_771 = tpu.vector_load %arg5[%get3A_770] {strides = array<i32>} : memref<4096xf32, #tpu.memory_space<vmem>>, vector<16xf32>,
    %add3A_772 = arith.addf %add3A_769, %get3A_771 : vector<16xf32>
    %get3A_773 = arith.constant 2288 : index
    %get3A_774 = tpu.vector_load %arg5[%get3A_773] {strides = array<i32>} : memref<4096xf32, #tpu.memory_space<vmem>>, vector<16xf32>,
    %add3A_775 = arith.addf %add3A_772, %get3A_774 : vector<16xf32>
    %get3A_776 = arith.constant 2544 : index
    %get3A_777 = tpu.vector_load %arg5[%get3A_776] {strides = array<i32>} : memref<4096xf32, #tpu.memory_space<vmem>>, vector<16xf32>,
    %add3A_778 = arith.addf %add3A_775, %get3A_777 : vector<16xf32>
    %get3A_779 = arith.constant 2800 : index
    %get3A_780 = tpu.vector_load %arg5[%get3A_779] {strides = array<i32>} : memref<4096xf32, #tpu.memory_space<vmem>>, vector<16xf32>,
    %add3A_781 = arith.addf %add3A_778, %get3A_780 : vector<16xf32>
    %get3A_782 = arith.constant 3056 : index
    %get3A_783 = tpu.vector_load %arg5[%get3A_782] {strides = array<i32>} : memref<4096xf32, #tpu.memory_space<vmem>>, vector<16xf32>,
    %add3A_784 = arith.addf %add3A_781, %get3A_783 : vector<16xf32>
    %get3A_785 = arith.constant 3312 : index
    %get3A_786 = tpu.vector_load %arg5[%get3A_785] {strides = array<i32>} : memref<4096xf32, #tpu.memory_space<vmem>>, vector<16xf32>,
    %add3A_787 = arith.addf %add3A_784, %get3A_786 : vector<16xf32>
    %get3A_788 = arith.constant 3568 : index
    %get3A_789 = tpu.vector_load %arg5[%get3A_788] {strides = array<i32>} : memref<4096xf32, #tpu.memory_space<vmem>>, vector<16xf32>,
    %add3A_790 = arith.addf %add3A_787, %get3A_789 : vector<16xf32>
    %get3A_791 = arith.constant 3824 : index
    %get3A_792 = tpu.vector_load %arg5[%get3A_791] {strides = array<i32>} : memref<4096xf32, #tpu.memory_space<vmem>>, vector<16xf32>,
    %add3A_793 = arith.addf %add3A_790, %get3A_792 : vector<16xf32>
    %get3A_794 = arith.constant 4080 : index
    %get3A_795 = tpu.vector_load %arg5[%get3A_794] {strides = array<i32>} : memref<4096xf32, #tpu.memory_space<vmem>>, vector<16xf32>,
    %add3A_796 = arith.addf %add3A_793, %get3A_795 : vector<16xf32>
    %swap3A_797 = arith.constant 240 : index
    %swap3A_798 = tpu.vector_load %arg6[%swap3A_797] {strides = array<i32>} : memref<256xf32, #tpu.memory_space<vmem>>, vector<16xf32>,
    tpu.vector_store %arg6[%swap3A_797], %add3A_796 {strides = array<i32>} : memref<256xf32, #tpu.memory_space<vmem>>, vector<16xf32>,
    "tpu.region"() ({
      %run_scoped3A = tpu.sem_alloc : memref<!tpu.dma_semaphore, #tpu.memory_space<semaphore_mem>>
      %dma_start3A = tpu.memref_slice %arg3[%mul3A_2] : memref<8192xf32, #tpu.memory_space<hbm>> -> memref<256xf32, #tpu.memory_space<hbm>>
      %dma_start3A_799 = tpu.memref_slice %arg3[%mul3A_2] : memref<8192xf32, #tpu.memory_space<hbm>> -> memref<256xf32, #tpu.memory_space<hbm>>
      tpu.enqueue_dma source(%arg6 : memref<256xf32, #tpu.memory_space<vmem>>) target(%dma_start3A_799 : memref<256xf32, #tpu.memory_space<hbm>>) target_semaphore(%run_scoped3A : memref<!tpu.dma_semaphore, #tpu.memory_space<semaphore_mem>>)
      %dma_wait3A = tpu.memref_slice %arg3[%mul3A_2] : memref<8192xf32, #tpu.memory_space<hbm>> -> memref<256xf32, #tpu.memory_space<hbm>>
      %dma_wait3A_800 = tpu.memref_slice %arg3[%mul3A_2] : memref<8192xf32, #tpu.memory_space<hbm>> -> memref<256xf32, #tpu.memory_space<hbm>>
      tpu.wait_dma2 semaphore(%run_scoped3A : memref<!tpu.dma_semaphore, #tpu.memory_space<semaphore_mem>>) src(%arg6 : memref<256xf32, #tpu.memory_space<vmem>>) dst(%dma_wait3A_800 : memref<256xf32, #tpu.memory_space<hbm>>)
      tpu.yield
    }) : () -> ()
    return
  }
}

#map = affine_map<(d0, d1) -> (0, 0)>
#map1 = affine_map<(d0, d1) -> (0)>
module attributes {stable_mosaic.version = 14 : i64} {
  func.func @_gather_body(%arg0: i32, %arg1: i32, %arg2: memref<8192x256xf32, #tpu.memory_space<hbm>>, %arg3: memref<4096xi32, #tpu.memory_space<hbm>>, %arg4: memref<4096x256xf32, #tpu.memory_space<hbm>>, %arg5: memref<128xi32, #tpu.memory_space<vmem>>, %arg6: memref<128x256xf32, #tpu.memory_space<vmem>>, %arg7: memref<!tpu.dma_semaphore, #tpu.memory_space<semaphore_mem>>) attributes {dimension_semantics = [#tpu.dimension_semantics<core_parallel>, #tpu.dimension_semantics<subcore_parallel>], iteration_bounds = array<i64: 2, 16>, scalar_prefetch = 0 : i64, scratch_operands = 3 : i64, tpu.core_type = #tpu.core_type<sc_vector_subcore>, window_params = [{transform_indices = #map}, {transform_indices = #map1}, {transform_indices = #map}]} {
    %mul3A = arith.constant 2 : i32
    %mul3A_0 = arith.muli %arg1, %mul3A : i32
    %add3A = arith.addi %mul3A_0, %arg0 : i32
    %mul3A_1 = arith.constant 128 : i32
    %mul3A_2 = arith.muli %add3A, %mul3A_1 : i32
    "tpu.region"() ({
      %run_scoped3A = tpu.sem_alloc : memref<!tpu.dma_semaphore, #tpu.memory_space<semaphore_mem>>
      %dma_start3A_7 = tpu.memref_slice %arg3[%mul3A_2] : memref<4096xi32, #tpu.memory_space<hbm>> -> memref<128xi32, #tpu.memory_space<hbm>>
      %dma_start3A_8 = tpu.memref_slice %arg3[%mul3A_2] : memref<4096xi32, #tpu.memory_space<hbm>> -> memref<128xi32, #tpu.memory_space<hbm>>
      tpu.enqueue_dma source(%dma_start3A_8 : memref<128xi32, #tpu.memory_space<hbm>>) target(%arg5 : memref<128xi32, #tpu.memory_space<vmem>>) target_semaphore(%run_scoped3A : memref<!tpu.dma_semaphore, #tpu.memory_space<semaphore_mem>>)
      %dma_wait3A_9 = tpu.memref_slice %arg3[%mul3A_2] : memref<4096xi32, #tpu.memory_space<hbm>> -> memref<128xi32, #tpu.memory_space<hbm>>
      %dma_wait3A_10 = tpu.memref_slice %arg3[%mul3A_2] : memref<4096xi32, #tpu.memory_space<hbm>> -> memref<128xi32, #tpu.memory_space<hbm>>
      tpu.wait_dma2 semaphore(%run_scoped3A : memref<!tpu.dma_semaphore, #tpu.memory_space<semaphore_mem>>) src(%dma_wait3A_10 : memref<128xi32, #tpu.memory_space<hbm>>) dst(%arg5 : memref<128xi32, #tpu.memory_space<vmem>>)
      tpu.yield
    }) : () -> ()
    %dma_start3A = arith.constant 0 : i32
    %dma_start3A_3 = arith.constant 0 : i32
    %dma_start3A_4 = tpu.memref_slice %arg2[%dma_start3A, %dma_start3A_3] : memref<8192x256xf32, #tpu.memory_space<hbm>> -> memref<8192x256xf32, #tpu.memory_space<hbm>>
    tpu.enqueue_indirect_dma source(%dma_start3A_4 : memref<8192x256xf32, #tpu.memory_space<hbm>>) target(%arg6 : memref<128x256xf32, #tpu.memory_space<vmem>>) offsets(%arg5 : memref<128xi32, #tpu.memory_space<vmem>>) semaphore(%arg7 : memref<!tpu.dma_semaphore, #tpu.memory_space<semaphore_mem>>)
    %dma_wait3A = arith.constant 0 : i32
    %dma_wait3A_5 = arith.constant 0 : i32
    %dma_wait3A_6 = tpu.memref_slice %arg2[%dma_wait3A, %dma_wait3A_5] : memref<8192x256xf32, #tpu.memory_space<hbm>> -> memref<8192x256xf32, #tpu.memory_space<hbm>>
    tpu.wait_indirect_dma semaphore(%arg7 : memref<!tpu.dma_semaphore, #tpu.memory_space<semaphore_mem>>) src(%dma_wait3A_6 : memref<8192x256xf32, #tpu.memory_space<hbm>>) dst(%arg6 : memref<128x256xf32, #tpu.memory_space<vmem>>)
    "tpu.region"() ({
      %run_scoped3A = tpu.sem_alloc : memref<!tpu.dma_semaphore, #tpu.memory_space<semaphore_mem>>
      %dma_start3A_7 = arith.constant 0 : i32
      %dma_start3A_8 = tpu.memref_slice %arg4[%mul3A_2, %dma_start3A_7] : memref<4096x256xf32, #tpu.memory_space<hbm>> -> memref<128x256xf32, #tpu.memory_space<hbm>>
      %dma_start3A_9 = arith.constant 0 : i32
      %dma_start3A_10 = tpu.memref_slice %arg4[%mul3A_2, %dma_start3A_9] : memref<4096x256xf32, #tpu.memory_space<hbm>> -> memref<128x256xf32, #tpu.memory_space<hbm>>
      tpu.enqueue_dma source(%arg6 : memref<128x256xf32, #tpu.memory_space<vmem>>) target(%dma_start3A_10 : memref<128x256xf32, #tpu.memory_space<hbm>>) target_semaphore(%run_scoped3A : memref<!tpu.dma_semaphore, #tpu.memory_space<semaphore_mem>>)
      %dma_wait3A_11 = arith.constant 0 : i32
      %dma_wait3A_12 = tpu.memref_slice %arg4[%mul3A_2, %dma_wait3A_11] : memref<4096x256xf32, #tpu.memory_space<hbm>> -> memref<128x256xf32, #tpu.memory_space<hbm>>
      %dma_wait3A_13 = arith.constant 0 : i32
      %dma_wait3A_14 = tpu.memref_slice %arg4[%mul3A_2, %dma_wait3A_13] : memref<4096x256xf32, #tpu.memory_space<hbm>> -> memref<128x256xf32, #tpu.memory_space<hbm>>
      tpu.wait_dma2 semaphore(%run_scoped3A : memref<!tpu.dma_semaphore, #tpu.memory_space<semaphore_mem>>) src(%arg6 : memref<128x256xf32, #tpu.memory_space<vmem>>) dst(%dma_wait3A_14 : memref<128x256xf32, #tpu.memory_space<hbm>>)
      tpu.yield
    }) : () -> ()
    return
  }
}

#map = affine_map<(d0, d1) -> (0, 0)>
#map1 = affine_map<(d0, d1) -> (0)>
module attributes {stable_mosaic.version = 14 : i64} {
  func.func @_gather_body(%arg0: i32, %arg1: i32, %arg2: memref<8192x256xf32, #tpu.memory_space<hbm>>, %arg3: memref<4096xi32, #tpu.memory_space<hbm>>, %arg4: memref<4096x256xf32, #tpu.memory_space<hbm>>, %arg5: memref<128xi32, #tpu.memory_space<vmem>>, %arg6: memref<128x256xf32, #tpu.memory_space<vmem>>, %arg7: memref<!tpu.dma_semaphore, #tpu.memory_space<semaphore_mem>>) attributes {dimension_semantics = [#tpu.dimension_semantics<core_parallel>, #tpu.dimension_semantics<subcore_parallel>], iteration_bounds = array<i64: 2, 16>, scalar_prefetch = 0 : i64, scratch_operands = 3 : i64, tpu.core_type = #tpu.core_type<sc_vector_subcore>, window_params = [{transform_indices = #map}, {transform_indices = #map1}, {transform_indices = #map}]} {
    %mul3A = arith.constant 2 : i32
    %mul3A_0 = arith.muli %arg1, %mul3A : i32
    %add3A = arith.addi %mul3A_0, %arg0 : i32
    %mul3A_1 = arith.constant 128 : i32
    %mul3A_2 = arith.muli %add3A, %mul3A_1 : i32
    "tpu.region"() ({
      %run_scoped3A = tpu.sem_alloc : memref<!tpu.dma_semaphore, #tpu.memory_space<semaphore_mem>>
      %dma_start3A_7 = tpu.memref_slice %arg3[%mul3A_2] : memref<4096xi32, #tpu.memory_space<hbm>> -> memref<128xi32, #tpu.memory_space<hbm>>
      %dma_start3A_8 = tpu.memref_slice %arg3[%mul3A_2] : memref<4096xi32, #tpu.memory_space<hbm>> -> memref<128xi32, #tpu.memory_space<hbm>>
      tpu.enqueue_dma source(%dma_start3A_8 : memref<128xi32, #tpu.memory_space<hbm>>) target(%arg5 : memref<128xi32, #tpu.memory_space<vmem>>) target_semaphore(%run_scoped3A : memref<!tpu.dma_semaphore, #tpu.memory_space<semaphore_mem>>)
      %dma_wait3A_9 = tpu.memref_slice %arg3[%mul3A_2] : memref<4096xi32, #tpu.memory_space<hbm>> -> memref<128xi32, #tpu.memory_space<hbm>>
      %dma_wait3A_10 = tpu.memref_slice %arg3[%mul3A_2] : memref<4096xi32, #tpu.memory_space<hbm>> -> memref<128xi32, #tpu.memory_space<hbm>>
      tpu.wait_dma2 semaphore(%run_scoped3A : memref<!tpu.dma_semaphore, #tpu.memory_space<semaphore_mem>>) src(%dma_wait3A_10 : memref<128xi32, #tpu.memory_space<hbm>>) dst(%arg5 : memref<128xi32, #tpu.memory_space<vmem>>)
      tpu.yield
    }) : () -> ()
    %dma_start3A = arith.constant 0 : i32
    %dma_start3A_3 = arith.constant 0 : i32
    %dma_start3A_4 = tpu.memref_slice %arg2[%dma_start3A, %dma_start3A_3] : memref<8192x256xf32, #tpu.memory_space<hbm>> -> memref<8192x256xf32, #tpu.memory_space<hbm>>
    tpu.enqueue_indirect_dma source(%dma_start3A_4 : memref<8192x256xf32, #tpu.memory_space<hbm>>) target(%arg6 : memref<128x256xf32, #tpu.memory_space<vmem>>) offsets(%arg5 : memref<128xi32, #tpu.memory_space<vmem>>) semaphore(%arg7 : memref<!tpu.dma_semaphore, #tpu.memory_space<semaphore_mem>>)
    %dma_wait3A = arith.constant 0 : i32
    %dma_wait3A_5 = arith.constant 0 : i32
    %dma_wait3A_6 = tpu.memref_slice %arg2[%dma_wait3A, %dma_wait3A_5] : memref<8192x256xf32, #tpu.memory_space<hbm>> -> memref<8192x256xf32, #tpu.memory_space<hbm>>
    tpu.wait_indirect_dma semaphore(%arg7 : memref<!tpu.dma_semaphore, #tpu.memory_space<semaphore_mem>>) src(%dma_wait3A_6 : memref<8192x256xf32, #tpu.memory_space<hbm>>) dst(%arg6 : memref<128x256xf32, #tpu.memory_space<vmem>>)
    "tpu.region"() ({
      %run_scoped3A = tpu.sem_alloc : memref<!tpu.dma_semaphore, #tpu.memory_space<semaphore_mem>>
      %dma_start3A_7 = arith.constant 0 : i32
      %dma_start3A_8 = tpu.memref_slice %arg4[%mul3A_2, %dma_start3A_7] : memref<4096x256xf32, #tpu.memory_space<hbm>> -> memref<128x256xf32, #tpu.memory_space<hbm>>
      %dma_start3A_9 = arith.constant 0 : i32
      %dma_start3A_10 = tpu.memref_slice %arg4[%mul3A_2, %dma_start3A_9] : memref<4096x256xf32, #tpu.memory_space<hbm>> -> memref<128x256xf32, #tpu.memory_space<hbm>>
      tpu.enqueue_dma source(%arg6 : memref<128x256xf32, #tpu.memory_space<vmem>>) target(%dma_start3A_10 : memref<128x256xf32, #tpu.memory_space<hbm>>) target_semaphore(%run_scoped3A : memref<!tpu.dma_semaphore, #tpu.memory_space<semaphore_mem>>)
      %dma_wait3A_11 = arith.constant 0 : i32
      %dma_wait3A_12 = tpu.memref_slice %arg4[%mul3A_2, %dma_wait3A_11] : memref<4096x256xf32, #tpu.memory_space<hbm>> -> memref<128x256xf32, #tpu.memory_space<hbm>>
      %dma_wait3A_13 = arith.constant 0 : i32
      %dma_wait3A_14 = tpu.memref_slice %arg4[%mul3A_2, %dma_wait3A_13] : memref<4096x256xf32, #tpu.memory_space<hbm>> -> memref<128x256xf32, #tpu.memory_space<hbm>>
      tpu.wait_dma2 semaphore(%run_scoped3A : memref<!tpu.dma_semaphore, #tpu.memory_space<semaphore_mem>>) src(%arg6 : memref<128x256xf32, #tpu.memory_space<vmem>>) dst(%dma_wait3A_14 : memref<128x256xf32, #tpu.memory_space<hbm>>)
      tpu.yield
    }) : () -> ()
    return
  }
}

#map = affine_map<(d0, d1) -> (0, 0)>
#map1 = affine_map<(d0, d1) -> (0)>
module attributes {stable_mosaic.version = 14 : i64} {
  func.func @_gather_body(%arg0: i32, %arg1: i32, %arg2: memref<8192x256xf32, #tpu.memory_space<hbm>>, %arg3: memref<4096xi32, #tpu.memory_space<hbm>>, %arg4: memref<4096x256xf32, #tpu.memory_space<hbm>>, %arg5: memref<128xi32, #tpu.memory_space<vmem>>, %arg6: memref<128x256xf32, #tpu.memory_space<vmem>>, %arg7: memref<!tpu.dma_semaphore, #tpu.memory_space<semaphore_mem>>) attributes {dimension_semantics = [#tpu.dimension_semantics<core_parallel>, #tpu.dimension_semantics<subcore_parallel>], iteration_bounds = array<i64: 2, 16>, scalar_prefetch = 0 : i64, scratch_operands = 3 : i64, tpu.core_type = #tpu.core_type<sc_vector_subcore>, window_params = [{transform_indices = #map}, {transform_indices = #map1}, {transform_indices = #map}]} {
    %mul3A = arith.constant 2 : i32
    %mul3A_0 = arith.muli %arg1, %mul3A : i32
    %add3A = arith.addi %mul3A_0, %arg0 : i32
    %mul3A_1 = arith.constant 128 : i32
    %mul3A_2 = arith.muli %add3A, %mul3A_1 : i32
    "tpu.region"() ({
      %run_scoped3A = tpu.sem_alloc : memref<!tpu.dma_semaphore, #tpu.memory_space<semaphore_mem>>
      %dma_start3A_7 = tpu.memref_slice %arg3[%mul3A_2] : memref<4096xi32, #tpu.memory_space<hbm>> -> memref<128xi32, #tpu.memory_space<hbm>>
      %dma_start3A_8 = tpu.memref_slice %arg3[%mul3A_2] : memref<4096xi32, #tpu.memory_space<hbm>> -> memref<128xi32, #tpu.memory_space<hbm>>
      tpu.enqueue_dma source(%dma_start3A_8 : memref<128xi32, #tpu.memory_space<hbm>>) target(%arg5 : memref<128xi32, #tpu.memory_space<vmem>>) target_semaphore(%run_scoped3A : memref<!tpu.dma_semaphore, #tpu.memory_space<semaphore_mem>>)
      %dma_wait3A_9 = tpu.memref_slice %arg3[%mul3A_2] : memref<4096xi32, #tpu.memory_space<hbm>> -> memref<128xi32, #tpu.memory_space<hbm>>
      %dma_wait3A_10 = tpu.memref_slice %arg3[%mul3A_2] : memref<4096xi32, #tpu.memory_space<hbm>> -> memref<128xi32, #tpu.memory_space<hbm>>
      tpu.wait_dma2 semaphore(%run_scoped3A : memref<!tpu.dma_semaphore, #tpu.memory_space<semaphore_mem>>) src(%dma_wait3A_10 : memref<128xi32, #tpu.memory_space<hbm>>) dst(%arg5 : memref<128xi32, #tpu.memory_space<vmem>>)
      tpu.yield
    }) : () -> ()
    %dma_start3A = arith.constant 0 : i32
    %dma_start3A_3 = arith.constant 0 : i32
    %dma_start3A_4 = tpu.memref_slice %arg2[%dma_start3A, %dma_start3A_3] : memref<8192x256xf32, #tpu.memory_space<hbm>> -> memref<8192x256xf32, #tpu.memory_space<hbm>>
    tpu.enqueue_indirect_dma source(%dma_start3A_4 : memref<8192x256xf32, #tpu.memory_space<hbm>>) target(%arg6 : memref<128x256xf32, #tpu.memory_space<vmem>>) offsets(%arg5 : memref<128xi32, #tpu.memory_space<vmem>>) semaphore(%arg7 : memref<!tpu.dma_semaphore, #tpu.memory_space<semaphore_mem>>)
    %dma_wait3A = arith.constant 0 : i32
    %dma_wait3A_5 = arith.constant 0 : i32
    %dma_wait3A_6 = tpu.memref_slice %arg2[%dma_wait3A, %dma_wait3A_5] : memref<8192x256xf32, #tpu.memory_space<hbm>> -> memref<8192x256xf32, #tpu.memory_space<hbm>>
    tpu.wait_indirect_dma semaphore(%arg7 : memref<!tpu.dma_semaphore, #tpu.memory_space<semaphore_mem>>) src(%dma_wait3A_6 : memref<8192x256xf32, #tpu.memory_space<hbm>>) dst(%arg6 : memref<128x256xf32, #tpu.memory_space<vmem>>)
    "tpu.region"() ({
      %run_scoped3A = tpu.sem_alloc : memref<!tpu.dma_semaphore, #tpu.memory_space<semaphore_mem>>
      %dma_start3A_7 = arith.constant 0 : i32
      %dma_start3A_8 = tpu.memref_slice %arg4[%mul3A_2, %dma_start3A_7] : memref<4096x256xf32, #tpu.memory_space<hbm>> -> memref<128x256xf32, #tpu.memory_space<hbm>>
      %dma_start3A_9 = arith.constant 0 : i32
      %dma_start3A_10 = tpu.memref_slice %arg4[%mul3A_2, %dma_start3A_9] : memref<4096x256xf32, #tpu.memory_space<hbm>> -> memref<128x256xf32, #tpu.memory_space<hbm>>
      tpu.enqueue_dma source(%arg6 : memref<128x256xf32, #tpu.memory_space<vmem>>) target(%dma_start3A_10 : memref<128x256xf32, #tpu.memory_space<hbm>>) target_semaphore(%run_scoped3A : memref<!tpu.dma_semaphore, #tpu.memory_space<semaphore_mem>>)
      %dma_wait3A_11 = arith.constant 0 : i32
      %dma_wait3A_12 = tpu.memref_slice %arg4[%mul3A_2, %dma_wait3A_11] : memref<4096x256xf32, #tpu.memory_space<hbm>> -> memref<128x256xf32, #tpu.memory_space<hbm>>
      %dma_wait3A_13 = arith.constant 0 : i32
      %dma_wait3A_14 = tpu.memref_slice %arg4[%mul3A_2, %dma_wait3A_13] : memref<4096x256xf32, #tpu.memory_space<hbm>> -> memref<128x256xf32, #tpu.memory_space<hbm>>
      tpu.wait_dma2 semaphore(%run_scoped3A : memref<!tpu.dma_semaphore, #tpu.memory_space<semaphore_mem>>) src(%arg6 : memref<128x256xf32, #tpu.memory_space<vmem>>) dst(%dma_wait3A_14 : memref<128x256xf32, #tpu.memory_space<hbm>>)
      tpu.yield
    }) : () -> ()
    return
  }
}

module attributes {stable_mosaic.version = 14 : i64} {
  func.func @_argmin_step_body(%arg0: i32, %arg1: i32, %arg2: memref<256x256xf32, #tpu.memory_space<vmem>>, %arg3: memref<256x256xf32, #tpu.memory_space<vmem>>, %arg4: memref<256x8192xf32, #tpu.memory_space<vmem>>, %arg5: memref<256x1xi32, #tpu.memory_space<vmem>>, %arg6: memref<256x256xf32, #tpu.memory_space<vmem>>, %arg7: memref<256x1xf32, #tpu.memory_space<vmem>>, %arg8: memref<256x1xf32, #tpu.memory_space<vmem>>, %arg9: memref<256x1xi32, #tpu.memory_space<vmem>>) attributes {dimension_semantics = [#tpu.dimension_semantics<arbitrary>, #tpu.dimension_semantics<arbitrary>], iteration_bounds = array<i64: 16, 16>, scalar_prefetch = 0 : i64, scratch_operands = 3 : i64, tpu.core_type = #tpu.core_type<tc>, window_params = [{transform_indices = @transform_0, window_bounds = array<i64: 256, 256>}, {transform_indices = @transform_1, window_bounds = array<i64: 256, 256>}, {pipeline_mode = #tpu.pipeline_mode<synchronous>, transform_indices = @transform_2, window_bounds = array<i64: 256, 8192>}, {transform_indices = @transform_3, window_bounds = array<i64: 256, 1>}, {transform_indices = @transform_4, window_bounds = array<i64: 256, 256>}]} {
    %eq3A = arith.constant 0 : i32
    %eq3A_0 = arith.cmpi eq, %arg1, %eq3A : i32
    %convert_element_type3A = arith.extui %eq3A_0 : i1 to i32
    %cond3A = arith.constant 0 : i32
    %cond3A_1 = arith.cmpi ne, %convert_element_type3A, %cond3A : i32
    scf.if %cond3A_1 {
      %get3A_45 = arith.constant 0 : index
      %get3A_46 = arith.constant 0 : index
      %get3A_47 = vector.load %arg2[%get3A_45, %get3A_46] : memref<256x256xf32, #tpu.memory_space<vmem>>, vector<256x256xf32>
      %get3A_48 = arith.constant 0 : index
      %get3A_49 = arith.constant 0 : index
      %get3A_50 = vector.load %arg3[%get3A_48, %get3A_49] : memref<256x256xf32, #tpu.memory_space<vmem>>, vector<256x256xf32>
      %sub3A_51 = arith.subf %get3A_47, %get3A_50 : vector<256x256xf32>
      %swap3A = arith.constant 0 : index
      %swap3A_52 = arith.constant 0 : index
      %swap3A_53 = vector.load %arg6[%swap3A, %swap3A_52] : memref<256x256xf32, #tpu.memory_space<vmem>>, vector<256x256xf32>
      tpu.vector_store %arg6[%swap3A, %swap3A_52], %sub3A_51 {strides = array<i32>} : memref<256x256xf32, #tpu.memory_space<vmem>>, vector<256x256xf32>,
      %mul3A_54 = arith.mulf %sub3A_51, %sub3A_51 : vector<256x256xf32>
      %reduce_sum3A_55 = arith.constant dense<0.000000e+00> : vector<256xf32>
      %reduce_sum3A_56 = vector.multi_reduction <add>, %mul3A_54, %reduce_sum3A_55 [1] : vector<256x256xf32> to vector<256xf32>
      %broadcast_in_dim3A_57 = vector.shape_cast %reduce_sum3A_56 : vector<256xf32> to vector<256x1xf32>
      %swap3A_58 = arith.constant 0 : index
      %swap3A_59 = arith.constant 0 : index
      %swap3A_60 = vector.load %arg7[%swap3A_58, %swap3A_59] : memref<256x1xf32, #tpu.memory_space<vmem>>, vector<256x1xf32>
      tpu.vector_store %arg7[%swap3A_58, %swap3A_59], %broadcast_in_dim3A_57 {strides = array<i32>} : memref<256x1xf32, #tpu.memory_space<vmem>>, vector<256x1xf32>,
    } else {
    }
    %get3A = arith.constant 0 : index
    %get3A_2 = arith.constant 0 : index
    %get3A_3 = vector.load %arg6[%get3A, %get3A_2] : memref<256x256xf32, #tpu.memory_space<vmem>>, vector<256x256xf32>
    %mul3A = arith.constant 512 : i32
    %mul3A_4 = arith.muli %arg1, %mul3A : i32
    %get3A_5 = arith.constant 0 : index
    %get3A_6 = arith.index_cast %mul3A_4 : i32 to index
    %get3A_7 = vector.load %arg4[%get3A_5, %get3A_6] : memref<256x8192xf32, #tpu.memory_space<vmem>>, vector<256x512xf32>
    %dot_general3A = arith.constant dense<0.000000e+00> : vector<256x512xf32>
    %dot_general3A_8 = tpu.matmul %get3A_3, %get3A_7, %dot_general3A {dimension_numbers = #tpu.dot_dimension_numbers<[1], [0], [0], [1], [0, 0, 1, 1], [], []>, transpose_lhs_hint = false} : vector<256x256xf32>, vector<256x512xf32>, vector<256x512xf32> -> vector<256x512xf32>
    %mul3A_9 = arith.mulf %get3A_7, %get3A_7 : vector<256x512xf32>
    %reduce_sum3A = arith.constant dense<0.000000e+00> : vector<512xf32>
    %reduce_sum3A_10 = vector.multi_reduction <add>, %mul3A_9, %reduce_sum3A [0] : vector<256x512xf32> to vector<512xf32>
    %broadcast_in_dim3A = vector.shape_cast %reduce_sum3A_10 : vector<512xf32> to vector<1x512xf32>
    %get3A_11 = arith.constant 0 : index
    %get3A_12 = arith.constant 0 : index
    %get3A_13 = vector.load %arg7[%get3A_11, %get3A_12] : memref<256x1xf32, #tpu.memory_space<vmem>>, vector<256x1xf32>
    %add3A = vector.broadcast %get3A_13 : vector<256x1xf32> to vector<256x512xf32>
    %add3A_14 = vector.broadcast %broadcast_in_dim3A : vector<1x512xf32> to vector<256x512xf32>
    %add3A_15 = arith.addf %add3A, %add3A_14 : vector<256x512xf32>
    %mul3A_16 = arith.constant 2.000000e+00 : f32
    %mul3A_17 = vector.broadcast %mul3A_16 : f32 to vector<256x512xf32>
    %mul3A_18 = arith.mulf %mul3A_17, %dot_general3A_8 : vector<256x512xf32>
    %sub3A = arith.subf %add3A_15, %mul3A_18 : vector<256x512xf32>
    %reduce_min3A = arith.constant dense<0x7F800000> : vector<256xf32>
    %reduce_min3A_19 = vector.multi_reduction <minimumf>, %sub3A, %reduce_min3A [1] : vector<256x512xf32> to vector<256xf32>
    %broadcast_in_dim3A_20 = vector.shape_cast %reduce_min3A_19 : vector<256xf32> to vector<256x1xf32>
    %iota3A = tpu.iota {dimensions = array<i32: 1>} : vector<256x512xi32>
    %eq3A_21 = vector.broadcast %broadcast_in_dim3A_20 : vector<256x1xf32> to vector<256x512xf32>
    %eq3A_22 = arith.cmpf oeq, %sub3A, %eq3A_21 : vector<256x512xf32>
    %jit3A = arith.constant 512 : i32
    %broadcast_in_dim3A_23 = vector.broadcast %jit3A : i32 to vector<256x512xi32>
    %select_n3A = arith.select %eq3A_22, %iota3A, %broadcast_in_dim3A_23 : vector<256x512xi1>, vector<256x512xi32>
    %reduce_min3A_24 = arith.constant dense<2147483647> : vector<256xi32>
    %reduce_min3A_25 = vector.multi_reduction <minsi>, %select_n3A, %reduce_min3A_24 [1] : vector<256x512xi32> to vector<256xi32>
    %broadcast_in_dim3A_26 = vector.shape_cast %reduce_min3A_25 : vector<256xi32> to vector<256x1xi32>
    %mul3A_27 = arith.constant 512 : i32
    %mul3A_28 = arith.muli %arg1, %mul3A_27 : i32
    %add3A_29 = vector.broadcast %mul3A_28 : i32 to vector<256x1xi32>
    %add3A_30 = arith.addi %broadcast_in_dim3A_26, %add3A_29 : vector<256x1xi32>
    %eq3A_31 = arith.constant 0 : i32
    %eq3A_32 = arith.cmpi eq, %arg1, %eq3A_31 : i32
    %convert_element_type3A_33 = arith.extui %eq3A_32 : i1 to i32
    %cond3A_34 = arith.constant 0 : i32
    %cond3A_35 = arith.cmpi ne, %convert_element_type3A_33, %cond3A_34 : i32
    scf.if %cond3A_35 {
      %swap3A = arith.constant 0 : index
      %swap3A_45 = arith.constant 0 : index
      %swap3A_46 = vector.load %arg8[%swap3A, %swap3A_45] : memref<256x1xf32, #tpu.memory_space<vmem>>, vector<256x1xf32>
      tpu.vector_store %arg8[%swap3A, %swap3A_45], %broadcast_in_dim3A_20 {strides = array<i32>} : memref<256x1xf32, #tpu.memory_space<vmem>>, vector<256x1xf32>,
      %swap3A_47 = arith.constant 0 : index
      %swap3A_48 = arith.constant 0 : index
      %swap3A_49 = vector.load %arg9[%swap3A_47, %swap3A_48] : memref<256x1xi32, #tpu.memory_space<vmem>>, vector<256x1xi32>
      tpu.vector_store %arg9[%swap3A_47, %swap3A_48], %add3A_30 {strides = array<i32>} : memref<256x1xi32, #tpu.memory_space<vmem>>, vector<256x1xi32>,
    } else {
    }
    %gt3A = arith.constant 0 : i32
    %gt3A_36 = arith.cmpi sgt, %arg1, %gt3A : i32
    %convert_element_type3A_37 = arith.extui %gt3A_36 : i1 to i32
    %cond3A_38 = arith.constant 0 : i32
    %cond3A_39 = arith.cmpi ne, %convert_element_type3A_37, %cond3A_38 : i32
    scf.if %cond3A_39 {
      %get3A_45 = arith.constant 0 : index
      %get3A_46 = arith.constant 0 : index
      %get3A_47 = vector.load %arg8[%get3A_45, %get3A_46] : memref<256x1xf32, #tpu.memory_space<vmem>>, vector<256x1xf32>
      %lt3A = arith.cmpf olt, %broadcast_in_dim3A_20, %get3A_47 : vector<256x1xf32>
      %get3A_48 = arith.constant 0 : index
      %get3A_49 = arith.constant 0 : index
      %get3A_50 = vector.load %arg9[%get3A_48, %get3A_49] : memref<256x1xi32, #tpu.memory_space<vmem>>, vector<256x1xi32>
      %select_n3A_51 = arith.select %lt3A, %add3A_30, %get3A_50 : vector<256x1xi1>, vector<256x1xi32>
      %swap3A = arith.constant 0 : index
      %swap3A_52 = arith.constant 0 : index
      %swap3A_53 = vector.load %arg9[%swap3A, %swap3A_52] : memref<256x1xi32, #tpu.memory_space<vmem>>, vector<256x1xi32>
      tpu.vector_store %arg9[%swap3A, %swap3A_52], %select_n3A_51 {strides = array<i32>} : memref<256x1xi32, #tpu.memory_space<vmem>>, vector<256x1xi32>,
      %get3A_54 = arith.constant 0 : index
      %get3A_55 = arith.constant 0 : index
      %get3A_56 = vector.load %arg8[%get3A_54, %get3A_55] : memref<256x1xf32, #tpu.memory_space<vmem>>, vector<256x1xf32>
      %select_n3A_57 = arith.select %lt3A, %broadcast_in_dim3A_20, %get3A_56 : vector<256x1xi1>, vector<256x1xf32>
      %swap3A_58 = arith.constant 0 : index
      %swap3A_59 = arith.constant 0 : index
      %swap3A_60 = vector.load %arg8[%swap3A_58, %swap3A_59] : memref<256x1xf32, #tpu.memory_space<vmem>>, vector<256x1xf32>
      tpu.vector_store %arg8[%swap3A_58, %swap3A_59], %select_n3A_57 {strides = array<i32>} : memref<256x1xf32, #tpu.memory_space<vmem>>, vector<256x1xf32>,
    } else {
    }
    %eq3A_40 = arith.constant 15 : i32
    %eq3A_41 = arith.cmpi eq, %arg1, %eq3A_40 : i32
    %convert_element_type3A_42 = arith.extui %eq3A_41 : i1 to i32
    %cond3A_43 = arith.constant 0 : i32
    %cond3A_44 = arith.cmpi ne, %convert_element_type3A_42, %cond3A_43 : i32
    scf.if %cond3A_44 {
      %get3A_45 = arith.constant 0 : index
      %get3A_46 = arith.constant 0 : index
      %get3A_47 = vector.load %arg9[%get3A_45, %get3A_46] : memref<256x1xi32, #tpu.memory_space<vmem>>, vector<256x1xi32>
      %swap3A = arith.constant 0 : index
      %swap3A_48 = arith.constant 0 : index
      %swap3A_49 = vector.load %arg5[%swap3A, %swap3A_48] : memref<256x1xi32, #tpu.memory_space<vmem>>, vector<256x1xi32>
      tpu.vector_store %arg5[%swap3A, %swap3A_48], %get3A_47 {strides = array<i32>} : memref<256x1xi32, #tpu.memory_space<vmem>>, vector<256x1xi32>,
    } else {
    }
    return
  }
  func.func @transform_0(%arg0: i32, %arg1: i32) -> (i32, i32) {
    %c0_i32 = arith.constant 0 : i32
    %c0_i32_0 = arith.constant 0 : i32
    return %arg0, %c0_i32 : i32, i32
  }
  func.func @transform_1(%arg0: i32, %arg1: i32) -> (i32, i32) {
    %c0_i32 = arith.constant 0 : i32
    %c0_i32_0 = arith.constant 0 : i32
    return %arg0, %c0_i32 : i32, i32
  }
  func.func @transform_2(%arg0: i32, %arg1: i32) -> (i32, i32) {
    %c0_i32 = arith.constant 0 : i32
    %c0_i32_0 = arith.constant 0 : i32
    %c0_i32_1 = arith.constant 0 : i32
    return %c0_i32, %c0_i32_0 : i32, i32
  }
  func.func @transform_3(%arg0: i32, %arg1: i32) -> (i32, i32) {
    %c0_i32 = arith.constant 0 : i32
    %c0_i32_0 = arith.constant 0 : i32
    return %arg0, %c0_i32 : i32, i32
  }
  func.func @transform_4(%arg0: i32, %arg1: i32) -> (i32, i32) {
    %c0_i32 = arith.constant 0 : i32
    %c0_i32_0 = arith.constant 0 : i32
    return %arg0, %c0_i32 : i32, i32
  }
}

module attributes {stable_mosaic.version = 14 : i64} {
  func.func @_argmin_first_body(%arg0: i32, %arg1: i32, %arg2: memref<256x256xf32, #tpu.memory_space<vmem>>, %arg3: memref<256x8192xf32, #tpu.memory_space<vmem>>, %arg4: memref<256x1xi32, #tpu.memory_space<vmem>>, %arg5: memref<256x1xf32, #tpu.memory_space<vmem>>, %arg6: memref<256x1xf32, #tpu.memory_space<vmem>>, %arg7: memref<256x1xi32, #tpu.memory_space<vmem>>) attributes {dimension_semantics = [#tpu.dimension_semantics<arbitrary>, #tpu.dimension_semantics<arbitrary>], iteration_bounds = array<i64: 16, 16>, scalar_prefetch = 0 : i64, scratch_operands = 3 : i64, tpu.core_type = #tpu.core_type<tc>, window_params = [{transform_indices = @transform_0, window_bounds = array<i64: 256, 256>}, {pipeline_mode = #tpu.pipeline_mode<synchronous>, transform_indices = @transform_1, window_bounds = array<i64: 256, 8192>}, {transform_indices = @transform_2, window_bounds = array<i64: 256, 1>}]} {
    %eq3A = arith.constant 0 : i32
    %eq3A_0 = arith.cmpi eq, %arg1, %eq3A : i32
    %convert_element_type3A = arith.extui %eq3A_0 : i1 to i32
    %cond3A = arith.constant 0 : i32
    %cond3A_1 = arith.cmpi ne, %convert_element_type3A, %cond3A : i32
    scf.if %cond3A_1 {
      %get3A_45 = arith.constant 0 : index
      %get3A_46 = arith.constant 0 : index
      %get3A_47 = vector.load %arg2[%get3A_45, %get3A_46] : memref<256x256xf32, #tpu.memory_space<vmem>>, vector<256x256xf32>
      %mul3A_48 = arith.mulf %get3A_47, %get3A_47 : vector<256x256xf32>
      %reduce_sum3A_49 = arith.constant dense<0.000000e+00> : vector<256xf32>
      %reduce_sum3A_50 = vector.multi_reduction <add>, %mul3A_48, %reduce_sum3A_49 [1] : vector<256x256xf32> to vector<256xf32>
      %broadcast_in_dim3A_51 = vector.shape_cast %reduce_sum3A_50 : vector<256xf32> to vector<256x1xf32>
      %swap3A = arith.constant 0 : index
      %swap3A_52 = arith.constant 0 : index
      %swap3A_53 = vector.load %arg5[%swap3A, %swap3A_52] : memref<256x1xf32, #tpu.memory_space<vmem>>, vector<256x1xf32>
      tpu.vector_store %arg5[%swap3A, %swap3A_52], %broadcast_in_dim3A_51 {strides = array<i32>} : memref<256x1xf32, #tpu.memory_space<vmem>>, vector<256x1xf32>,
    } else {
    }
    %get3A = arith.constant 0 : index
    %get3A_2 = arith.constant 0 : index
    %get3A_3 = vector.load %arg2[%get3A, %get3A_2] : memref<256x256xf32, #tpu.memory_space<vmem>>, vector<256x256xf32>
    %mul3A = arith.constant 512 : i32
    %mul3A_4 = arith.muli %arg1, %mul3A : i32
    %get3A_5 = arith.constant 0 : index
    %get3A_6 = arith.index_cast %mul3A_4 : i32 to index
    %get3A_7 = vector.load %arg3[%get3A_5, %get3A_6] : memref<256x8192xf32, #tpu.memory_space<vmem>>, vector<256x512xf32>
    %dot_general3A = arith.constant dense<0.000000e+00> : vector<256x512xf32>
    %dot_general3A_8 = tpu.matmul %get3A_3, %get3A_7, %dot_general3A {dimension_numbers = #tpu.dot_dimension_numbers<[1], [0], [0], [1], [0, 0, 1, 1], [], []>, transpose_lhs_hint = false} : vector<256x256xf32>, vector<256x512xf32>, vector<256x512xf32> -> vector<256x512xf32>
    %mul3A_9 = arith.mulf %get3A_7, %get3A_7 : vector<256x512xf32>
    %reduce_sum3A = arith.constant dense<0.000000e+00> : vector<512xf32>
    %reduce_sum3A_10 = vector.multi_reduction <add>, %mul3A_9, %reduce_sum3A [0] : vector<256x512xf32> to vector<512xf32>
    %broadcast_in_dim3A = vector.shape_cast %reduce_sum3A_10 : vector<512xf32> to vector<1x512xf32>
    %get3A_11 = arith.constant 0 : index
    %get3A_12 = arith.constant 0 : index
    %get3A_13 = vector.load %arg5[%get3A_11, %get3A_12] : memref<256x1xf32, #tpu.memory_space<vmem>>, vector<256x1xf32>
    %add3A = vector.broadcast %get3A_13 : vector<256x1xf32> to vector<256x512xf32>
    %add3A_14 = vector.broadcast %broadcast_in_dim3A : vector<1x512xf32> to vector<256x512xf32>
    %add3A_15 = arith.addf %add3A, %add3A_14 : vector<256x512xf32>
    %mul3A_16 = arith.constant 2.000000e+00 : f32
    %mul3A_17 = vector.broadcast %mul3A_16 : f32 to vector<256x512xf32>
    %mul3A_18 = arith.mulf %mul3A_17, %dot_general3A_8 : vector<256x512xf32>
    %sub3A = arith.subf %add3A_15, %mul3A_18 : vector<256x512xf32>
    %reduce_min3A = arith.constant dense<0x7F800000> : vector<256xf32>
    %reduce_min3A_19 = vector.multi_reduction <minimumf>, %sub3A, %reduce_min3A [1] : vector<256x512xf32> to vector<256xf32>
    %broadcast_in_dim3A_20 = vector.shape_cast %reduce_min3A_19 : vector<256xf32> to vector<256x1xf32>
    %iota3A = tpu.iota {dimensions = array<i32: 1>} : vector<256x512xi32>
    %eq3A_21 = vector.broadcast %broadcast_in_dim3A_20 : vector<256x1xf32> to vector<256x512xf32>
    %eq3A_22 = arith.cmpf oeq, %sub3A, %eq3A_21 : vector<256x512xf32>
    %jit3A = arith.constant 512 : i32
    %broadcast_in_dim3A_23 = vector.broadcast %jit3A : i32 to vector<256x512xi32>
    %select_n3A = arith.select %eq3A_22, %iota3A, %broadcast_in_dim3A_23 : vector<256x512xi1>, vector<256x512xi32>
    %reduce_min3A_24 = arith.constant dense<2147483647> : vector<256xi32>
    %reduce_min3A_25 = vector.multi_reduction <minsi>, %select_n3A, %reduce_min3A_24 [1] : vector<256x512xi32> to vector<256xi32>
    %broadcast_in_dim3A_26 = vector.shape_cast %reduce_min3A_25 : vector<256xi32> to vector<256x1xi32>
    %mul3A_27 = arith.constant 512 : i32
    %mul3A_28 = arith.muli %arg1, %mul3A_27 : i32
    %add3A_29 = vector.broadcast %mul3A_28 : i32 to vector<256x1xi32>
    %add3A_30 = arith.addi %broadcast_in_dim3A_26, %add3A_29 : vector<256x1xi32>
    %eq3A_31 = arith.constant 0 : i32
    %eq3A_32 = arith.cmpi eq, %arg1, %eq3A_31 : i32
    %convert_element_type3A_33 = arith.extui %eq3A_32 : i1 to i32
    %cond3A_34 = arith.constant 0 : i32
    %cond3A_35 = arith.cmpi ne, %convert_element_type3A_33, %cond3A_34 : i32
    scf.if %cond3A_35 {
      %swap3A = arith.constant 0 : index
      %swap3A_45 = arith.constant 0 : index
      %swap3A_46 = vector.load %arg6[%swap3A, %swap3A_45] : memref<256x1xf32, #tpu.memory_space<vmem>>, vector<256x1xf32>
      tpu.vector_store %arg6[%swap3A, %swap3A_45], %broadcast_in_dim3A_20 {strides = array<i32>} : memref<256x1xf32, #tpu.memory_space<vmem>>, vector<256x1xf32>,
      %swap3A_47 = arith.constant 0 : index
      %swap3A_48 = arith.constant 0 : index
      %swap3A_49 = vector.load %arg7[%swap3A_47, %swap3A_48] : memref<256x1xi32, #tpu.memory_space<vmem>>, vector<256x1xi32>
      tpu.vector_store %arg7[%swap3A_47, %swap3A_48], %add3A_30 {strides = array<i32>} : memref<256x1xi32, #tpu.memory_space<vmem>>, vector<256x1xi32>,
    } else {
    }
    %gt3A = arith.constant 0 : i32
    %gt3A_36 = arith.cmpi sgt, %arg1, %gt3A : i32
    %convert_element_type3A_37 = arith.extui %gt3A_36 : i1 to i32
    %cond3A_38 = arith.constant 0 : i32
    %cond3A_39 = arith.cmpi ne, %convert_element_type3A_37, %cond3A_38 : i32
    scf.if %cond3A_39 {
      %get3A_45 = arith.constant 0 : index
      %get3A_46 = arith.constant 0 : index
      %get3A_47 = vector.load %arg6[%get3A_45, %get3A_46] : memref<256x1xf32, #tpu.memory_space<vmem>>, vector<256x1xf32>
      %lt3A = arith.cmpf olt, %broadcast_in_dim3A_20, %get3A_47 : vector<256x1xf32>
      %get3A_48 = arith.constant 0 : index
      %get3A_49 = arith.constant 0 : index
      %get3A_50 = vector.load %arg7[%get3A_48, %get3A_49] : memref<256x1xi32, #tpu.memory_space<vmem>>, vector<256x1xi32>
      %select_n3A_51 = arith.select %lt3A, %add3A_30, %get3A_50 : vector<256x1xi1>, vector<256x1xi32>
      %swap3A = arith.constant 0 : index
      %swap3A_52 = arith.constant 0 : index
      %swap3A_53 = vector.load %arg7[%swap3A, %swap3A_52] : memref<256x1xi32, #tpu.memory_space<vmem>>, vector<256x1xi32>
      tpu.vector_store %arg7[%swap3A, %swap3A_52], %select_n3A_51 {strides = array<i32>} : memref<256x1xi32, #tpu.memory_space<vmem>>, vector<256x1xi32>,
      %get3A_54 = arith.constant 0 : index
      %get3A_55 = arith.constant 0 : index
      %get3A_56 = vector.load %arg6[%get3A_54, %get3A_55] : memref<256x1xf32, #tpu.memory_space<vmem>>, vector<256x1xf32>
      %select_n3A_57 = arith.select %lt3A, %broadcast_in_dim3A_20, %get3A_56 : vector<256x1xi1>, vector<256x1xf32>
      %swap3A_58 = arith.constant 0 : index
      %swap3A_59 = arith.constant 0 : index
      %swap3A_60 = vector.load %arg6[%swap3A_58, %swap3A_59] : memref<256x1xf32, #tpu.memory_space<vmem>>, vector<256x1xf32>
      tpu.vector_store %arg6[%swap3A_58, %swap3A_59], %select_n3A_57 {strides = array<i32>} : memref<256x1xf32, #tpu.memory_space<vmem>>, vector<256x1xf32>,
    } else {
    }
    %eq3A_40 = arith.constant 15 : i32
    %eq3A_41 = arith.cmpi eq, %arg1, %eq3A_40 : i32
    %convert_element_type3A_42 = arith.extui %eq3A_41 : i1 to i32
    %cond3A_43 = arith.constant 0 : i32
    %cond3A_44 = arith.cmpi ne, %convert_element_type3A_42, %cond3A_43 : i32
    scf.if %cond3A_44 {
      %get3A_45 = arith.constant 0 : index
      %get3A_46 = arith.constant 0 : index
      %get3A_47 = vector.load %arg7[%get3A_45, %get3A_46] : memref<256x1xi32, #tpu.memory_space<vmem>>, vector<256x1xi32>
      %swap3A = arith.constant 0 : index
      %swap3A_48 = arith.constant 0 : index
      %swap3A_49 = vector.load %arg4[%swap3A, %swap3A_48] : memref<256x1xi32, #tpu.memory_space<vmem>>, vector<256x1xi32>
      tpu.vector_store %arg4[%swap3A, %swap3A_48], %get3A_47 {strides = array<i32>} : memref<256x1xi32, #tpu.memory_space<vmem>>, vector<256x1xi32>,
    } else {
    }
    return
  }
  func.func @transform_0(%arg0: i32, %arg1: i32) -> (i32, i32) {
    %c0_i32 = arith.constant 0 : i32
    %c0_i32_0 = arith.constant 0 : i32
    return %arg0, %c0_i32 : i32, i32
  }
  func.func @transform_1(%arg0: i32, %arg1: i32) -> (i32, i32) {
    %c0_i32 = arith.constant 0 : i32
    %c0_i32_0 = arith.constant 0 : i32
    %c0_i32_1 = arith.constant 0 : i32
    return %c0_i32, %c0_i32_0 : i32, i32
  }
  func.func @transform_2(%arg0: i32, %arg1: i32) -> (i32, i32) {
    %c0_i32 = arith.constant 0 : i32
    %c0_i32_0 = arith.constant 0 : i32
    return %arg0, %c0_i32 : i32, i32
  }
}

module attributes {stable_mosaic.version = 14 : i64} {
  func.func @_perp_body(%arg0: memref<64x128xf32, #tpu.memory_space<vmem>>, %arg1: memref<1x1xf32, #tpu.memory_space<vmem>>) attributes {dimension_semantics = [], scalar_prefetch = 0 : i64, scratch_operands = 0 : i64, tpu.core_type = #tpu.core_type<tc>} {
    %get3A = arith.constant 0 : index
    %get3A_0 = arith.constant 0 : index
    %get3A_1 = vector.load %arg0[%get3A, %get3A_0] : memref<64x128xf32, #tpu.memory_space<vmem>>, vector<64x128xf32>
    %div3A = arith.constant 1.638400e+04 : f32
    %div3A_2 = vector.broadcast %div3A : f32 to vector<64x128xf32>
    %div3A_3 = arith.divf %get3A_1, %div3A_2 : vector<64x128xf32>
    %max3A = arith.constant 1.000000e-10 : f32
    %max3A_4 = vector.broadcast %max3A : f32 to vector<64x128xf32>
    %max3A_5 = arith.maximumf %div3A_3, %max3A_4 : vector<64x128xf32>
    %log3A = math.log %max3A_5 : vector<64x128xf32>
    %mul3A = arith.mulf %div3A_3, %log3A : vector<64x128xf32>
    %reduce_sum3A = vector.shape_cast %mul3A : vector<64x128xf32> to vector<1x64x128xf32>
    %reduce_sum3A_6 = arith.constant dense<0.000000e+00> : vector<1xf32>
    %reduce_sum3A_7 = vector.multi_reduction <add>, %reduce_sum3A, %reduce_sum3A_6 [1, 2] : vector<1x64x128xf32> to vector<1xf32>
    %reduce_sum3A_8 = vector.shape_cast %reduce_sum3A_7 : vector<1xf32> to vector<1x1x1xf32>
    %reduce_sum3A_9 = vector.extract %reduce_sum3A_8[0, 0, 0] : f32 from vector<1x1x1xf32>
    %broadcast_in_dim3A = vector.broadcast %reduce_sum3A_9 : f32 to vector<1x1xf32>
    %neg3A = arith.constant 0.000000e+00 : f32
    %neg3A_10 = vector.broadcast %neg3A : f32 to vector<1x1xf32>
    %neg3A_11 = arith.subf %neg3A_10, %broadcast_in_dim3A : vector<1x1xf32>
    %exp3A = math.exp %neg3A_11 : vector<1x1xf32>
    %swap3A = arith.constant 0 : index
    %swap3A_12 = arith.constant 0 : index
    %swap3A_13 = vector.load %arg1[%swap3A, %swap3A_12] : memref<1x1xf32, #tpu.memory_space<vmem>>, vector<1x1xf32>
    tpu.vector_store %arg1[%swap3A, %swap3A_12], %exp3A {strides = array<i32>} : memref<1x1xf32, #tpu.memory_space<vmem>>, vector<1x1xf32>,
    return
  }
}

</mosaic_0001>

<sc_bundles>
// kernel: kernel.12.cloned.1.call-start
scs
__scs_entry_jumppad:
0x0: {  	(pc) =	sbr.rel $0x88, $3  }
0x1: {  	(tag) =	ssettag $0x0;
	lr =	simm.s32 $0x1  }
0x2: {  	[smem:$0x3F9F] =	sst lr;
	_ =	strace $0xD0000000  }
0x3: {  	_ = 	snop  }
0x4: {  	_ = 	snop  }
0x5: {  	_ = 	snop  }
0x6: {  	_ = 	snop  }
0x7: {  	_ = 	snop  }
__scs_overlays_trampoline_lowered:
0x8: {  	[smem:$0x3FAE] =	sst s0  }
0x9: {  	[smem:$0x3FAF] =	sst s1  }
0xa: {  	[smem:$0x3FB0] =	sst s2  }
0xb: {  	[smem:$0x3FB1] =	sst s3  }
0xc: {  	[smem:$0x3FB2] =	sst s4  }
0xd: {  	[smem:$0x3FB3] =	sst s5  }
0xe: {  	[smem:$0x3FB4] =	sst s6  }
0xf: {  	[smem:$0x3FB5] =	sst s7  }
0x10: {  	[smem:$0x3FB6] =	sst s8  }
0x11: {  	[smem:$0x3FB7] =	sst s9;
	s0 =	simm.s32 @!p0 $0x0  }
0x12: {  	s1 =	sld [smem:$0x3F9D];
	s0 =	simm.s32 @p0 $0x1  }
0x13: {  	[smem:$0x3FB8] =	sst s0;
	s0 =	simm.s32 @!p1 $0x0  }
0x14: {  	s2 =	sld [smem:$0x3F9C];
	s0 =	simm.s32 @p1 $0x1  }
0x15: {  	[smem:$0x3FB9] =	sst s0;
	s0 =	simm.s32 @!p2 $0x0  }
0x16: {  	s3 =	sld [smem:$0x3FDB];
	s0 =	simm.s32 @p2 $0x1  }
0x17: {  	s4 =	simm.s32 $0x1BF5;
	[smem:$0x3FBB] =	sst s0  }
0x18: {  	s0 =	sld [smem:$0x3F9E];
	_ =	swait.ge [sflag:s4], $0x0  }
0x19: {  	s7 =	sld [smem:$0x3F9F]  }
0x1a: {  	s8 =	sadd.s32 $0xFFFFE003, lr  }
0x1b: {  	s9 =	sadd.s32 $0xFFFFFEF7, lr;
	s5 =	simm.s32 $0xFFFFFFFF;
	p2 =	slt.u32 s8, $0xFFFFF086  }
0x1c: {  	p1 =	slt.u32 s9, $0xF7A;
	s5 =	simm.s32 @!p2 $0x0  }
0x1d: {  	s5 =	simm.s32 @p1 $0x1;
	p0 =	seq.s32 s7, s2  }
0x1e: {  	s7 =	smul.u32 @!p0 $0xF7A, s2;
	p2 =	seq.s32 @!p0 s5, $0x0  }
0x1f: {  	s9 =	smul.u32 $0xF7A, s1;
	s8 =	simm.s32 @!p0 $0x1BF5;
	p2 =	por !p2, p0  }
0x20: {  	[sflag:s8] =	ssyncset.s32 @!p0 $0xFFFFF086;
	s6 =	sadd.s32 @!p0 s3, s7;
	s7 =	simm.s32 @!p0 $0x108  }
0x21: {  	s3 =	sadd.s32 s3, s9;
	s6 =	sadd.s32 @!p0 $0x88, s6;
	s7 =	simm.s32 @p2 $0x1082  }
0x22: {  	[simem:s7], [sflag:s8] =	dma.local @!p0 [hbm:s6], $0xF7A  }
0x23: {  	s9 =	sor.u32 $0xD0000000, s2;
	s6 =	simm.s32 $0x108;
	_ =	swait.ge @!p0 [sflag:s8], $0x0  }
0x24: {  	s3 =	sadd.s32 $0x88, s3;
	s6 =	simm.s32 @!p1 $0x1082;
	[sflag:s4] =	ssyncset.s32 $0xFFFFF086  }
0x25: {  	[simem:s6], [sflag:s4] =	dma.local [hbm:s3], $0xF7A  }
0x26: {  	[smem:$0x3F9F] =	sst s1;
	(tag) =	ssettag s2;
	_ =	strace s9  }
0x27: {  	s1 =	sld [smem:$0x3FAF]  }
0x28: {  	s2 =	sld [smem:$0x3FB0]  }
0x29: {  	s4 =	sld [smem:$0x3FB2]  }
0x2a: {  	p0 =	seq.s32 s5, $0x0;
	s5 =	sld [smem:$0x3FB3]  }
0x2b: {  	s6 =	sld [smem:$0x3FB4]  }
0x2c: {  	s7 =	sld [smem:$0x3FB5]  }
0x2d: {  	s3 =	simm.s32 $0x108;
	s8 =	sld [smem:$0x3FB6]  }
0x2e: {  	s3 =	simm.s32 @!p0 $0x1082;
	s9 =	sld [smem:$0x3FB7]  }
0x2f: {  	lr =	sadd.s32 s0, s3;
	s0 =	sld [smem:$0x3FAE]  }
0x30: {  	s3 =	sld [smem:$0x3FB1]  }
0x31: {  	[smem:$0x3FBA] =	sst s10  }
0x32: {  	s10 =	sld [smem:$0x3FB8];
	_ =	sdelay $0x3  }
0x33: {  	p0 =	seq.s32 s10, $0x1;
	s10 =	sld [smem:$0x3FBA];
	_ =	sdelay $0x3  }
0x34: {  	[smem:$0x3FBA] =	sst s10  }
0x35: {  	s10 =	sld [smem:$0x3FB9];
	_ =	sdelay $0x3  }
0x36: {  	p1 =	seq.s32 s10, $0x1;
	s10 =	sld [smem:$0x3FBA];
	_ =	sdelay $0x3  }
0x37: {  	[smem:$0x3FBA] =	sst s10  }
0x38: {  	s10 =	sld [smem:$0x3FBB]  }
0x39: {  	_ = 	snop;
	(pc) =	sbr.ind lr, $3  }
0x3a: {  	_ = 	snop  }
0x3b: {  	_ = 	snop  }
0x3c: {  	p2 =	seq.s32 s10, $0x1;
	s10 =	sld [smem:$0x3FBA]  }
0x3d: {  	_ =	shalt  }
0x3e: {  	_ =	shalt  }
0x3f: {  	_ =	shalt  }
0x40: {  	_ =	shalt  }
0x41: {  	_ =	shalt  }
0x42: {  	_ =	shalt  }
0x43: {  	_ =	shalt  }
0x44: {  	_ =	shalt  }
0x45: {  	_ =	shalt  }
0x46: {  	_ =	shalt  }
0x47: {  	_ =	shalt  }
0x48: {  	_ =	shalt  }
0x49: {  	_ =	shalt  }
0x4a: {  	_ =	shalt  }
0x4b: {  	_ =	shalt  }
0x4c: {  	_ =	shalt  }
0x4d: {  	_ =	shalt  }
0x4e: {  	_ =	shalt  }
0x4f: {  	_ =	shalt  }
0x50: {  	_ =	shalt  }
0x51: {  	_ =	shalt  }
0x52: {  	_ =	shalt  }
0x53: {  	_ =	shalt  }
0x54: {  	_ =	shalt  }
0x55: {  	_ =	shalt  }
0x56: {  	_ =	shalt  }
0x57: {  	_ =	shalt  }
0x58: {  	_ =	shalt  }
0x59: {  	_ =	shalt  }
0x5a: {  	_ =	shalt  }
0x5b: {  	_ =	shalt  }
0x5c: {  	_ =	shalt  }
0x5d: {  	_ =	shalt  }
0x5e: {  	_ =	shalt  }
0x5f: {  	_ =	shalt  }
0x60: {  	_ =	shalt  }
0x61: {  	_ =	shalt  }
0x62: {  	_ =	shalt  }
0x63: {  	_ =	shalt  }
0x64: {  	_ =	shalt  }
0x65: {  	_ =	shalt  }
0x66: {  	_ =	shalt  }
0x67: {  	_ =	shalt  }
0x68: {  	_ =	shalt  }
0x69: {  	_ =	shalt  }
0x6a: {  	_ =	shalt  }
0x6b: {  	_ =	shalt  }
0x6c: {  	_ =	shalt  }
0x6d: {  	_ =	shalt  }
0x6e: {  	_ =	shalt  }
0x6f: {  	_ =	shalt  }
0x70: {  	_ =	shalt  }
0x71: {  	_ =	shalt  }
0x72: {  	_ =	shalt  }
0x73: {  	_ =	shalt  }
0x74: {  	_ =	shalt  }
0x75: {  	_ =	shalt  }
0x76: {  	_ =	shalt  }
0x77: {  	_ =	shalt  }
0x78: {  	_ =	shalt  }
0x79: {  	_ =	shalt  }
0x7a: {  	_ =	shalt  }
0x7b: {  	_ =	shalt  }
0x7c: {  	_ =	shalt  }
0x7d: {  	_ =	shalt  }
0x7e: {  	_ =	shalt  }
0x7f: {  	_ =	shalt  }
0x80: {  	_ =	shalt  }
0x81: {  	_ =	shalt  }
0x82: {  	_ =	shalt  }
0x83: {  	_ =	shalt  }
0x84: {  	_ =	shalt  }
0x85: {  	_ =	shalt  }
0x86: {  	_ =	shalt  }
0x87: {  	_ =	shalt  }
.Lfunc_end0:
.L_simem_size_0:
called_computation_lowered:
.L_overlay_start_0:
0x88: {  	s2 =	sld [smem:$0x3FD9]  }
0x89: {  	s3 =	sld [smem:$0x3FFE];
	_ =	sdelay $0x1  }
0x8a: {  	s1 =	srdreg.scid  }
0x8b: {  	s0 =	sand.u32 $0x1, s1  }
0x8c: {  	s15 =	sshll.u32 s0, $0xA;
	s2 =	sadd.s32 s3, s2  }
0x8d: {  	s2 =	sadd.s32 s2, s15  }
0x8e: {  	[smem:$0x3FC6] =	sst s2  }
0x8f: {  	_ = 	snop  }
0x90: {  	s2 =	sld [smem:$0x3FD0];
	_ =	sdelay $0x2  }
0x91: {  	s4 =	simm.s32 $0xB;
	s5 =	simm.s32 $0x10;
	s16 =	sld [smem:$0x3FC8]  }
0x92: {  	[smem:s5], [sflag:s4] =	dma.local [hbm:s2], $0x1  }
0x93: {  	_ =	swait.eq [sflag:s4], $0x1  }
0x94: {  	[sflag:s4] =	ssyncset.done $0x0  }
0x95: {  	s17 =	sld [smem:$0x10];
	[sflag:s4] =	ssyncadd.s32 $0xFFFFFFFF  }
0x96: {  	s18 =	sld [smem:$0x15];
	(tm) =	ssettm $0x1  }
0x97: {  	s19 =	sld [smem:$0x3FFB];
	_ =	sdelay $0x3  }
0x98: {  	_ =	strace s19  }
0x99: {  	s5 =	sld [smem:$0x3FFC];
	_ =	sdelay $0x3  }
0x9a: {  	_ =	strace s5  }
0x9b: {  	s5 =	sld [smem:$0x3FFD];
	_ =	sdelay $0x3  }
0x9c: {  	_ =	strace s5  }
0x9d: {  	_ =	strace $0x8FFFFFFF  }
0x9e: {  	s20 =	sld [smem:$0x3FDB];
	_ =	sdelay $0x1  }
0x9f: {  	s6 =	simm.s32 $_scs_section_size  }
0xa0: {  	s7 =	simm.s32 $_size__tile_overlayer_lowered;
	s8 =	simm.s32 $_tile_overlayer_lowered  }
0xa1: {  	s23 =	simm.s32 $0x1BFF;
	s22 =	sshll.u32 s8, $0x1;
	s5 =	sadd.s32 s6, s20  }
0xa2: {  	s9 =	simm.s32 $0x0;
	s21 =	sshll.u32 s7, $0x1;
	s7 =	sadd.s32 s22, s5  }
0xa3: {  	[timem:s9], [sflag:s23] =	dma.local [hbm:s7], s21  }
0xa4: {  	_ =	swait.ge [sflag:s23], s21  }
0xa5: {  	s6 =	ssub.s32 $0x0, s21;
	[sflag:s23] =	ssyncset.done $0x0  }
0xa6: {  	[sflag:s23] =	ssyncadd.s32 s6;
	_ =	sdelay $0x1  }
0xa7: {  	s24 =	simm.s32 $0x1B8B  }
0xa8: {  	_ =	swait.ge [sflag:s24], $0x1  }
0xa9: {  	[sflag:s24] =	ssyncset.done $0x0  }
0xaa: {  	s25 =	simm.s32 $0x1B8E;
	[sflag:s24] =	ssyncadd.s32 $0xFFFFFFFF  }
0xab: {  	s26 =	simm.s32 $execute0_lowered;
	[smem:$0x3FD2] =	sst s25  }
0xac: {  	s6 =	sshll.u32 s26, $0x1;
	_ =	strace $0x80000046;
	[dreg:$0x1] =	wrdreg $0xFFFFFFFF  }
0xad: {  	s28 =	simm.s32 $_size_execute0_lowered;
	s5 =	sadd.s32 s5, s6;
	[dreg:$0x0] =	wrdreg $0x0  }
0xae: {  	s6 =	sshll.u32 s28, $0x1;
	[dreg:$0x2] =	wrdreg s5  }
0xaf: {  	[dreg:$0x3] =	wrdreg s6  }
0xb0: {  	[dreg:$0x4] =	wrdreg $0xC0  }
0xb1: {  	_ =	task [dreg:s9], $0x5FFFF  }
0xb2: {  	[dreg:$0x1] =	wrdreg $0xFFFFFFFF  }
0xb3: {  	[dreg:$0x0] =	wrdreg $0x60  }
0xb4: {  	[dreg:$0x2] =	wrdreg s16  }
0xb5: {  	[dreg:$0x3] =	wrdreg s18  }
0xb6: {  	[dreg:$0x4] =	wrdreg s17  }
0xb7: {  	[dreg:$0x5] =	wrdreg $0x9  }
0xb8: {  	_ =	task.clear_ibuf [dreg:s9], $0x6FFFF;
	_ =	strace $0x90000046  }
0xb9: {  	s29 =	simm.s32 $0x9;
	_ =	strace $0x80000048  }
0xba: {  	_ =	swait.ge [sflag:s29], $0x1  }
0xbb: {  	[sflag:s29] =	ssyncadd.s32 $0xFFFFFFFF  }
0xbc: {  	_ =	strace $0x90000048  }
0xbd: {  	_ =	sfence  }
0xbe: {  	s30 =	sld [smem:$0x0];
	_ =	sdelay $0x2  }
0xbf: {  	s31 =	sshll.u32 s1, $0xD;
	s1 =	sshrl.u32 s1, $0x2  }
0xc0: {  	s3 =	sand.u32 $0x4000, s31;
	s1 =	sadd.s32 s1, s30  }
0xc1: {  	s0 =	sor.u32 s3, s0;
	s1 =	sshll.u32 s1, $0x11  }
0xc2: {  	s0 =	sor.u32 s1, s0  }
0xc3: {  	s0 =	sadd.s32 $0x8F2B, s0  }
0xc4: {  	[sflag:s0] =	ssyncadd.remote.s32 $0x1  }
0xc5: {  	_ =	sfence.sel $0xFFFF  }
0xc6: {  	[dreg:$0x0] =	wrdreg $0xFFFFFFFF;
	(pc) =	sbr.abs _section_cstart, $3  }
0xc7: {  	[dreg:$0x1] =	wrdreg $0xFFFFFFFF  }
0xc8: {  	_ =	task.clear_ibuf [dreg:s9], $0x2FFFF;
	_ =	strace $0x9FFFFFFF  }
0xc9: {  	(tm) =	ssettm $0x7FFFFFFF  }
tec
execute0_lowered:
.L_overlay_start_1:
0x0: {  	(tag) =	ssettag $0x1  }
0x1: {  	s1 =	rddreg [dreg:$0x0]  }
0x2: {  	s4 =	rddreg [dreg:$0x1]  }
0x3: {  	s5 =	rddreg [dreg:$0x2]  }
0x4: {  	s0 =	rddreg [dreg:$0x3];
	s3 =	simm.s32 $0x0;
	s6 =	srdreg.scid  }
0x5: {  	s2 =	stileid.u32;
	s10 =	simm.s32 $0x1080;
	s11 =	simm.s32 $0x1880  }
0x6: {  	s12 =	simm.s32 $0x2080;
	s13 =	simm.s32 $0x2880;
	s14 =	simm.s32 $0x3080  }
0x7: {  	s15 =	simm.s32 $0x3880;
	s16 =	simm.s32 $0x4080;
	s17 =	simm.s32 $0x4880  }
0x8: {  	s18 =	simm.s32 $0x5080;
	s19 =	simm.s32 $0x5880;
	s20 =	simm.s32 $0x6080  }
0x9: {  	s21 =	simm.s32 $0x6880;
	s22 =	simm.s32 $0x7080;
	s23 =	simm.s32 $0x7880  }
0xa: {  	s24 =	simm.s32 $0x1;
	[smem:$0x7FF] =	sst s3;
	s6 =	sand.u32 $0x1, s6  }
0xb: {  	s8 =	sshll.u32 s2, $0x8;
	s7 =	ssub.s32 $0x2, s6;
	s6 =	sshll.u32 s6, $0x7  }
0xc: {  	_ =	strace $0x80000047;
	s9 =	sshrl.u32 s7, $0x1;
	s6 =	sor.u32 s6, s8  }
0xd: {  	v2 =	vlaneseq.u32;
	s7 =	ssub.s32 s7, s9;
	s8 =	sshrl.u32 s6, $0x3;
	s6 =	sshll.u32 s6, $0x5  }
0xe: {  	vm0 =	vmmov $0xffff;
	v1 =	vshrl.u32 v2, $0x3;
	s9 =	simm.s32 $0x880;
	s4 =	sadd.s32 s4, s8;
	s5 =	sadd.s32 s5, s6  }
0xf: {  	v0 =	vand.u32 $0x7, v2;
	v2 =	vor.u32 $0x8, v2;
	v1 =	vmul.u32 $0x8, v1;
	s6 =	smax.u32 s7, $0x1;
	s7 =	simm.s32 $0x2;
	s8 =	simm.s32 $0x80  }
.LBB2_1:
0x10: {  	[tilespmem:s3], [sflag:$0x2] =	stream.linear.gather [hbm4b:s4+s3], $0x80, $0x38;
	[tilespmem:$0x8080] =	vst v63  }
0x11: {  	_ =	swait.ge [sflag:s7], $0x80  }
0x12: {  	[sflag:s7] =	ssyncset.done $0x0  }
0x13: {  	[sflag:s7] =	ssyncadd.s32 $0xFFFFFF80  }
0x14: {  	v3 =	vld [tilespmem:$0x0];
	_ =	sdelay $0x4  }
0x15: {  	v4 =	vshll.u32 v3, $0x1  }
0x16: {  	v3 =	vand.u32 $0x7, v3;
	v4 =	vand.u32 $0xFFFFFFF0, v4  }
0x17: {  	v3 =	vor.u32 v3, v4  }
0x18: {  	v4 =	vperm.xlane v3, v0;
	_ =	sdelay $0x1  }
0x19: {  	v3 =	vperm.xlane v3, v2;
	v4 =	vadd.s32 v1, v4;
	_ =	sdelay $0x1  }
0x1a: {  	v3 =	vadd.s32 v1, v3;
	_ =	sdelay $0x2  }
0x1b: {  	[tilespmem:s8], [sflag:$0x1] =	stream.indirect_vreg.gather [hbm4b:s1+s3], $0x80, v4, vm0, $0xb8;
	[tilespmem:$0x8080] =	vst v63  }
0x1c: {  	_ = 	snop  }
0x1d: {  	[tilespmem:s9], [sflag:$0x1] =	stream.indirect_vreg.gather [hbm4b:s1+s3], $0x80, v3, vm0, $0xb8;
	[tilespmem:$0x8080] =	vst v63  }
0x1e: {  	v3 =	vld [tilespmem:$0x10];
	_ =	sdelay $0x4  }
0x1f: {  	v57 =	vshll.u32 v3, $0x1  }
0x20: {  	v3 =	vand.u32 $0x7, v3;
	v4 =	vand.u32 $0xFFFFFFF0, v57  }
0x21: {  	v3 =	vor.u32 v3, v4  }
0x22: {  	v4 =	vperm.xlane v3, v0;
	_ =	sdelay $0x1  }
0x23: {  	v3 =	vperm.xlane v3, v2;
	v4 =	vadd.s32 v1, v4;
	_ =	sdelay $0x1  }
0x24: {  	v3 =	vadd.s32 v1, v3;
	_ =	sdelay $0x2  }
0x25: {  	[tilespmem:s10], [sflag:$0x1] =	stream.indirect_vreg.gather [hbm4b:s1+s3], $0x80, v4, vm0, $0xb8;
	[tilespmem:$0x8080] =	vst v63  }
0x26: {  	_ = 	snop  }
0x27: {  	[tilespmem:s11], [sflag:$0x1] =	stream.indirect_vreg.gather [hbm4b:s1+s3], $0x80, v3, vm0, $0xb8;
	[tilespmem:$0x8080] =	vst v63  }
0x28: {  	v3 =	vld [tilespmem:$0x20];
	_ =	sdelay $0x4  }
0x29: {  	v58 =	vshll.u32 v3, $0x1  }
0x2a: {  	v3 =	vand.u32 $0x7, v3;
	v4 =	vand.u32 $0xFFFFFFF0, v58  }
0x2b: {  	v3 =	vor.u32 v3, v4  }
0x2c: {  	v4 =	vperm.xlane v3, v0;
	_ =	sdelay $0x1  }
0x2d: {  	v3 =	vperm.xlane v3, v2;
	v4 =	vadd.s32 v1, v4;
	_ =	sdelay $0x1  }
0x2e: {  	v3 =	vadd.s32 v1, v3;
	_ =	sdelay $0x2  }
0x2f: {  	[tilespmem:s12], [sflag:$0x1] =	stream.indirect_vreg.gather [hbm4b:s1+s3], $0x80, v4, vm0, $0xb8;
	[tilespmem:$0x8080] =	vst v63  }
0x30: {  	_ = 	snop  }
0x31: {  	[tilespmem:s13], [sflag:$0x1] =	stream.indirect_vreg.gather [hbm4b:s1+s3], $0x80, v3, vm0, $0xb8;
	[tilespmem:$0x8080] =	vst v63  }
0x32: {  	v3 =	vld [tilespmem:$0x30];
	_ =	sdelay $0x4  }
0x33: {  	v59 =	vshll.u32 v3, $0x1  }
0x34: {  	v3 =	vand.u32 $0x7, v3;
	v4 =	vand.u32 $0xFFFFFFF0, v59  }
0x35: {  	v3 =	vor.u32 v3, v4  }
0x36: {  	v4 =	vperm.xlane v3, v0;
	_ =	sdelay $0x1  }
0x37: {  	v3 =	vperm.xlane v3, v2;
	v4 =	vadd.s32 v1, v4;
	_ =	sdelay $0x1  }
0x38: {  	v3 =	vadd.s32 v1, v3;
	_ =	sdelay $0x2  }
0x39: {  	[tilespmem:s14], [sflag:$0x1] =	stream.indirect_vreg.gather [hbm4b:s1+s3], $0x80, v4, vm0, $0xb8;
	[tilespmem:$0x8080] =	vst v63  }
0x3a: {  	_ = 	snop  }
0x3b: {  	[tilespmem:s15], [sflag:$0x1] =	stream.indirect_vreg.gather [hbm4b:s1+s3], $0x80, v3, vm0, $0xb8;
	[tilespmem:$0x8080] =	vst v63  }
0x3c: {  	v3 =	vld [tilespmem:$0x40];
	_ =	sdelay $0x4  }
0x3d: {  	v60 =	vshll.u32 v3, $0x1  }
0x3e: {  	v3 =	vand.u32 $0x7, v3;
	v4 =	vand.u32 $0xFFFFFFF0, v60  }
0x3f: {  	v3 =	vor.u32 v3, v4  }
0x40: {  	v4 =	vperm.xlane v3, v0;
	_ =	sdelay $0x1  }
0x41: {  	v3 =	vperm.xlane v3, v2;
	v4 =	vadd.s32 v1, v4;
	_ =	sdelay $0x1  }
0x42: {  	v3 =	vadd.s32 v1, v3;
	_ =	sdelay $0x2  }
0x43: {  	[tilespmem:s16], [sflag:$0x1] =	stream.indirect_vreg.gather [hbm4b:s1+s3], $0x80, v4, vm0, $0xb8;
	[tilespmem:$0x8080] =	vst v63  }
0x44: {  	_ = 	snop  }
0x45: {  	[tilespmem:s17], [sflag:$0x1] =	stream.indirect_vreg.gather [hbm4b:s1+s3], $0x80, v3, vm0, $0xb8;
	[tilespmem:$0x8080] =	vst v63  }
0x46: {  	v3 =	vld [tilespmem:$0x50];
	_ =	sdelay $0x4  }
0x47: {  	v61 =	vshll.u32 v3, $0x1  }
0x48: {  	v3 =	vand.u32 $0x7, v3;
	v4 =	vand.u32 $0xFFFFFFF0, v61  }
0x49: {  	v3 =	vor.u32 v3, v4  }
0x4a: {  	v4 =	vperm.xlane v3, v0;
	_ =	sdelay $0x1  }
0x4b: {  	v3 =	vperm.xlane v3, v2;
	v4 =	vadd.s32 v1, v4;
	_ =	sdelay $0x1  }
0x4c: {  	v3 =	vadd.s32 v1, v3;
	_ =	sdelay $0x2  }
0x4d: {  	[tilespmem:s18], [sflag:$0x1] =	stream.indirect_vreg.gather [hbm4b:s1+s3], $0x80, v4, vm0, $0xb8;
	[tilespmem:$0x8080] =	vst v63  }
0x4e: {  	_ = 	snop  }
0x4f: {  	[tilespmem:s19], [sflag:$0x1] =	stream.indirect_vreg.gather [hbm4b:s1+s3], $0x80, v3, vm0, $0xb8;
	[tilespmem:$0x8080] =	vst v63  }
0x50: {  	v3 =	vld [tilespmem:$0x60];
	_ =	sdelay $0x4  }
0x51: {  	v62 =	vshll.u32 v3, $0x1  }
0x52: {  	v3 =	vand.u32 $0x7, v3;
	v4 =	vand.u32 $0xFFFFFFF0, v62  }
0x53: {  	v3 =	vor.u32 v3, v4  }
0x54: {  	v4 =	vperm.xlane v3, v0;
	_ =	sdelay $0x1  }
0x55: {  	v3 =	vperm.xlane v3, v2;
	v4 =	vadd.s32 v1, v4;
	_ =	sdelay $0x1  }
0x56: {  	v3 =	vadd.s32 v1, v3;
	_ =	sdelay $0x2  }
0x57: {  	[tilespmem:s20], [sflag:$0x1] =	stream.indirect_vreg.gather [hbm4b:s1+s3], $0x80, v4, vm0, $0xb8;
	[tilespmem:$0x8080] =	vst v63  }
0x58: {  	_ = 	snop  }
0x59: {  	[tilespmem:s21], [sflag:$0x1] =	stream.indirect_vreg.gather [hbm4b:s1+s3], $0x80, v3, vm0, $0xb8;
	[tilespmem:$0x8080] =	vst v63  }
0x5a: {  	v3 =	vld [tilespmem:$0x70];
	_ =	sdelay $0x4  }
0x5b: {  	v63 =	vshll.u32 v3, $0x1  }
0x5c: {  	v3 =	vand.u32 $0x7, v3;
	v4 =	vand.u32 $0xFFFFFFF0, v63  }
0x5d: {  	v3 =	vor.u32 v3, v4  }
0x5e: {  	v4 =	vperm.xlane v3, v0;
	_ =	sdelay $0x1  }
0x5f: {  	v3 =	vperm.xlane v3, v2;
	v4 =	vadd.s32 v1, v4;
	_ =	sdelay $0x1  }
0x60: {  	v3 =	vadd.s32 v1, v3;
	_ =	sdelay $0x2  }
0x61: {  	[tilespmem:s22], [sflag:$0x1] =	stream.indirect_vreg.gather [hbm4b:s1+s3], $0x80, v4, vm0, $0xb8;
	[tilespmem:$0x8080] =	vst v63  }
0x62: {  	_ = 	snop  }
0x63: {  	[tilespmem:s23], [sflag:$0x1] =	stream.indirect_vreg.gather [hbm4b:s1+s3], $0x80, v3, vm0, $0xb8;
	[tilespmem:$0x8080] =	vst v63  }
0x64: {  	_ =	swait.ge [sflag:s24], $0x8000  }
0x65: {  	p0 =	sne.s32 s6, $0x1;
	[sflag:s24] =	ssyncset.done $0x0  }
.Ltmp0:
0x66: {  	[sflag:s24] =	ssyncadd.s32 $0xFFFF8000;
	(pc) =	sbr.rel @p0 .LBB2_1-.Ltmp0, $4  }
0x67: {  	[hbm4b:s5+s3] =	stream.linear.scatter [tilespmem:s8], [sflag:$0x2], $0x8000, $0x38;
	[tilespmem:$0x8080] =	vst v63  }
0x68: {  	_ =	swait.ge [sflag:s7], $0x8000  }
0x69: {  	[sflag:s7] =	ssyncset.done $0x0  }
0x6a: {  	s6 =	sadd.s32 $0xFFFFFFFF, s6;
	[sflag:s7] =	ssyncadd.s32 $0xFFFF8000  }
0x6b: {  	_ =	sfence.sel $0x180000  }
0x6c: {  	[bflag:$0x0] =	sbarrier.arrive $0xFFFF  }
0x6d: {  	p0 =	sne.s32 s2, $0x0;
	_ =	strace $0x90000047  }
0x6e: {  	s0 =	sadd.s32 @!p0 $0x100000, s0;
	[bflag:$0x2] =	sbarrier.arrive $0xFFFF  }
0x6f: {  	[sflag:s0] =	ssyncadd.tile.s32 @!p0 $0x1;
	_ =	shalt  }
.Lfunc_end2:
_tile_overlayer_lowered:
.L_overlay_start_2:
0x70: {  	(tag) =	ssettag $0x2  }
0x71: {  	s0 =	rddreg [dreg:$0x0];
	s2 =	stileid.u32  }
0x72: {  	s1 =	rddreg [dreg:$0x1];
	p0 =	sne.s32 s2, $0x0  }
0x73: {  	s3 =	rddreg [dreg:$0x2];
	[bflag:$0x3] =	sbarrier.arrive $0xFFFF;
	s2 =	simm.s32 @!p0 $0x1C02  }
0x74: {  	[timem:s3], [sflag:s2] =	dma.local @!p0 [hbm:s0], s1  }
0x75: {  	s0 =	simm.s32 @!p0 $0x2  }
0x76: {  	_ =	swait.ge @!p0 [sflag:s0], s1  }
0x77: {  	s1 =	ssub.s32 @!p0 $0x0, s1;
	[sflag:s0] =	ssyncset.done @!p0 $0x0  }
0x78: {  	[sflag:s0] =	ssyncadd.s32 @!p0 s1  }
0x79: {  	[bflag:$0x3] =	sbarrier.arrive $0xFFFF  }
0x7a: {  	_ =	shalt  }

// kernel: kernel.15.cloned.1.call-start
scs
__scs_entry_jumppad:
0x0: {  	(pc) =	sbr.rel $0x88, $3  }
0x1: {  	(tag) =	ssettag $0x0;
	lr =	simm.s32 $0x1  }
0x2: {  	[smem:$0x3F9F] =	sst lr;
	_ =	strace $0xD0000000  }
0x3: {  	_ = 	snop  }
0x4: {  	_ = 	snop  }
0x5: {  	_ = 	snop  }
0x6: {  	_ = 	snop  }
0x7: {  	_ = 	snop  }
__scs_overlays_trampoline_lowered:
0x8: {  	[smem:$0x3FAE] =	sst s0  }
0x9: {  	[smem:$0x3FAF] =	sst s1  }
0xa: {  	[smem:$0x3FB0] =	sst s2  }
0xb: {  	[smem:$0x3FB1] =	sst s3  }
0xc: {  	[smem:$0x3FB2] =	sst s4  }
0xd: {  	[smem:$0x3FB3] =	sst s5  }
0xe: {  	[smem:$0x3FB4] =	sst s6  }
0xf: {  	[smem:$0x3FB5] =	sst s7  }
0x10: {  	[smem:$0x3FB6] =	sst s8  }
0x11: {  	[smem:$0x3FB7] =	sst s9;
	s0 =	simm.s32 @!p0 $0x0  }
0x12: {  	s1 =	sld [smem:$0x3F9D];
	s0 =	simm.s32 @p0 $0x1  }
0x13: {  	[smem:$0x3FB8] =	sst s0;
	s0 =	simm.s32 @!p1 $0x0  }
0x14: {  	s2 =	sld [smem:$0x3F9C];
	s0 =	simm.s32 @p1 $0x1  }
0x15: {  	[smem:$0x3FB9] =	sst s0;
	s0 =	simm.s32 @!p2 $0x0  }
0x16: {  	s3 =	sld [smem:$0x3FDB];
	s0 =	simm.s32 @p2 $0x1  }
0x17: {  	s4 =	simm.s32 $0x1BF5;
	[smem:$0x3FBB] =	sst s0  }
0x18: {  	s0 =	sld [smem:$0x3F9E];
	_ =	swait.ge [sflag:s4], $0x0  }
0x19: {  	s7 =	sld [smem:$0x3F9F]  }
0x1a: {  	s8 =	sadd.s32 $0xFFFFE003, lr  }
0x1b: {  	s9 =	sadd.s32 $0xFFFFFEF7, lr;
	s5 =	simm.s32 $0xFFFFFFFF;
	p2 =	slt.u32 s8, $0xFFFFF086  }
0x1c: {  	p1 =	slt.u32 s9, $0xF7A;
	s5 =	simm.s32 @!p2 $0x0  }
0x1d: {  	s5 =	simm.s32 @p1 $0x1;
	p0 =	seq.s32 s7, s2  }
0x1e: {  	s7 =	smul.u32 @!p0 $0xF7A, s2;
	p2 =	seq.s32 @!p0 s5, $0x0  }
0x1f: {  	s9 =	smul.u32 $0xF7A, s1;
	s8 =	simm.s32 @!p0 $0x1BF5;
	p2 =	por !p2, p0  }
0x20: {  	[sflag:s8] =	ssyncset.s32 @!p0 $0xFFFFF086;
	s6 =	sadd.s32 @!p0 s3, s7;
	s7 =	simm.s32 @!p0 $0x108  }
0x21: {  	s3 =	sadd.s32 s3, s9;
	s6 =	sadd.s32 @!p0 $0x88, s6;
	s7 =	simm.s32 @p2 $0x1082  }
0x22: {  	[simem:s7], [sflag:s8] =	dma.local @!p0 [hbm:s6], $0xF7A  }
0x23: {  	s9 =	sor.u32 $0xD0000000, s2;
	s6 =	simm.s32 $0x108;
	_ =	swait.ge @!p0 [sflag:s8], $0x0  }
0x24: {  	s3 =	sadd.s32 $0x88, s3;
	s6 =	simm.s32 @!p1 $0x1082;
	[sflag:s4] =	ssyncset.s32 $0xFFFFF086  }
0x25: {  	[simem:s6], [sflag:s4] =	dma.local [hbm:s3], $0xF7A  }
0x26: {  	[smem:$0x3F9F] =	sst s1;
	(tag) =	ssettag s2;
	_ =	strace s9  }
0x27: {  	s1 =	sld [smem:$0x3FAF]  }
0x28: {  	s2 =	sld [smem:$0x3FB0]  }
0x29: {  	s4 =	sld [smem:$0x3FB2]  }
0x2a: {  	p0 =	seq.s32 s5, $0x0;
	s5 =	sld [smem:$0x3FB3]  }
0x2b: {  	s6 =	sld [smem:$0x3FB4]  }
0x2c: {  	s7 =	sld [smem:$0x3FB5]  }
0x2d: {  	s3 =	simm.s32 $0x108;
	s8 =	sld [smem:$0x3FB6]  }
0x2e: {  	s3 =	simm.s32 @!p0 $0x1082;
	s9 =	sld [smem:$0x3FB7]  }
0x2f: {  	lr =	sadd.s32 s0, s3;
	s0 =	sld [smem:$0x3FAE]  }
0x30: {  	s3 =	sld [smem:$0x3FB1]  }
0x31: {  	[smem:$0x3FBA] =	sst s10  }
0x32: {  	s10 =	sld [smem:$0x3FB8];
	_ =	sdelay $0x3  }
0x33: {  	p0 =	seq.s32 s10, $0x1;
	s10 =	sld [smem:$0x3FBA];
	_ =	sdelay $0x3  }
0x34: {  	[smem:$0x3FBA] =	sst s10  }
0x35: {  	s10 =	sld [smem:$0x3FB9];
	_ =	sdelay $0x3  }
0x36: {  	p1 =	seq.s32 s10, $0x1;
	s10 =	sld [smem:$0x3FBA];
	_ =	sdelay $0x3  }
0x37: {  	[smem:$0x3FBA] =	sst s10  }
0x38: {  	s10 =	sld [smem:$0x3FBB]  }
0x39: {  	_ = 	snop;
	(pc) =	sbr.ind lr, $3  }
0x3a: {  	_ = 	snop  }
0x3b: {  	_ = 	snop  }
0x3c: {  	p2 =	seq.s32 s10, $0x1;
	s10 =	sld [smem:$0x3FBA]  }
0x3d: {  	_ =	shalt  }
0x3e: {  	_ =	shalt  }
0x3f: {  	_ =	shalt  }
0x40: {  	_ =	shalt  }
0x41: {  	_ =	shalt  }
0x42: {  	_ =	shalt  }
0x43: {  	_ =	shalt  }
0x44: {  	_ =	shalt  }
0x45: {  	_ =	shalt  }
0x46: {  	_ =	shalt  }
0x47: {  	_ =	shalt  }
0x48: {  	_ =	shalt  }
0x49: {  	_ =	shalt  }
0x4a: {  	_ =	shalt  }
0x4b: {  	_ =	shalt  }
0x4c: {  	_ =	shalt  }
0x4d: {  	_ =	shalt  }
0x4e: {  	_ =	shalt  }
0x4f: {  	_ =	shalt  }
0x50: {  	_ =	shalt  }
0x51: {  	_ =	shalt  }
0x52: {  	_ =	shalt  }
0x53: {  	_ =	shalt  }
0x54: {  	_ =	shalt  }
0x55: {  	_ =	shalt  }
0x56: {  	_ =	shalt  }
0x57: {  	_ =	shalt  }
0x58: {  	_ =	shalt  }
0x59: {  	_ =	shalt  }
0x5a: {  	_ =	shalt  }
0x5b: {  	_ =	shalt  }
0x5c: {  	_ =	shalt  }
0x5d: {  	_ =	shalt  }
0x5e: {  	_ =	shalt  }
0x5f: {  	_ =	shalt  }
0x60: {  	_ =	shalt  }
0x61: {  	_ =	shalt  }
0x62: {  	_ =	shalt  }
0x63: {  	_ =	shalt  }
0x64: {  	_ =	shalt  }
0x65: {  	_ =	shalt  }
0x66: {  	_ =	shalt  }
0x67: {  	_ =	shalt  }
0x68: {  	_ =	shalt  }
0x69: {  	_ =	shalt  }
0x6a: {  	_ =	shalt  }
0x6b: {  	_ =	shalt  }
0x6c: {  	_ =	shalt  }
0x6d: {  	_ =	shalt  }
0x6e: {  	_ =	shalt  }
0x6f: {  	_ =	shalt  }
0x70: {  	_ =	shalt  }
0x71: {  	_ =	shalt  }
0x72: {  	_ =	shalt  }
0x73: {  	_ =	shalt  }
0x74: {  	_ =	shalt  }
0x75: {  	_ =	shalt  }
0x76: {  	_ =	shalt  }
0x77: {  	_ =	shalt  }
0x78: {  	_ =	shalt  }
0x79: {  	_ =	shalt  }
0x7a: {  	_ =	shalt  }
0x7b: {  	_ =	shalt  }
0x7c: {  	_ =	shalt  }
0x7d: {  	_ =	shalt  }
0x7e: {  	_ =	shalt  }
0x7f: {  	_ =	shalt  }
0x80: {  	_ =	shalt  }
0x81: {  	_ =	shalt  }
0x82: {  	_ =	shalt  }
0x83: {  	_ =	shalt  }
0x84: {  	_ =	shalt  }
0x85: {  	_ =	shalt  }
0x86: {  	_ =	shalt  }
0x87: {  	_ =	shalt  }
.Lfunc_end0:
.L_simem_size_0:
called_computation.1_lowered:
.L_overlay_start_0:
0x88: {  	s2 =	sld [smem:$0x3FD9]  }
0x89: {  	s3 =	sld [smem:$0x3FFE];
	_ =	sdelay $0x1  }
0x8a: {  	s1 =	srdreg.scid  }
0x8b: {  	s0 =	sand.u32 $0x1, s1  }
0x8c: {  	s15 =	sshll.u32 s0, $0xA;
	s2 =	sadd.s32 s3, s2  }
0x8d: {  	s2 =	sadd.s32 s2, s15  }
0x8e: {  	[smem:$0x3FC6] =	sst s2  }
0x8f: {  	_ = 	snop  }
0x90: {  	s2 =	sld [smem:$0x3FD0];
	_ =	sdelay $0x2  }
0x91: {  	s4 =	simm.s32 $0xB;
	s5 =	simm.s32 $0x10;
	s16 =	sld [smem:$0x3FC8]  }
0x92: {  	[smem:s5], [sflag:s4] =	dma.local [hbm:s2], $0x1  }
0x93: {  	_ =	swait.eq [sflag:s4], $0x1  }
0x94: {  	[sflag:s4] =	ssyncset.done $0x0  }
0x95: {  	s17 =	sld [smem:$0x13];
	[sflag:s4] =	ssyncadd.s32 $0xFFFFFFFF  }
0x96: {  	s18 =	sld [smem:$0x16];
	(tm) =	ssettm $0x1  }
0x97: {  	s19 =	sld [smem:$0x3FFB];
	_ =	sdelay $0x3  }
0x98: {  	_ =	strace s19  }
0x99: {  	s5 =	sld [smem:$0x3FFC];
	_ =	sdelay $0x3  }
0x9a: {  	_ =	strace s5  }
0x9b: {  	s5 =	sld [smem:$0x3FFD];
	_ =	sdelay $0x3  }
0x9c: {  	_ =	strace s5  }
0x9d: {  	_ =	strace $0x8FFFFFFF  }
0x9e: {  	s20 =	sld [smem:$0x3FDB];
	_ =	sdelay $0x1  }
0x9f: {  	s6 =	simm.s32 $_scs_section_size  }
0xa0: {  	s7 =	simm.s32 $_size__tile_overlayer_lowered;
	s8 =	simm.s32 $_tile_overlayer_lowered  }
0xa1: {  	s23 =	simm.s32 $0x1BFF;
	s22 =	sshll.u32 s8, $0x1;
	s5 =	sadd.s32 s6, s20  }
0xa2: {  	s9 =	simm.s32 $0x0;
	s21 =	sshll.u32 s7, $0x1;
	s7 =	sadd.s32 s22, s5  }
0xa3: {  	[timem:s9], [sflag:s23] =	dma.local [hbm:s7], s21  }
0xa4: {  	_ =	swait.ge [sflag:s23], s21  }
0xa5: {  	s6 =	ssub.s32 $0x0, s21;
	[sflag:s23] =	ssyncset.done $0x0  }
0xa6: {  	[sflag:s23] =	ssyncadd.s32 s6;
	_ =	sdelay $0x1  }
0xa7: {  	s24 =	simm.s32 $0x1B8B  }
0xa8: {  	_ =	swait.ge [sflag:s24], $0x1  }
0xa9: {  	[sflag:s24] =	ssyncset.done $0x0  }
0xaa: {  	s25 =	simm.s32 $0x1B8E;
	[sflag:s24] =	ssyncadd.s32 $0xFFFFFFFF  }
0xab: {  	s26 =	simm.s32 $execute0_lowered;
	[smem:$0x3FD2] =	sst s25  }
0xac: {  	s6 =	sshll.u32 s26, $0x1;
	_ =	strace $0x80000049;
	[dreg:$0x1] =	wrdreg $0xFFFFFFFF  }
0xad: {  	s28 =	simm.s32 $_size_execute0_lowered;
	s5 =	sadd.s32 s5, s6;
	[dreg:$0x0] =	wrdreg $0x0  }
0xae: {  	s6 =	sshll.u32 s28, $0x1;
	[dreg:$0x2] =	wrdreg s5  }
0xaf: {  	[dreg:$0x3] =	wrdreg s6  }
0xb0: {  	[dreg:$0x4] =	wrdreg $0xC0  }
0xb1: {  	_ =	task [dreg:s9], $0x5FFFF  }
0xb2: {  	[dreg:$0x1] =	wrdreg $0xFFFFFFFF  }
0xb3: {  	[dreg:$0x0] =	wrdreg $0x60  }
0xb4: {  	[dreg:$0x2] =	wrdreg s16  }
0xb5: {  	[dreg:$0x3] =	wrdreg s18  }
0xb6: {  	[dreg:$0x4] =	wrdreg s17  }
0xb7: {  	[dreg:$0x5] =	wrdreg $0x9  }
0xb8: {  	_ =	task.clear_ibuf [dreg:s9], $0x6FFFF;
	_ =	strace $0x90000049  }
0xb9: {  	s29 =	simm.s32 $0x9;
	_ =	strace $0x8000004B  }
0xba: {  	_ =	swait.ge [sflag:s29], $0x1  }
0xbb: {  	[sflag:s29] =	ssyncadd.s32 $0xFFFFFFFF  }
0xbc: {  	_ =	strace $0x9000004B  }
0xbd: {  	_ =	sfence  }
0xbe: {  	s30 =	sld [smem:$0x0];
	_ =	sdelay $0x2  }
0xbf: {  	s31 =	sshll.u32 s1, $0xD;
	s1 =	sshrl.u32 s1, $0x2  }
0xc0: {  	s3 =	sand.u32 $0x4000, s31;
	s1 =	sadd.s32 s1, s30  }
0xc1: {  	s0 =	sor.u32 s3, s0;
	s1 =	sshll.u32 s1, $0x11  }
0xc2: {  	s0 =	sor.u32 s1, s0  }
0xc3: {  	s0 =	sadd.s32 $0x8F2B, s0  }
0xc4: {  	[sflag:s0] =	ssyncadd.remote.s32 $0x1  }
0xc5: {  	_ =	sfence.sel $0xFFFF  }
0xc6: {  	[dreg:$0x0] =	wrdreg $0xFFFFFFFF;
	(pc) =	sbr.abs _section_cstart, $3  }
0xc7: {  	[dreg:$0x1] =	wrdreg $0xFFFFFFFF  }
0xc8: {  	_ =	task.clear_ibuf [dreg:s9], $0x2FFFF;
	_ =	strace $0x9FFFFFFF  }
0xc9: {  	(tm) =	ssettm $0x7FFFFFFF  }
tec
execute0_lowered:
.L_overlay_start_1:
0x0: {  	(tag) =	ssettag $0x1  }
0x1: {  	s1 =	rddreg [dreg:$0x0]  }
0x2: {  	s4 =	rddreg [dreg:$0x1]  }
0x3: {  	s5 =	rddreg [dreg:$0x2]  }
0x4: {  	s0 =	rddreg [dreg:$0x3];
	s3 =	simm.s32 $0x0;
	s6 =	srdreg.scid  }
0x5: {  	s2 =	stileid.u32;
	s10 =	simm.s32 $0x1080;
	s11 =	simm.s32 $0x1880  }
0x6: {  	s12 =	simm.s32 $0x2080;
	s13 =	simm.s32 $0x2880;
	s14 =	simm.s32 $0x3080  }
0x7: {  	s15 =	simm.s32 $0x3880;
	s16 =	simm.s32 $0x4080;
	s17 =	simm.s32 $0x4880  }
0x8: {  	s18 =	simm.s32 $0x5080;
	s19 =	simm.s32 $0x5880;
	s20 =	simm.s32 $0x6080  }
0x9: {  	s21 =	simm.s32 $0x6880;
	s22 =	simm.s32 $0x7080;
	s23 =	simm.s32 $0x7880  }
0xa: {  	s24 =	simm.s32 $0x1;
	[smem:$0x7FF] =	sst s3;
	s6 =	sand.u32 $0x1, s6  }
0xb: {  	s8 =	sshll.u32 s2, $0x8;
	s7 =	ssub.s32 $0x2, s6;
	s6 =	sshll.u32 s6, $0x7  }
0xc: {  	_ =	strace $0x8000004A;
	s9 =	sshrl.u32 s7, $0x1;
	s6 =	sor.u32 s6, s8  }
0xd: {  	v2 =	vlaneseq.u32;
	s7 =	ssub.s32 s7, s9;
	s8 =	sshrl.u32 s6, $0x3;
	s6 =	sshll.u32 s6, $0x5  }
0xe: {  	vm0 =	vmmov $0xffff;
	v1 =	vshrl.u32 v2, $0x3;
	s9 =	simm.s32 $0x880;
	s4 =	sadd.s32 s4, s8;
	s5 =	sadd.s32 s5, s6  }
0xf: {  	v0 =	vand.u32 $0x7, v2;
	v2 =	vor.u32 $0x8, v2;
	v1 =	vmul.u32 $0x8, v1;
	s6 =	smax.u32 s7, $0x1;
	s7 =	simm.s32 $0x2;
	s8 =	simm.s32 $0x80  }
.LBB2_1:
0x10: {  	[tilespmem:s3], [sflag:$0x2] =	stream.linear.gather [hbm4b:s4+s3], $0x80, $0x38;
	[tilespmem:$0x8080] =	vst v63  }
0x11: {  	_ =	swait.ge [sflag:s7], $0x80  }
0x12: {  	[sflag:s7] =	ssyncset.done $0x0  }
0x13: {  	[sflag:s7] =	ssyncadd.s32 $0xFFFFFF80  }
0x14: {  	v3 =	vld [tilespmem:$0x0];
	_ =	sdelay $0x4  }
0x15: {  	v4 =	vshll.u32 v3, $0x1  }
0x16: {  	v3 =	vand.u32 $0x7, v3;
	v4 =	vand.u32 $0xFFFFFFF0, v4  }
0x17: {  	v3 =	vor.u32 v3, v4  }
0x18: {  	v4 =	vperm.xlane v3, v0;
	_ =	sdelay $0x1  }
0x19: {  	v3 =	vperm.xlane v3, v2;
	v4 =	vadd.s32 v1, v4;
	_ =	sdelay $0x1  }
0x1a: {  	v3 =	vadd.s32 v1, v3;
	_ =	sdelay $0x2  }
0x1b: {  	[tilespmem:s8], [sflag:$0x1] =	stream.indirect_vreg.gather [hbm4b:s1+s3], $0x80, v4, vm0, $0xb8;
	[tilespmem:$0x8080] =	vst v63  }
0x1c: {  	_ = 	snop  }
0x1d: {  	[tilespmem:s9], [sflag:$0x1] =	stream.indirect_vreg.gather [hbm4b:s1+s3], $0x80, v3, vm0, $0xb8;
	[tilespmem:$0x8080] =	vst v63  }
0x1e: {  	v3 =	vld [tilespmem:$0x10];
	_ =	sdelay $0x4  }
0x1f: {  	v57 =	vshll.u32 v3, $0x1  }
0x20: {  	v3 =	vand.u32 $0x7, v3;
	v4 =	vand.u32 $0xFFFFFFF0, v57  }
0x21: {  	v3 =	vor.u32 v3, v4  }
0x22: {  	v4 =	vperm.xlane v3, v0;
	_ =	sdelay $0x1  }
0x23: {  	v3 =	vperm.xlane v3, v2;
	v4 =	vadd.s32 v1, v4;
	_ =	sdelay $0x1  }
0x24: {  	v3 =	vadd.s32 v1, v3;
	_ =	sdelay $0x2  }
0x25: {  	[tilespmem:s10], [sflag:$0x1] =	stream.indirect_vreg.gather [hbm4b:s1+s3], $0x80, v4, vm0, $0xb8;
	[tilespmem:$0x8080] =	vst v63  }
0x26: {  	_ = 	snop  }
0x27: {  	[tilespmem:s11], [sflag:$0x1] =	stream.indirect_vreg.gather [hbm4b:s1+s3], $0x80, v3, vm0, $0xb8;
	[tilespmem:$0x8080] =	vst v63  }
0x28: {  	v3 =	vld [tilespmem:$0x20];
	_ =	sdelay $0x4  }
0x29: {  	v58 =	vshll.u32 v3, $0x1  }
0x2a: {  	v3 =	vand.u32 $0x7, v3;
	v4 =	vand.u32 $0xFFFFFFF0, v58  }
0x2b: {  	v3 =	vor.u32 v3, v4  }
0x2c: {  	v4 =	vperm.xlane v3, v0;
	_ =	sdelay $0x1  }
0x2d: {  	v3 =	vperm.xlane v3, v2;
	v4 =	vadd.s32 v1, v4;
	_ =	sdelay $0x1  }
0x2e: {  	v3 =	vadd.s32 v1, v3;
	_ =	sdelay $0x2  }
0x2f: {  	[tilespmem:s12], [sflag:$0x1] =	stream.indirect_vreg.gather [hbm4b:s1+s3], $0x80, v4, vm0, $0xb8;
	[tilespmem:$0x8080] =	vst v63  }
0x30: {  	_ = 	snop  }
0x31: {  	[tilespmem:s13], [sflag:$0x1] =	stream.indirect_vreg.gather [hbm4b:s1+s3], $0x80, v3, vm0, $0xb8;
	[tilespmem:$0x8080] =	vst v63  }
0x32: {  	v3 =	vld [tilespmem:$0x30];
	_ =	sdelay $0x4  }
0x33: {  	v59 =	vshll.u32 v3, $0x1  }
0x34: {  	v3 =	vand.u32 $0x7, v3;
	v4 =	vand.u32 $0xFFFFFFF0, v59  }
0x35: {  	v3 =	vor.u32 v3, v4  }
0x36: {  	v4 =	vperm.xlane v3, v0;
	_ =	sdelay $0x1  }
0x37: {  	v3 =	vperm.xlane v3, v2;
	v4 =	vadd.s32 v1, v4;
	_ =	sdelay $0x1  }
0x38: {  	v3 =	vadd.s32 v1, v3;
	_ =	sdelay $0x2  }
0x39: {  	[tilespmem:s14], [sflag:$0x1] =	stream.indirect_vreg.gather [hbm4b:s1+s3], $0x80, v4, vm0, $0xb8;
	[tilespmem:$0x8080] =	vst v63  }
0x3a: {  	_ = 	snop  }
0x3b: {  	[tilespmem:s15], [sflag:$0x1] =	stream.indirect_vreg.gather [hbm4b:s1+s3], $0x80, v3, vm0, $0xb8;
	[tilespmem:$0x8080] =	vst v63  }
0x3c: {  	v3 =	vld [tilespmem:$0x40];
	_ =	sdelay $0x4  }
0x3d: {  	v60 =	vshll.u32 v3, $0x1  }
0x3e: {  	v3 =	vand.u32 $0x7, v3;
	v4 =	vand.u32 $0xFFFFFFF0, v60  }
0x3f: {  	v3 =	vor.u32 v3, v4  }
0x40: {  	v4 =	vperm.xlane v3, v0;
	_ =	sdelay $0x1  }
0x41: {  	v3 =	vperm.xlane v3, v2;
	v4 =	vadd.s32 v1, v4;
	_ =	sdelay $0x1  }
0x42: {  	v3 =	vadd.s32 v1, v3;
	_ =	sdelay $0x2  }
0x43: {  	[tilespmem:s16], [sflag:$0x1] =	stream.indirect_vreg.gather [hbm4b:s1+s3], $0x80, v4, vm0, $0xb8;
	[tilespmem:$0x8080] =	vst v63  }
0x44: {  	_ = 	snop  }
0x45: {  	[tilespmem:s17], [sflag:$0x1] =	stream.indirect_vreg.gather [hbm4b:s1+s3], $0x80, v3, vm0, $0xb8;
	[tilespmem:$0x8080] =	vst v63  }
0x46: {  	v3 =	vld [tilespmem:$0x50];
	_ =	sdelay $0x4  }
0x47: {  	v61 =	vshll.u32 v3, $0x1  }
0x48: {  	v3 =	vand.u32 $0x7, v3;
	v4 =	vand.u32 $0xFFFFFFF0, v61  }
0x49: {  	v3 =	vor.u32 v3, v4  }
0x4a: {  	v4 =	vperm.xlane v3, v0;
	_ =	sdelay $0x1  }
0x4b: {  	v3 =	vperm.xlane v3, v2;
	v4 =	vadd.s32 v1, v4;
	_ =	sdelay $0x1  }
0x4c: {  	v3 =	vadd.s32 v1, v3;
	_ =	sdelay $0x2  }
0x4d: {  	[tilespmem:s18], [sflag:$0x1] =	stream.indirect_vreg.gather [hbm4b:s1+s3], $0x80, v4, vm0, $0xb8;
	[tilespmem:$0x8080] =	vst v63  }
0x4e: {  	_ = 	snop  }
0x4f: {  	[tilespmem:s19], [sflag:$0x1] =	stream.indirect_vreg.gather [hbm4b:s1+s3], $0x80, v3, vm0, $0xb8;
	[tilespmem:$0x8080] =	vst v63  }
0x50: {  	v3 =	vld [tilespmem:$0x60];
	_ =	sdelay $0x4  }
0x51: {  	v62 =	vshll.u32 v3, $0x1  }
0x52: {  	v3 =	vand.u32 $0x7, v3;
	v4 =	vand.u32 $0xFFFFFFF0, v62  }
0x53: {  	v3 =	vor.u32 v3, v4  }
0x54: {  	v4 =	vperm.xlane v3, v0;
	_ =	sdelay $0x1  }
0x55: {  	v3 =	vperm.xlane v3, v2;
	v4 =	vadd.s32 v1, v4;
	_ =	sdelay $0x1  }
0x56: {  	v3 =	vadd.s32 v1, v3;
	_ =	sdelay $0x2  }
0x57: {  	[tilespmem:s20], [sflag:$0x1] =	stream.indirect_vreg.gather [hbm4b:s1+s3], $0x80, v4, vm0, $0xb8;
	[tilespmem:$0x8080] =	vst v63  }
0x58: {  	_ = 	snop  }
0x59: {  	[tilespmem:s21], [sflag:$0x1] =	stream.indirect_vreg.gather [hbm4b:s1+s3], $0x80, v3, vm0, $0xb8;
	[tilespmem:$0x8080] =	vst v63  }
0x5a: {  	v3 =	vld [tilespmem:$0x70];
	_ =	sdelay $0x4  }
0x5b: {  	v63 =	vshll.u32 v3, $0x1  }
0x5c: {  	v3 =	vand.u32 $0x7, v3;
	v4 =	vand.u32 $0xFFFFFFF0, v63  }
0x5d: {  	v3 =	vor.u32 v3, v4  }
0x5e: {  	v4 =	vperm.xlane v3, v0;
	_ =	sdelay $0x1  }
0x5f: {  	v3 =	vperm.xlane v3, v2;
	v4 =	vadd.s32 v1, v4;
	_ =	sdelay $0x1  }
0x60: {  	v3 =	vadd.s32 v1, v3;
	_ =	sdelay $0x2  }
0x61: {  	[tilespmem:s22], [sflag:$0x1] =	stream.indirect_vreg.gather [hbm4b:s1+s3], $0x80, v4, vm0, $0xb8;
	[tilespmem:$0x8080] =	vst v63  }
0x62: {  	_ = 	snop  }
0x63: {  	[tilespmem:s23], [sflag:$0x1] =	stream.indirect_vreg.gather [hbm4b:s1+s3], $0x80, v3, vm0, $0xb8;
	[tilespmem:$0x8080] =	vst v63  }
0x64: {  	_ =	swait.ge [sflag:s24], $0x8000  }
0x65: {  	p0 =	sne.s32 s6, $0x1;
	[sflag:s24] =	ssyncset.done $0x0  }
.Ltmp0:
0x66: {  	[sflag:s24] =	ssyncadd.s32 $0xFFFF8000;
	(pc) =	sbr.rel @p0 .LBB2_1-.Ltmp0, $4  }
0x67: {  	[hbm4b:s5+s3] =	stream.linear.scatter [tilespmem:s8], [sflag:$0x2], $0x8000, $0x38;
	[tilespmem:$0x8080] =	vst v63  }
0x68: {  	_ =	swait.ge [sflag:s7], $0x8000  }
0x69: {  	[sflag:s7] =	ssyncset.done $0x0  }
0x6a: {  	s6 =	sadd.s32 $0xFFFFFFFF, s6;
	[sflag:s7] =	ssyncadd.s32 $0xFFFF8000  }
0x6b: {  	_ =	sfence.sel $0x180000  }
0x6c: {  	[bflag:$0x0] =	sbarrier.arrive $0xFFFF  }
0x6d: {  	p0 =	sne.s32 s2, $0x0;
	_ =	strace $0x9000004A  }
0x6e: {  	s0 =	sadd.s32 @!p0 $0x100000, s0;
	[bflag:$0x2] =	sbarrier.arrive $0xFFFF  }
0x6f: {  	[sflag:s0] =	ssyncadd.tile.s32 @!p0 $0x1;
	_ =	shalt  }
.Lfunc_end2:
_tile_overlayer_lowered:
.L_overlay_start_2:
0x70: {  	(tag) =	ssettag $0x2  }
0x71: {  	s0 =	rddreg [dreg:$0x0];
	s2 =	stileid.u32  }
0x72: {  	s1 =	rddreg [dreg:$0x1];
	p0 =	sne.s32 s2, $0x0  }
0x73: {  	s3 =	rddreg [dreg:$0x2];
	[bflag:$0x3] =	sbarrier.arrive $0xFFFF;
	s2 =	simm.s32 @!p0 $0x1C02  }
0x74: {  	[timem:s3], [sflag:s2] =	dma.local @!p0 [hbm:s0], s1  }
0x75: {  	s0 =	simm.s32 @!p0 $0x2  }
0x76: {  	_ =	swait.ge @!p0 [sflag:s0], s1  }
0x77: {  	s1 =	ssub.s32 @!p0 $0x0, s1;
	[sflag:s0] =	ssyncset.done @!p0 $0x0  }
0x78: {  	[sflag:s0] =	ssyncadd.s32 @!p0 s1  }
0x79: {  	[bflag:$0x3] =	sbarrier.arrive $0xFFFF  }
0x7a: {  	_ =	shalt  }

// kernel: kernel.18.cloned.1.call-start
scs
__scs_entry_jumppad:
0x0: {  	(pc) =	sbr.rel $0x88, $3  }
0x1: {  	(tag) =	ssettag $0x0;
	lr =	simm.s32 $0x1  }
0x2: {  	[smem:$0x3F9F] =	sst lr;
	_ =	strace $0xD0000000  }
0x3: {  	_ = 	snop  }
0x4: {  	_ = 	snop  }
0x5: {  	_ = 	snop  }
0x6: {  	_ = 	snop  }
0x7: {  	_ = 	snop  }
__scs_overlays_trampoline_lowered:
0x8: {  	[smem:$0x3FAE] =	sst s0  }
0x9: {  	[smem:$0x3FAF] =	sst s1  }
0xa: {  	[smem:$0x3FB0] =	sst s2  }
0xb: {  	[smem:$0x3FB1] =	sst s3  }
0xc: {  	[smem:$0x3FB2] =	sst s4  }
0xd: {  	[smem:$0x3FB3] =	sst s5  }
0xe: {  	[smem:$0x3FB4] =	sst s6  }
0xf: {  	[smem:$0x3FB5] =	sst s7  }
0x10: {  	[smem:$0x3FB6] =	sst s8  }
0x11: {  	[smem:$0x3FB7] =	sst s9;
	s0 =	simm.s32 @!p0 $0x0  }
0x12: {  	s1 =	sld [smem:$0x3F9D];
	s0 =	simm.s32 @p0 $0x1  }
0x13: {  	[smem:$0x3FB8] =	sst s0;
	s0 =	simm.s32 @!p1 $0x0  }
0x14: {  	s2 =	sld [smem:$0x3F9C];
	s0 =	simm.s32 @p1 $0x1  }
0x15: {  	[smem:$0x3FB9] =	sst s0;
	s0 =	simm.s32 @!p2 $0x0  }
0x16: {  	s3 =	sld [smem:$0x3FDB];
	s0 =	simm.s32 @p2 $0x1  }
0x17: {  	s4 =	simm.s32 $0x1BF5;
	[smem:$0x3FBB] =	sst s0  }
0x18: {  	s0 =	sld [smem:$0x3F9E];
	_ =	swait.ge [sflag:s4], $0x0  }
0x19: {  	s7 =	sld [smem:$0x3F9F]  }
0x1a: {  	s8 =	sadd.s32 $0xFFFFE003, lr  }
0x1b: {  	s9 =	sadd.s32 $0xFFFFFEF7, lr;
	s5 =	simm.s32 $0xFFFFFFFF;
	p2 =	slt.u32 s8, $0xFFFFF086  }
0x1c: {  	p1 =	slt.u32 s9, $0xF7A;
	s5 =	simm.s32 @!p2 $0x0  }
0x1d: {  	s5 =	simm.s32 @p1 $0x1;
	p0 =	seq.s32 s7, s2  }
0x1e: {  	s7 =	smul.u32 @!p0 $0xF7A, s2;
	p2 =	seq.s32 @!p0 s5, $0x0  }
0x1f: {  	s9 =	smul.u32 $0xF7A, s1;
	s8 =	simm.s32 @!p0 $0x1BF5;
	p2 =	por !p2, p0  }
0x20: {  	[sflag:s8] =	ssyncset.s32 @!p0 $0xFFFFF086;
	s6 =	sadd.s32 @!p0 s3, s7;
	s7 =	simm.s32 @!p0 $0x108  }
0x21: {  	s3 =	sadd.s32 s3, s9;
	s6 =	sadd.s32 @!p0 $0x88, s6;
	s7 =	simm.s32 @p2 $0x1082  }
0x22: {  	[simem:s7], [sflag:s8] =	dma.local @!p0 [hbm:s6], $0xF7A  }
0x23: {  	s9 =	sor.u32 $0xD0000000, s2;
	s6 =	simm.s32 $0x108;
	_ =	swait.ge @!p0 [sflag:s8], $0x0  }
0x24: {  	s3 =	sadd.s32 $0x88, s3;
	s6 =	simm.s32 @!p1 $0x1082;
	[sflag:s4] =	ssyncset.s32 $0xFFFFF086  }
0x25: {  	[simem:s6], [sflag:s4] =	dma.local [hbm:s3], $0xF7A  }
0x26: {  	[smem:$0x3F9F] =	sst s1;
	(tag) =	ssettag s2;
	_ =	strace s9  }
0x27: {  	s1 =	sld [smem:$0x3FAF]  }
0x28: {  	s2 =	sld [smem:$0x3FB0]  }
0x29: {  	s4 =	sld [smem:$0x3FB2]  }
0x2a: {  	p0 =	seq.s32 s5, $0x0;
	s5 =	sld [smem:$0x3FB3]  }
0x2b: {  	s6 =	sld [smem:$0x3FB4]  }
0x2c: {  	s7 =	sld [smem:$0x3FB5]  }
0x2d: {  	s3 =	simm.s32 $0x108;
	s8 =	sld [smem:$0x3FB6]  }
0x2e: {  	s3 =	simm.s32 @!p0 $0x1082;
	s9 =	sld [smem:$0x3FB7]  }
0x2f: {  	lr =	sadd.s32 s0, s3;
	s0 =	sld [smem:$0x3FAE]  }
0x30: {  	s3 =	sld [smem:$0x3FB1]  }
0x31: {  	[smem:$0x3FBA] =	sst s10  }
0x32: {  	s10 =	sld [smem:$0x3FB8];
	_ =	sdelay $0x3  }
0x33: {  	p0 =	seq.s32 s10, $0x1;
	s10 =	sld [smem:$0x3FBA];
	_ =	sdelay $0x3  }
0x34: {  	[smem:$0x3FBA] =	sst s10  }
0x35: {  	s10 =	sld [smem:$0x3FB9];
	_ =	sdelay $0x3  }
0x36: {  	p1 =	seq.s32 s10, $0x1;
	s10 =	sld [smem:$0x3FBA];
	_ =	sdelay $0x3  }
0x37: {  	[smem:$0x3FBA] =	sst s10  }
0x38: {  	s10 =	sld [smem:$0x3FBB]  }
0x39: {  	_ = 	snop;
	(pc) =	sbr.ind lr, $3  }
0x3a: {  	_ = 	snop  }
0x3b: {  	_ = 	snop  }
0x3c: {  	p2 =	seq.s32 s10, $0x1;
	s10 =	sld [smem:$0x3FBA]  }
0x3d: {  	_ =	shalt  }
0x3e: {  	_ =	shalt  }
0x3f: {  	_ =	shalt  }
0x40: {  	_ =	shalt  }
0x41: {  	_ =	shalt  }
0x42: {  	_ =	shalt  }
0x43: {  	_ =	shalt  }
0x44: {  	_ =	shalt  }
0x45: {  	_ =	shalt  }
0x46: {  	_ =	shalt  }
0x47: {  	_ =	shalt  }
0x48: {  	_ =	shalt  }
0x49: {  	_ =	shalt  }
0x4a: {  	_ =	shalt  }
0x4b: {  	_ =	shalt  }
0x4c: {  	_ =	shalt  }
0x4d: {  	_ =	shalt  }
0x4e: {  	_ =	shalt  }
0x4f: {  	_ =	shalt  }
0x50: {  	_ =	shalt  }
0x51: {  	_ =	shalt  }
0x52: {  	_ =	shalt  }
0x53: {  	_ =	shalt  }
0x54: {  	_ =	shalt  }
0x55: {  	_ =	shalt  }
0x56: {  	_ =	shalt  }
0x57: {  	_ =	shalt  }
0x58: {  	_ =	shalt  }
0x59: {  	_ =	shalt  }
0x5a: {  	_ =	shalt  }
0x5b: {  	_ =	shalt  }
0x5c: {  	_ =	shalt  }
0x5d: {  	_ =	shalt  }
0x5e: {  	_ =	shalt  }
0x5f: {  	_ =	shalt  }
0x60: {  	_ =	shalt  }
0x61: {  	_ =	shalt  }
0x62: {  	_ =	shalt  }
0x63: {  	_ =	shalt  }
0x64: {  	_ =	shalt  }
0x65: {  	_ =	shalt  }
0x66: {  	_ =	shalt  }
0x67: {  	_ =	shalt  }
0x68: {  	_ =	shalt  }
0x69: {  	_ =	shalt  }
0x6a: {  	_ =	shalt  }
0x6b: {  	_ =	shalt  }
0x6c: {  	_ =	shalt  }
0x6d: {  	_ =	shalt  }
0x6e: {  	_ =	shalt  }
0x6f: {  	_ =	shalt  }
0x70: {  	_ =	shalt  }
0x71: {  	_ =	shalt  }
0x72: {  	_ =	shalt  }
0x73: {  	_ =	shalt  }
0x74: {  	_ =	shalt  }
0x75: {  	_ =	shalt  }
0x76: {  	_ =	shalt  }
0x77: {  	_ =	shalt  }
0x78: {  	_ =	shalt  }
0x79: {  	_ =	shalt  }
0x7a: {  	_ =	shalt  }
0x7b: {  	_ =	shalt  }
0x7c: {  	_ =	shalt  }
0x7d: {  	_ =	shalt  }
0x7e: {  	_ =	shalt  }
0x7f: {  	_ =	shalt  }
0x80: {  	_ =	shalt  }
0x81: {  	_ =	shalt  }
0x82: {  	_ =	shalt  }
0x83: {  	_ =	shalt  }
0x84: {  	_ =	shalt  }
0x85: {  	_ =	shalt  }
0x86: {  	_ =	shalt  }
0x87: {  	_ =	shalt  }
.Lfunc_end0:
.L_simem_size_0:
called_computation.2_lowered:
.L_overlay_start_0:
0x88: {  	s2 =	sld [smem:$0x3FD9]  }
0x89: {  	s3 =	sld [smem:$0x3FFE];
	_ =	sdelay $0x1  }
0x8a: {  	s1 =	srdreg.scid  }
0x8b: {  	s0 =	sand.u32 $0x1, s1  }
0x8c: {  	s15 =	sshll.u32 s0, $0xA;
	s2 =	sadd.s32 s3, s2  }
0x8d: {  	s2 =	sadd.s32 s2, s15  }
0x8e: {  	[smem:$0x3FC6] =	sst s2  }
0x8f: {  	_ = 	snop  }
0x90: {  	s2 =	sld [smem:$0x3FD0];
	_ =	sdelay $0x2  }
0x91: {  	s4 =	simm.s32 $0xB;
	s5 =	simm.s32 $0x10;
	s16 =	sld [smem:$0x3FC8]  }
0x92: {  	[smem:s5], [sflag:s4] =	dma.local [hbm:s2], $0x1  }
0x93: {  	_ =	swait.eq [sflag:s4], $0x1  }
0x94: {  	[sflag:s4] =	ssyncset.done $0x0  }
0x95: {  	s17 =	sld [smem:$0x12];
	[sflag:s4] =	ssyncadd.s32 $0xFFFFFFFF  }
0x96: {  	s18 =	sld [smem:$0x17];
	(tm) =	ssettm $0x1  }
0x97: {  	s19 =	sld [smem:$0x3FFB];
	_ =	sdelay $0x3  }
0x98: {  	_ =	strace s19  }
0x99: {  	s5 =	sld [smem:$0x3FFC];
	_ =	sdelay $0x3  }
0x9a: {  	_ =	strace s5  }
0x9b: {  	s5 =	sld [smem:$0x3FFD];
	_ =	sdelay $0x3  }
0x9c: {  	_ =	strace s5  }
0x9d: {  	_ =	strace $0x8FFFFFFF  }
0x9e: {  	s20 =	sld [smem:$0x3FDB];
	_ =	sdelay $0x1  }
0x9f: {  	s6 =	simm.s32 $_scs_section_size  }
0xa0: {  	s7 =	simm.s32 $_size__tile_overlayer_lowered;
	s8 =	simm.s32 $_tile_overlayer_lowered  }
0xa1: {  	s23 =	simm.s32 $0x1BFF;
	s22 =	sshll.u32 s8, $0x1;
	s5 =	sadd.s32 s6, s20  }
0xa2: {  	s9 =	simm.s32 $0x0;
	s21 =	sshll.u32 s7, $0x1;
	s7 =	sadd.s32 s22, s5  }
0xa3: {  	[timem:s9], [sflag:s23] =	dma.local [hbm:s7], s21  }
0xa4: {  	_ =	swait.ge [sflag:s23], s21  }
0xa5: {  	s6 =	ssub.s32 $0x0, s21;
	[sflag:s23] =	ssyncset.done $0x0  }
0xa6: {  	[sflag:s23] =	ssyncadd.s32 s6;
	_ =	sdelay $0x1  }
0xa7: {  	s24 =	simm.s32 $0x1B8B  }
0xa8: {  	_ =	swait.ge [sflag:s24], $0x1  }
0xa9: {  	[sflag:s24] =	ssyncset.done $0x0  }
0xaa: {  	s25 =	simm.s32 $0x1B8E;
	[sflag:s24] =	ssyncadd.s32 $0xFFFFFFFF  }
0xab: {  	s26 =	simm.s32 $execute0_lowered;
	[smem:$0x3FD2] =	sst s25  }
0xac: {  	s6 =	sshll.u32 s26, $0x1;
	_ =	strace $0x8000004C;
	[dreg:$0x1] =	wrdreg $0xFFFFFFFF  }
0xad: {  	s28 =	simm.s32 $_size_execute0_lowered;
	s5 =	sadd.s32 s5, s6;
	[dreg:$0x0] =	wrdreg $0x0  }
0xae: {  	s6 =	sshll.u32 s28, $0x1;
	[dreg:$0x2] =	wrdreg s5  }
0xaf: {  	[dreg:$0x3] =	wrdreg s6  }
0xb0: {  	[dreg:$0x4] =	wrdreg $0xC0  }
0xb1: {  	_ =	task [dreg:s9], $0x5FFFF  }
0xb2: {  	[dreg:$0x1] =	wrdreg $0xFFFFFFFF  }
0xb3: {  	[dreg:$0x0] =	wrdreg $0x60  }
0xb4: {  	[dreg:$0x2] =	wrdreg s16  }
0xb5: {  	[dreg:$0x3] =	wrdreg s18  }
0xb6: {  	[dreg:$0x4] =	wrdreg s17  }
0xb7: {  	[dreg:$0x5] =	wrdreg $0x9  }
0xb8: {  	_ =	task.clear_ibuf [dreg:s9], $0x6FFFF;
	_ =	strace $0x9000004C  }
0xb9: {  	s29 =	simm.s32 $0x9;
	_ =	strace $0x8000004E  }
0xba: {  	_ =	swait.ge [sflag:s29], $0x1  }
0xbb: {  	[sflag:s29] =	ssyncadd.s32 $0xFFFFFFFF  }
0xbc: {  	_ =	strace $0x9000004E  }
0xbd: {  	_ =	sfence  }
0xbe: {  	s30 =	sld [smem:$0x0];
	_ =	sdelay $0x2  }
0xbf: {  	s31 =	sshll.u32 s1, $0xD;
	s1 =	sshrl.u32 s1, $0x2  }
0xc0: {  	s3 =	sand.u32 $0x4000, s31;
	s1 =	sadd.s32 s1, s30  }
0xc1: {  	s0 =	sor.u32 s3, s0;
	s1 =	sshll.u32 s1, $0x11  }
0xc2: {  	s0 =	sor.u32 s1, s0  }
0xc3: {  	s0 =	sadd.s32 $0x8F2B, s0  }
0xc4: {  	[sflag:s0] =	ssyncadd.remote.s32 $0x1  }
0xc5: {  	_ =	sfence.sel $0xFFFF  }
0xc6: {  	[dreg:$0x0] =	wrdreg $0xFFFFFFFF;
	(pc) =	sbr.abs _section_cstart, $3  }
0xc7: {  	[dreg:$0x1] =	wrdreg $0xFFFFFFFF  }
0xc8: {  	_ =	task.clear_ibuf [dreg:s9], $0x2FFFF;
	_ =	strace $0x9FFFFFFF  }
0xc9: {  	(tm) =	ssettm $0x7FFFFFFF  }
tec
execute0_lowered:
.L_overlay_start_1:
0x0: {  	(tag) =	ssettag $0x1  }
0x1: {  	s1 =	rddreg [dreg:$0x0]  }
0x2: {  	s4 =	rddreg [dreg:$0x1]  }
0x3: {  	s5 =	rddreg [dreg:$0x2]  }
0x4: {  	s0 =	rddreg [dreg:$0x3];
	s3 =	simm.s32 $0x0;
	s6 =	srdreg.scid  }
0x5: {  	s2 =	stileid.u32;
	s10 =	simm.s32 $0x1080;
	s11 =	simm.s32 $0x1880  }
0x6: {  	s12 =	simm.s32 $0x2080;
	s13 =	simm.s32 $0x2880;
	s14 =	simm.s32 $0x3080  }
0x7: {  	s15 =	simm.s32 $0x3880;
	s16 =	simm.s32 $0x4080;
	s17 =	simm.s32 $0x4880  }
0x8: {  	s18 =	simm.s32 $0x5080;
	s19 =	simm.s32 $0x5880;
	s20 =	simm.s32 $0x6080  }
0x9: {  	s21 =	simm.s32 $0x6880;
	s22 =	simm.s32 $0x7080;
	s23 =	simm.s32 $0x7880  }
0xa: {  	s24 =	simm.s32 $0x1;
	[smem:$0x7FF] =	sst s3;
	s6 =	sand.u32 $0x1, s6  }
0xb: {  	s8 =	sshll.u32 s2, $0x8;
	s7 =	ssub.s32 $0x2, s6;
	s6 =	sshll.u32 s6, $0x7  }
0xc: {  	_ =	strace $0x8000004D;
	s9 =	sshrl.u32 s7, $0x1;
	s6 =	sor.u32 s6, s8  }
0xd: {  	v2 =	vlaneseq.u32;
	s7 =	ssub.s32 s7, s9;
	s8 =	sshrl.u32 s6, $0x3;
	s6 =	sshll.u32 s6, $0x5  }
0xe: {  	vm0 =	vmmov $0xffff;
	v1 =	vshrl.u32 v2, $0x3;
	s9 =	simm.s32 $0x880;
	s4 =	sadd.s32 s4, s8;
	s5 =	sadd.s32 s5, s6  }
0xf: {  	v0 =	vand.u32 $0x7, v2;
	v2 =	vor.u32 $0x8, v2;
	v1 =	vmul.u32 $0x8, v1;
	s6 =	smax.u32 s7, $0x1;
	s7 =	simm.s32 $0x2;
	s8 =	simm.s32 $0x80  }
.LBB2_1:
0x10: {  	[tilespmem:s3], [sflag:$0x2] =	stream.linear.gather [hbm4b:s4+s3], $0x80, $0x38;
	[tilespmem:$0x8080] =	vst v63  }
0x11: {  	_ =	swait.ge [sflag:s7], $0x80  }
0x12: {  	[sflag:s7] =	ssyncset.done $0x0  }
0x13: {  	[sflag:s7] =	ssyncadd.s32 $0xFFFFFF80  }
0x14: {  	v3 =	vld [tilespmem:$0x0];
	_ =	sdelay $0x4  }
0x15: {  	v4 =	vshll.u32 v3, $0x1  }
0x16: {  	v3 =	vand.u32 $0x7, v3;
	v4 =	vand.u32 $0xFFFFFFF0, v4  }
0x17: {  	v3 =	vor.u32 v3, v4  }
0x18: {  	v4 =	vperm.xlane v3, v0;
	_ =	sdelay $0x1  }
0x19: {  	v3 =	vperm.xlane v3, v2;
	v4 =	vadd.s32 v1, v4;
	_ =	sdelay $0x1  }
0x1a: {  	v3 =	vadd.s32 v1, v3;
	_ =	sdelay $0x2  }
0x1b: {  	[tilespmem:s8], [sflag:$0x1] =	stream.indirect_vreg.gather [hbm4b:s1+s3], $0x80, v4, vm0, $0xb8;
	[tilespmem:$0x8080] =	vst v63  }
0x1c: {  	_ = 	snop  }
0x1d: {  	[tilespmem:s9], [sflag:$0x1] =	stream.indirect_vreg.gather [hbm4b:s1+s3], $0x80, v3, vm0, $0xb8;
	[tilespmem:$0x8080] =	vst v63  }
0x1e: {  	v3 =	vld [tilespmem:$0x10];
	_ =	sdelay $0x4  }
0x1f: {  	v57 =	vshll.u32 v3, $0x1  }
0x20: {  	v3 =	vand.u32 $0x7, v3;
	v4 =	vand.u32 $0xFFFFFFF0, v57  }
0x21: {  	v3 =	vor.u32 v3, v4  }
0x22: {  	v4 =	vperm.xlane v3, v0;
	_ =	sdelay $0x1  }
0x23: {  	v3 =	vperm.xlane v3, v2;
	v4 =	vadd.s32 v1, v4;
	_ =	sdelay $0x1  }
0x24: {  	v3 =	vadd.s32 v1, v3;
	_ =	sdelay $0x2  }
0x25: {  	[tilespmem:s10], [sflag:$0x1] =	stream.indirect_vreg.gather [hbm4b:s1+s3], $0x80, v4, vm0, $0xb8;
	[tilespmem:$0x8080] =	vst v63  }
0x26: {  	_ = 	snop  }
0x27: {  	[tilespmem:s11], [sflag:$0x1] =	stream.indirect_vreg.gather [hbm4b:s1+s3], $0x80, v3, vm0, $0xb8;
	[tilespmem:$0x8080] =	vst v63  }
0x28: {  	v3 =	vld [tilespmem:$0x20];
	_ =	sdelay $0x4  }
0x29: {  	v58 =	vshll.u32 v3, $0x1  }
0x2a: {  	v3 =	vand.u32 $0x7, v3;
	v4 =	vand.u32 $0xFFFFFFF0, v58  }
0x2b: {  	v3 =	vor.u32 v3, v4  }
0x2c: {  	v4 =	vperm.xlane v3, v0;
	_ =	sdelay $0x1  }
0x2d: {  	v3 =	vperm.xlane v3, v2;
	v4 =	vadd.s32 v1, v4;
	_ =	sdelay $0x1  }
0x2e: {  	v3 =	vadd.s32 v1, v3;
	_ =	sdelay $0x2  }
0x2f: {  	[tilespmem:s12], [sflag:$0x1] =	stream.indirect_vreg.gather [hbm4b:s1+s3], $0x80, v4, vm0, $0xb8;
	[tilespmem:$0x8080] =	vst v63  }
0x30: {  	_ = 	snop  }
0x31: {  	[tilespmem:s13], [sflag:$0x1] =	stream.indirect_vreg.gather [hbm4b:s1+s3], $0x80, v3, vm0, $0xb8;
	[tilespmem:$0x8080] =	vst v63  }
0x32: {  	v3 =	vld [tilespmem:$0x30];
	_ =	sdelay $0x4  }
0x33: {  	v59 =	vshll.u32 v3, $0x1  }
0x34: {  	v3 =	vand.u32 $0x7, v3;
	v4 =	vand.u32 $0xFFFFFFF0, v59  }
0x35: {  	v3 =	vor.u32 v3, v4  }
0x36: {  	v4 =	vperm.xlane v3, v0;
	_ =	sdelay $0x1  }
0x37: {  	v3 =	vperm.xlane v3, v2;
	v4 =	vadd.s32 v1, v4;
	_ =	sdelay $0x1  }
0x38: {  	v3 =	vadd.s32 v1, v3;
	_ =	sdelay $0x2  }
0x39: {  	[tilespmem:s14], [sflag:$0x1] =	stream.indirect_vreg.gather [hbm4b:s1+s3], $0x80, v4, vm0, $0xb8;
	[tilespmem:$0x8080] =	vst v63  }
0x3a: {  	_ = 	snop  }
0x3b: {  	[tilespmem:s15], [sflag:$0x1] =	stream.indirect_vreg.gather [hbm4b:s1+s3], $0x80, v3, vm0, $0xb8;
	[tilespmem:$0x8080] =	vst v63  }
0x3c: {  	v3 =	vld [tilespmem:$0x40];
	_ =	sdelay $0x4  }
0x3d: {  	v60 =	vshll.u32 v3, $0x1  }
0x3e: {  	v3 =	vand.u32 $0x7, v3;
	v4 =	vand.u32 $0xFFFFFFF0, v60  }
0x3f: {  	v3 =	vor.u32 v3, v4  }
0x40: {  	v4 =	vperm.xlane v3, v0;
	_ =	sdelay $0x1  }
0x41: {  	v3 =	vperm.xlane v3, v2;
	v4 =	vadd.s32 v1, v4;
	_ =	sdelay $0x1  }
0x42: {  	v3 =	vadd.s32 v1, v3;
	_ =	sdelay $0x2  }
0x43: {  	[tilespmem:s16], [sflag:$0x1] =	stream.indirect_vreg.gather [hbm4b:s1+s3], $0x80, v4, vm0, $0xb8;
	[tilespmem:$0x8080] =	vst v63  }
0x44: {  	_ = 	snop  }
0x45: {  	[tilespmem:s17], [sflag:$0x1] =	stream.indirect_vreg.gather [hbm4b:s1+s3], $0x80, v3, vm0, $0xb8;
	[tilespmem:$0x8080] =	vst v63  }
0x46: {  	v3 =	vld [tilespmem:$0x50];
	_ =	sdelay $0x4  }
0x47: {  	v61 =	vshll.u32 v3, $0x1  }
0x48: {  	v3 =	vand.u32 $0x7, v3;
	v4 =	vand.u32 $0xFFFFFFF0, v61  }
0x49: {  	v3 =	vor.u32 v3, v4  }
0x4a: {  	v4 =	vperm.xlane v3, v0;
	_ =	sdelay $0x1  }
0x4b: {  	v3 =	vperm.xlane v3, v2;
	v4 =	vadd.s32 v1, v4;
	_ =	sdelay $0x1  }
0x4c: {  	v3 =	vadd.s32 v1, v3;
	_ =	sdelay $0x2  }
0x4d: {  	[tilespmem:s18], [sflag:$0x1] =	stream.indirect_vreg.gather [hbm4b:s1+s3], $0x80, v4, vm0, $0xb8;
	[tilespmem:$0x8080] =	vst v63  }
0x4e: {  	_ = 	snop  }
0x4f: {  	[tilespmem:s19], [sflag:$0x1] =	stream.indirect_vreg.gather [hbm4b:s1+s3], $0x80, v3, vm0, $0xb8;
	[tilespmem:$0x8080] =	vst v63  }
0x50: {  	v3 =	vld [tilespmem:$0x60];
	_ =	sdelay $0x4  }
0x51: {  	v62 =	vshll.u32 v3, $0x1  }
0x52: {  	v3 =	vand.u32 $0x7, v3;
	v4 =	vand.u32 $0xFFFFFFF0, v62  }
0x53: {  	v3 =	vor.u32 v3, v4  }
0x54: {  	v4 =	vperm.xlane v3, v0;
	_ =	sdelay $0x1  }
0x55: {  	v3 =	vperm.xlane v3, v2;
	v4 =	vadd.s32 v1, v4;
	_ =	sdelay $0x1  }
0x56: {  	v3 =	vadd.s32 v1, v3;
	_ =	sdelay $0x2  }
0x57: {  	[tilespmem:s20], [sflag:$0x1] =	stream.indirect_vreg.gather [hbm4b:s1+s3], $0x80, v4, vm0, $0xb8;
	[tilespmem:$0x8080] =	vst v63  }
0x58: {  	_ = 	snop  }
0x59: {  	[tilespmem:s21], [sflag:$0x1] =	stream.indirect_vreg.gather [hbm4b:s1+s3], $0x80, v3, vm0, $0xb8;
	[tilespmem:$0x8080] =	vst v63  }
0x5a: {  	v3 =	vld [tilespmem:$0x70];
	_ =	sdelay $0x4  }
0x5b: {  	v63 =	vshll.u32 v3, $0x1  }
0x5c: {  	v3 =	vand.u32 $0x7, v3;
	v4 =	vand.u32 $0xFFFFFFF0, v63  }
0x5d: {  	v3 =	vor.u32 v3, v4  }
0x5e: {  	v4 =	vperm.xlane v3, v0;
	_ =	sdelay $0x1  }
0x5f: {  	v3 =	vperm.xlane v3, v2;
	v4 =	vadd.s32 v1, v4;
	_ =	sdelay $0x1  }
0x60: {  	v3 =	vadd.s32 v1, v3;
	_ =	sdelay $0x2  }
0x61: {  	[tilespmem:s22], [sflag:$0x1] =	stream.indirect_vreg.gather [hbm4b:s1+s3], $0x80, v4, vm0, $0xb8;
	[tilespmem:$0x8080] =	vst v63  }
0x62: {  	_ = 	snop  }
0x63: {  	[tilespmem:s23], [sflag:$0x1] =	stream.indirect_vreg.gather [hbm4b:s1+s3], $0x80, v3, vm0, $0xb8;
	[tilespmem:$0x8080] =	vst v63  }
0x64: {  	_ =	swait.ge [sflag:s24], $0x8000  }
0x65: {  	p0 =	sne.s32 s6, $0x1;
	[sflag:s24] =	ssyncset.done $0x0  }
.Ltmp0:
0x66: {  	[sflag:s24] =	ssyncadd.s32 $0xFFFF8000;
	(pc) =	sbr.rel @p0 .LBB2_1-.Ltmp0, $4  }
0x67: {  	[hbm4b:s5+s3] =	stream.linear.scatter [tilespmem:s8], [sflag:$0x2], $0x8000, $0x38;
	[tilespmem:$0x8080] =	vst v63  }
0x68: {  	_ =	swait.ge [sflag:s7], $0x8000  }
0x69: {  	[sflag:s7] =	ssyncset.done $0x0  }
0x6a: {  	s6 =	sadd.s32 $0xFFFFFFFF, s6;
	[sflag:s7] =	ssyncadd.s32 $0xFFFF8000  }
0x6b: {  	_ =	sfence.sel $0x180000  }
0x6c: {  	[bflag:$0x0] =	sbarrier.arrive $0xFFFF  }
0x6d: {  	p0 =	sne.s32 s2, $0x0;
	_ =	strace $0x9000004D  }
0x6e: {  	s0 =	sadd.s32 @!p0 $0x100000, s0;
	[bflag:$0x2] =	sbarrier.arrive $0xFFFF  }
0x6f: {  	[sflag:s0] =	ssyncadd.tile.s32 @!p0 $0x1;
	_ =	shalt  }
.Lfunc_end2:
_tile_overlayer_lowered:
.L_overlay_start_2:
0x70: {  	(tag) =	ssettag $0x2  }
0x71: {  	s0 =	rddreg [dreg:$0x0];
	s2 =	stileid.u32  }
0x72: {  	s1 =	rddreg [dreg:$0x1];
	p0 =	sne.s32 s2, $0x0  }
0x73: {  	s3 =	rddreg [dreg:$0x2];
	[bflag:$0x3] =	sbarrier.arrive $0xFFFF;
	s2 =	simm.s32 @!p0 $0x1C02  }
0x74: {  	[timem:s3], [sflag:s2] =	dma.local @!p0 [hbm:s0], s1  }
0x75: {  	s0 =	simm.s32 @!p0 $0x2  }
0x76: {  	_ =	swait.ge @!p0 [sflag:s0], s1  }
0x77: {  	s1 =	ssub.s32 @!p0 $0x0, s1;
	[sflag:s0] =	ssyncset.done @!p0 $0x0  }
0x78: {  	[sflag:s0] =	ssyncadd.s32 @!p0 s1  }
0x79: {  	[bflag:$0x3] =	sbarrier.arrive $0xFFFF  }
0x7a: {  	_ =	shalt  }

// kernel: kernel.21.cloned.1.call-start
scs
__scs_entry_jumppad:
0x0: {  	(pc) =	sbr.rel $0x88, $3  }
0x1: {  	(tag) =	ssettag $0x0;
	lr =	simm.s32 $0x1  }
0x2: {  	[smem:$0x3F9F] =	sst lr;
	_ =	strace $0xD0000000  }
0x3: {  	_ = 	snop  }
0x4: {  	_ = 	snop  }
0x5: {  	_ = 	snop  }
0x6: {  	_ = 	snop  }
0x7: {  	_ = 	snop  }
__scs_overlays_trampoline_lowered:
0x8: {  	[smem:$0x3FAE] =	sst s0  }
0x9: {  	[smem:$0x3FAF] =	sst s1  }
0xa: {  	[smem:$0x3FB0] =	sst s2  }
0xb: {  	[smem:$0x3FB1] =	sst s3  }
0xc: {  	[smem:$0x3FB2] =	sst s4  }
0xd: {  	[smem:$0x3FB3] =	sst s5  }
0xe: {  	[smem:$0x3FB4] =	sst s6  }
0xf: {  	[smem:$0x3FB5] =	sst s7  }
0x10: {  	[smem:$0x3FB6] =	sst s8  }
0x11: {  	[smem:$0x3FB7] =	sst s9;
	s0 =	simm.s32 @!p0 $0x0  }
0x12: {  	s1 =	sld [smem:$0x3F9D];
	s0 =	simm.s32 @p0 $0x1  }
0x13: {  	[smem:$0x3FB8] =	sst s0;
	s0 =	simm.s32 @!p1 $0x0  }
0x14: {  	s2 =	sld [smem:$0x3F9C];
	s0 =	simm.s32 @p1 $0x1  }
0x15: {  	[smem:$0x3FB9] =	sst s0;
	s0 =	simm.s32 @!p2 $0x0  }
0x16: {  	s3 =	sld [smem:$0x3FDB];
	s0 =	simm.s32 @p2 $0x1  }
0x17: {  	s4 =	simm.s32 $0x1BF5;
	[smem:$0x3FBB] =	sst s0  }
0x18: {  	s0 =	sld [smem:$0x3F9E];
	_ =	swait.ge [sflag:s4], $0x0  }
0x19: {  	s7 =	sld [smem:$0x3F9F]  }
0x1a: {  	s8 =	sadd.s32 $0xFFFFE003, lr  }
0x1b: {  	s9 =	sadd.s32 $0xFFFFFEF7, lr;
	s5 =	simm.s32 $0xFFFFFFFF;
	p2 =	slt.u32 s8, $0xFFFFF086  }
0x1c: {  	p1 =	slt.u32 s9, $0xF7A;
	s5 =	simm.s32 @!p2 $0x0  }
0x1d: {  	s5 =	simm.s32 @p1 $0x1;
	p0 =	seq.s32 s7, s2  }
0x1e: {  	s7 =	smul.u32 @!p0 $0xF7A, s2;
	p2 =	seq.s32 @!p0 s5, $0x0  }
0x1f: {  	s9 =	smul.u32 $0xF7A, s1;
	s8 =	simm.s32 @!p0 $0x1BF5;
	p2 =	por !p2, p0  }
0x20: {  	[sflag:s8] =	ssyncset.s32 @!p0 $0xFFFFF086;
	s6 =	sadd.s32 @!p0 s3, s7;
	s7 =	simm.s32 @!p0 $0x108  }
0x21: {  	s3 =	sadd.s32 s3, s9;
	s6 =	sadd.s32 @!p0 $0x88, s6;
	s7 =	simm.s32 @p2 $0x1082  }
0x22: {  	[simem:s7], [sflag:s8] =	dma.local @!p0 [hbm:s6], $0xF7A  }
0x23: {  	s9 =	sor.u32 $0xD0000000, s2;
	s6 =	simm.s32 $0x108;
	_ =	swait.ge @!p0 [sflag:s8], $0x0  }
0x24: {  	s3 =	sadd.s32 $0x88, s3;
	s6 =	simm.s32 @!p1 $0x1082;
	[sflag:s4] =	ssyncset.s32 $0xFFFFF086  }
0x25: {  	[simem:s6], [sflag:s4] =	dma.local [hbm:s3], $0xF7A  }
0x26: {  	[smem:$0x3F9F] =	sst s1;
	(tag) =	ssettag s2;
	_ =	strace s9  }
0x27: {  	s1 =	sld [smem:$0x3FAF]  }
0x28: {  	s2 =	sld [smem:$0x3FB0]  }
0x29: {  	s4 =	sld [smem:$0x3FB2]  }
0x2a: {  	p0 =	seq.s32 s5, $0x0;
	s5 =	sld [smem:$0x3FB3]  }
0x2b: {  	s6 =	sld [smem:$0x3FB4]  }
0x2c: {  	s7 =	sld [smem:$0x3FB5]  }
0x2d: {  	s3 =	simm.s32 $0x108;
	s8 =	sld [smem:$0x3FB6]  }
0x2e: {  	s3 =	simm.s32 @!p0 $0x1082;
	s9 =	sld [smem:$0x3FB7]  }
0x2f: {  	lr =	sadd.s32 s0, s3;
	s0 =	sld [smem:$0x3FAE]  }
0x30: {  	s3 =	sld [smem:$0x3FB1]  }
0x31: {  	[smem:$0x3FBA] =	sst s10  }
0x32: {  	s10 =	sld [smem:$0x3FB8];
	_ =	sdelay $0x3  }
0x33: {  	p0 =	seq.s32 s10, $0x1;
	s10 =	sld [smem:$0x3FBA];
	_ =	sdelay $0x3  }
0x34: {  	[smem:$0x3FBA] =	sst s10  }
0x35: {  	s10 =	sld [smem:$0x3FB9];
	_ =	sdelay $0x3  }
0x36: {  	p1 =	seq.s32 s10, $0x1;
	s10 =	sld [smem:$0x3FBA];
	_ =	sdelay $0x3  }
0x37: {  	[smem:$0x3FBA] =	sst s10  }
0x38: {  	s10 =	sld [smem:$0x3FBB]  }
0x39: {  	_ = 	snop;
	(pc) =	sbr.ind lr, $3  }
0x3a: {  	_ = 	snop  }
0x3b: {  	_ = 	snop  }
0x3c: {  	p2 =	seq.s32 s10, $0x1;
	s10 =	sld [smem:$0x3FBA]  }
0x3d: {  	_ =	shalt  }
0x3e: {  	_ =	shalt  }
0x3f: {  	_ =	shalt  }
0x40: {  	_ =	shalt  }
0x41: {  	_ =	shalt  }
0x42: {  	_ =	shalt  }
0x43: {  	_ =	shalt  }
0x44: {  	_ =	shalt  }
0x45: {  	_ =	shalt  }
0x46: {  	_ =	shalt  }
0x47: {  	_ =	shalt  }
0x48: {  	_ =	shalt  }
0x49: {  	_ =	shalt  }
0x4a: {  	_ =	shalt  }
0x4b: {  	_ =	shalt  }
0x4c: {  	_ =	shalt  }
0x4d: {  	_ =	shalt  }
0x4e: {  	_ =	shalt  }
0x4f: {  	_ =	shalt  }
0x50: {  	_ =	shalt  }
0x51: {  	_ =	shalt  }
0x52: {  	_ =	shalt  }
0x53: {  	_ =	shalt  }
0x54: {  	_ =	shalt  }
0x55: {  	_ =	shalt  }
0x56: {  	_ =	shalt  }
0x57: {  	_ =	shalt  }
0x58: {  	_ =	shalt  }
0x59: {  	_ =	shalt  }
0x5a: {  	_ =	shalt  }
0x5b: {  	_ =	shalt  }
0x5c: {  	_ =	shalt  }
0x5d: {  	_ =	shalt  }
0x5e: {  	_ =	shalt  }
0x5f: {  	_ =	shalt  }
0x60: {  	_ =	shalt  }
0x61: {  	_ =	shalt  }
0x62: {  	_ =	shalt  }
0x63: {  	_ =	shalt  }
0x64: {  	_ =	shalt  }
0x65: {  	_ =	shalt  }
0x66: {  	_ =	shalt  }
0x67: {  	_ =	shalt  }
0x68: {  	_ =	shalt  }
0x69: {  	_ =	shalt  }
0x6a: {  	_ =	shalt  }
0x6b: {  	_ =	shalt  }
0x6c: {  	_ =	shalt  }
0x6d: {  	_ =	shalt  }
0x6e: {  	_ =	shalt  }
0x6f: {  	_ =	shalt  }
0x70: {  	_ =	shalt  }
0x71: {  	_ =	shalt  }
0x72: {  	_ =	shalt  }
0x73: {  	_ =	shalt  }
0x74: {  	_ =	shalt  }
0x75: {  	_ =	shalt  }
0x76: {  	_ =	shalt  }
0x77: {  	_ =	shalt  }
0x78: {  	_ =	shalt  }
0x79: {  	_ =	shalt  }
0x7a: {  	_ =	shalt  }
0x7b: {  	_ =	shalt  }
0x7c: {  	_ =	shalt  }
0x7d: {  	_ =	shalt  }
0x7e: {  	_ =	shalt  }
0x7f: {  	_ =	shalt  }
0x80: {  	_ =	shalt  }
0x81: {  	_ =	shalt  }
0x82: {  	_ =	shalt  }
0x83: {  	_ =	shalt  }
0x84: {  	_ =	shalt  }
0x85: {  	_ =	shalt  }
0x86: {  	_ =	shalt  }
0x87: {  	_ =	shalt  }
.Lfunc_end0:
.L_simem_size_0:
called_computation.3_lowered:
.L_overlay_start_0:
0x88: {  	s2 =	sld [smem:$0x3FD9]  }
0x89: {  	s3 =	sld [smem:$0x3FFE];
	_ =	sdelay $0x1  }
0x8a: {  	s1 =	srdreg.scid  }
0x8b: {  	s0 =	sand.u32 $0x1, s1  }
0x8c: {  	s16 =	sshll.u32 s0, $0xA;
	s2 =	sadd.s32 s3, s2  }
0x8d: {  	s2 =	sadd.s32 s2, s16  }
0x8e: {  	[smem:$0x3FC6] =	sst s2  }
0x8f: {  	_ = 	snop  }
0x90: {  	s4 =	sld [smem:$0x3FD0];
	_ =	sdelay $0x2  }
0x91: {  	s5 =	simm.s32 $0xB;
	s6 =	simm.s32 $0x10;
	s2 =	sld [smem:$0x3FC8]  }
0x92: {  	[smem:s6], [sflag:s5] =	dma.local [hbm:s4], $0x1  }
0x93: {  	_ =	swait.eq [sflag:s5], $0x1  }
0x94: {  	[sflag:s5] =	ssyncset.done $0x0  }
0x95: {  	[sflag:s5] =	ssyncadd.s32 $0xFFFFFFFF  }
0x96: {  	s4 =	sadd.s32 $0x1, s4;
	s17 =	sld [smem:$0x11]  }
0x97: {  	[smem:s6], [sflag:s5] =	dma.local [hbm:s4], $0x1  }
0x98: {  	_ =	swait.eq [sflag:s5], $0x1  }
0x99: {  	[sflag:s5] =	ssyncset.done $0x0  }
0x9a: {  	[sflag:s5] =	ssyncadd.s32 $0xFFFFFFFF  }
0x9b: {  	s18 =	sld [smem:$0x10];
	(tm) =	ssettm $0x1  }
0x9c: {  	s19 =	sld [smem:$0x3FFB];
	_ =	sdelay $0x3  }
0x9d: {  	_ =	strace s19  }
0x9e: {  	s4 =	sld [smem:$0x3FFC];
	_ =	sdelay $0x3  }
0x9f: {  	_ =	strace s4  }
0xa0: {  	s4 =	sld [smem:$0x3FFD];
	_ =	sdelay $0x3  }
0xa1: {  	_ =	strace s4  }
0xa2: {  	_ =	strace $0x8FFFFFFF  }
0xa3: {  	s20 =	sld [smem:$0x3FDB];
	_ =	sdelay $0x1  }
0xa4: {  	s21 =	simm.s32 $_scs_section_size  }
0xa5: {  	s7 =	simm.s32 $_size__tile_overlayer_lowered;
	s8 =	simm.s32 $_tile_overlayer_lowered  }
0xa6: {  	s9 =	simm.s32 $0x1BFF;
	s22 =	sshll.u32 s8, $0x1;
	s6 =	sadd.s32 s21, s20  }
0xa7: {  	s23 =	simm.s32 $0x0;
	s7 =	sshll.u32 s7, $0x1;
	s8 =	sadd.s32 s22, s6  }
0xa8: {  	[timem:s23], [sflag:s9] =	dma.local [hbm:s8], s7  }
0xa9: {  	_ =	swait.ge [sflag:s9], s7  }
0xaa: {  	s7 =	ssub.s32 $0x0, s7;
	[sflag:s9] =	ssyncset.done $0x0  }
0xab: {  	[sflag:s9] =	ssyncadd.s32 s7;
	_ =	sdelay $0x1  }
0xac: {  	s24 =	simm.s32 $0x1B8B  }
0xad: {  	_ =	swait.ge [sflag:s24], $0x1  }
0xae: {  	[sflag:s24] =	ssyncset.done $0x0  }
0xaf: {  	[sflag:s24] =	ssyncadd.s32 $0xFFFFFFFF  }
0xb0: {  	s7 =	sld [smem:$0x0]  }
0xb1: {  	s8 =	sand.u32 $0xFFFFFFFE, s1  }
0xb2: {  	p0 =	sne.s32 s1, s8  }
0xb3: {  	s8 =	sshll.u32 @p0 s8, $0xE  }
0xb4: {  	s8 =	sadd.s32 @p0 $0x11B8D, s8;
	s9 =	sshll.u32 @p0 s7, $0x11  }
0xb5: {  	s8 =	sor.u32 @p0 s9, s8  }
0xb6: {  	[sflag:s8] =	ssyncadd.remote.s32 @p0 $0x1;
	_ =	sdelay $0x1  }
0xb7: {  	s8 =	simm.s32 @p0 $0x1B8D  }
0xb8: {  	_ =	swait.eq @p0 [sflag:s8], $0x1  }
0xb9: {  	[sflag:s8] =	ssyncadd.s32 @p0 $0xFFFFFFFF  }
0xba: {  	s9 =	sshll.u32 @!p0 s1, $0xE  }
0xbb: {  	s9 =	sor.u32 @!p0 $0x4000, s9;
	s8 =	simm.s32 @!p0 $0x1B8D  }
0xbc: {  	s7 =	sshll.u32 @!p0 s7, $0x11;
	s9 =	sadd.s32 @!p0 $0x11B8D, s9;
	_ =	swait.eq @!p0 [sflag:s8], $0x1  }
0xbd: {  	s7 =	sor.u32 @!p0 s7, s9;
	[sflag:s8] =	ssyncadd.s32 @!p0 $0xFFFFFFFF  }
0xbe: {  	s25 =	simm.s32 $0x1B8E;
	[sflag:s7] =	ssyncadd.remote.s32 @!p0 $0x1  }
0xbf: {  	s26 =	simm.s32 $execute0_lowered;
	[smem:$0x3FD2] =	sst s25  }
0xc0: {  	s7 =	sshll.u32 s26, $0x1;
	_ =	strace $0x80000052;
	[dreg:$0x1] =	wrdreg $0xFFFFFFFF  }
0xc1: {  	s28 =	simm.s32 $_size_execute0_lowered;
	s6 =	sadd.s32 s6, s7;
	[dreg:$0x0] =	wrdreg $0x0  }
0xc2: {  	s7 =	sshll.u32 s28, $0x1;
	[dreg:$0x2] =	wrdreg s6  }
0xc3: {  	[dreg:$0x3] =	wrdreg s7  }
0xc4: {  	[dreg:$0x4] =	wrdreg $0xC0  }
0xc5: {  	_ =	task [dreg:s23], $0x5FFFF  }
0xc6: {  	[dreg:$0x1] =	wrdreg $0xFFFFFFFF  }
0xc7: {  	[dreg:$0x0] =	wrdreg $0x60  }
0xc8: {  	[dreg:$0x2] =	wrdreg s2  }
0xc9: {  	[dreg:$0x3] =	wrdreg s18  }
0xca: {  	[dreg:$0x4] =	wrdreg s17  }
0xcb: {  	[dreg:$0x5] =	wrdreg $0x9  }
0xcc: {  	_ =	task.clear_ibuf [dreg:s23], $0x6FFFF;
	_ =	strace $0x90000052  }
0xcd: {  	s29 =	simm.s32 $0x9;
	_ =	strace $0x80000054  }
0xce: {  	_ =	swait.ge [sflag:s29], $0x1  }
0xcf: {  	[sflag:s29] =	ssyncadd.s32 $0xFFFFFFFF  }
0xd0: {  	_ =	strace $0x90000054  }
0xd1: {  	_ =	sfence  }
0xd2: {  	s30 =	sld [smem:$0x0];
	_ =	sdelay $0x2  }
0xd3: {  	s31 =	sshll.u32 s1, $0xD;
	s1 =	sshrl.u32 s1, $0x2  }
0xd4: {  	s3 =	sand.u32 $0x4000, s31;
	s1 =	sadd.s32 s1, s30  }
0xd5: {  	s0 =	sor.u32 s3, s0;
	s1 =	sshll.u32 s1, $0x11  }
0xd6: {  	s0 =	sor.u32 s1, s0  }
0xd7: {  	s0 =	sadd.s32 $0x8F2B, s0  }
0xd8: {  	[sflag:s0] =	ssyncadd.remote.s32 $0x1  }
0xd9: {  	_ =	sfence.sel $0xFFFF  }
0xda: {  	[dreg:$0x0] =	wrdreg $0xFFFFFFFF;
	(pc) =	sbr.abs _section_cstart, $3  }
0xdb: {  	[dreg:$0x1] =	wrdreg $0xFFFFFFFF  }
0xdc: {  	_ =	task.clear_ibuf [dreg:s23], $0x2FFFF;
	_ =	strace $0x9FFFFFFF  }
0xdd: {  	(tm) =	ssettm $0x7FFFFFFF  }
tec
execute0_lowered:
.L_overlay_start_1:
0x0: {  	(tag) =	ssettag $0x1  }
0x1: {  	s1 =	rddreg [dreg:$0x0]  }
0x2: {  	s4 =	rddreg [dreg:$0x1]  }
0x3: {  	s5 =	rddreg [dreg:$0x2]  }
0x4: {  	s0 =	rddreg [dreg:$0x3];
	s3 =	simm.s32 $0x0;
	s6 =	srdreg.scid  }
0x5: {  	s2 =	stileid.u32;
	s10 =	simm.s32 $0x1080;
	s11 =	simm.s32 $0x1880  }
0x6: {  	s12 =	simm.s32 $0x2080;
	s13 =	simm.s32 $0x2880;
	s14 =	simm.s32 $0x3080  }
0x7: {  	s15 =	simm.s32 $0x3880;
	s16 =	simm.s32 $0x4080;
	s17 =	simm.s32 $0x4880  }
0x8: {  	s18 =	simm.s32 $0x5080;
	s19 =	simm.s32 $0x5880;
	s20 =	simm.s32 $0x6080  }
0x9: {  	s21 =	simm.s32 $0x6880;
	s22 =	simm.s32 $0x7080;
	s23 =	simm.s32 $0x7880  }
0xa: {  	s24 =	simm.s32 $0x1;
	[smem:$0x7FF] =	sst s3;
	s6 =	sand.u32 $0x1, s6  }
0xb: {  	s8 =	sshll.u32 s2, $0x8;
	s7 =	ssub.s32 $0x2, s6;
	s6 =	sshll.u32 s6, $0x7  }
0xc: {  	_ =	strace $0x80000053;
	s9 =	sshrl.u32 s7, $0x1;
	s6 =	sor.u32 s6, s8  }
0xd: {  	v2 =	vlaneseq.u32;
	s7 =	ssub.s32 s7, s9;
	s8 =	sshrl.u32 s6, $0x3;
	s6 =	sshll.u32 s6, $0x5  }
0xe: {  	vm0 =	vmmov $0xffff;
	v1 =	vshrl.u32 v2, $0x3;
	s9 =	simm.s32 $0x880;
	s4 =	sadd.s32 s4, s8;
	s5 =	sadd.s32 s5, s6  }
0xf: {  	v0 =	vand.u32 $0x7, v2;
	v2 =	vor.u32 $0x8, v2;
	v1 =	vmul.u32 $0x8, v1;
	s6 =	smax.u32 s7, $0x1;
	s7 =	simm.s32 $0x2;
	s8 =	simm.s32 $0x80  }
.LBB2_1:
0x10: {  	[tilespmem:s3], [sflag:$0x2] =	stream.linear.gather [hbm4b:s4+s3], $0x80, $0x38;
	[tilespmem:$0x8080] =	vst v63  }
0x11: {  	_ =	swait.ge [sflag:s7], $0x80  }
0x12: {  	[sflag:s7] =	ssyncset.done $0x0  }
0x13: {  	[sflag:s7] =	ssyncadd.s32 $0xFFFFFF80  }
0x14: {  	v3 =	vld [tilespmem:$0x0];
	_ =	sdelay $0x4  }
0x15: {  	v4 =	vshll.u32 v3, $0x1  }
0x16: {  	v3 =	vand.u32 $0x7, v3;
	v4 =	vand.u32 $0xFFFFFFF0, v4  }
0x17: {  	v3 =	vor.u32 v3, v4  }
0x18: {  	v4 =	vperm.xlane v3, v0;
	_ =	sdelay $0x1  }
0x19: {  	v3 =	vperm.xlane v3, v2;
	v4 =	vadd.s32 v1, v4;
	_ =	sdelay $0x1  }
0x1a: {  	v3 =	vadd.s32 v1, v3;
	_ =	sdelay $0x2  }
0x1b: {  	[tilespmem:s8], [sflag:$0x1] =	stream.indirect_vreg.gather [hbm4b:s1+s3], $0x80, v4, vm0, $0xb8;
	[tilespmem:$0x8080] =	vst v63  }
0x1c: {  	_ = 	snop  }
0x1d: {  	[tilespmem:s9], [sflag:$0x1] =	stream.indirect_vreg.gather [hbm4b:s1+s3], $0x80, v3, vm0, $0xb8;
	[tilespmem:$0x8080] =	vst v63  }
0x1e: {  	v3 =	vld [tilespmem:$0x10];
	_ =	sdelay $0x4  }
0x1f: {  	v57 =	vshll.u32 v3, $0x1  }
0x20: {  	v3 =	vand.u32 $0x7, v3;
	v4 =	vand.u32 $0xFFFFFFF0, v57  }
0x21: {  	v3 =	vor.u32 v3, v4  }
0x22: {  	v4 =	vperm.xlane v3, v0;
	_ =	sdelay $0x1  }
0x23: {  	v3 =	vperm.xlane v3, v2;
	v4 =	vadd.s32 v1, v4;
	_ =	sdelay $0x1  }
0x24: {  	v3 =	vadd.s32 v1, v3;
	_ =	sdelay $0x2  }
0x25: {  	[tilespmem:s10], [sflag:$0x1] =	stream.indirect_vreg.gather [hbm4b:s1+s3], $0x80, v4, vm0, $0xb8;
	[tilespmem:$0x8080] =	vst v63  }
0x26: {  	_ = 	snop  }
0x27: {  	[tilespmem:s11], [sflag:$0x1] =	stream.indirect_vreg.gather [hbm4b:s1+s3], $0x80, v3, vm0, $0xb8;
	[tilespmem:$0x8080] =	vst v63  }
0x28: {  	v3 =	vld [tilespmem:$0x20];
	_ =	sdelay $0x4  }
0x29: {  	v58 =	vshll.u32 v3, $0x1  }
0x2a: {  	v3 =	vand.u32 $0x7, v3;
	v4 =	vand.u32 $0xFFFFFFF0, v58  }
0x2b: {  	v3 =	vor.u32 v3, v4  }
0x2c: {  	v4 =	vperm.xlane v3, v0;
	_ =	sdelay $0x1  }
0x2d: {  	v3 =	vperm.xlane v3, v2;
	v4 =	vadd.s32 v1, v4;
	_ =	sdelay $0x1  }
0x2e: {  	v3 =	vadd.s32 v1, v3;
	_ =	sdelay $0x2  }
0x2f: {  	[tilespmem:s12], [sflag:$0x1] =	stream.indirect_vreg.gather [hbm4b:s1+s3], $0x80, v4, vm0, $0xb8;
	[tilespmem:$0x8080] =	vst v63  }
0x30: {  	_ = 	snop  }
0x31: {  	[tilespmem:s13], [sflag:$0x1] =	stream.indirect_vreg.gather [hbm4b:s1+s3], $0x80, v3, vm0, $0xb8;
	[tilespmem:$0x8080] =	vst v63  }
0x32: {  	v3 =	vld [tilespmem:$0x30];
	_ =	sdelay $0x4  }
0x33: {  	v59 =	vshll.u32 v3, $0x1  }
0x34: {  	v3 =	vand.u32 $0x7, v3;
	v4 =	vand.u32 $0xFFFFFFF0, v59  }
0x35: {  	v3 =	vor.u32 v3, v4  }
0x36: {  	v4 =	vperm.xlane v3, v0;
	_ =	sdelay $0x1  }
0x37: {  	v3 =	vperm.xlane v3, v2;
	v4 =	vadd.s32 v1, v4;
	_ =	sdelay $0x1  }
0x38: {  	v3 =	vadd.s32 v1, v3;
	_ =	sdelay $0x2  }
0x39: {  	[tilespmem:s14], [sflag:$0x1] =	stream.indirect_vreg.gather [hbm4b:s1+s3], $0x80, v4, vm0, $0xb8;
	[tilespmem:$0x8080] =	vst v63  }
0x3a: {  	_ = 	snop  }
0x3b: {  	[tilespmem:s15], [sflag:$0x1] =	stream.indirect_vreg.gather [hbm4b:s1+s3], $0x80, v3, vm0, $0xb8;
	[tilespmem:$0x8080] =	vst v63  }
0x3c: {  	v3 =	vld [tilespmem:$0x40];
	_ =	sdelay $0x4  }
0x3d: {  	v60 =	vshll.u32 v3, $0x1  }
0x3e: {  	v3 =	vand.u32 $0x7, v3;
	v4 =	vand.u32 $0xFFFFFFF0, v60  }
0x3f: {  	v3 =	vor.u32 v3, v4  }
0x40: {  	v4 =	vperm.xlane v3, v0;
	_ =	sdelay $0x1  }
0x41: {  	v3 =	vperm.xlane v3, v2;
	v4 =	vadd.s32 v1, v4;
	_ =	sdelay $0x1  }
0x42: {  	v3 =	vadd.s32 v1, v3;
	_ =	sdelay $0x2  }
0x43: {  	[tilespmem:s16], [sflag:$0x1] =	stream.indirect_vreg.gather [hbm4b:s1+s3], $0x80, v4, vm0, $0xb8;
	[tilespmem:$0x8080] =	vst v63  }
0x44: {  	_ = 	snop  }
0x45: {  	[tilespmem:s17], [sflag:$0x1] =	stream.indirect_vreg.gather [hbm4b:s1+s3], $0x80, v3, vm0, $0xb8;
	[tilespmem:$0x8080] =	vst v63  }
0x46: {  	v3 =	vld [tilespmem:$0x50];
	_ =	sdelay $0x4  }
0x47: {  	v61 =	vshll.u32 v3, $0x1  }
0x48: {  	v3 =	vand.u32 $0x7, v3;
	v4 =	vand.u32 $0xFFFFFFF0, v61  }
0x49: {  	v3 =	vor.u32 v3, v4  }
0x4a: {  	v4 =	vperm.xlane v3, v0;
	_ =	sdelay $0x1  }
0x4b: {  	v3 =	vperm.xlane v3, v2;
	v4 =	vadd.s32 v1, v4;
	_ =	sdelay $0x1  }
0x4c: {  	v3 =	vadd.s32 v1, v3;
	_ =	sdelay $0x2  }
0x4d: {  	[tilespmem:s18], [sflag:$0x1] =	stream.indirect_vreg.gather [hbm4b:s1+s3], $0x80, v4, vm0, $0xb8;
	[tilespmem:$0x8080] =	vst v63  }
0x4e: {  	_ = 	snop  }
0x4f: {  	[tilespmem:s19], [sflag:$0x1] =	stream.indirect_vreg.gather [hbm4b:s1+s3], $0x80, v3, vm0, $0xb8;
	[tilespmem:$0x8080] =	vst v63  }
0x50: {  	v3 =	vld [tilespmem:$0x60];
	_ =	sdelay $0x4  }
0x51: {  	v62 =	vshll.u32 v3, $0x1  }
0x52: {  	v3 =	vand.u32 $0x7, v3;
	v4 =	vand.u32 $0xFFFFFFF0, v62  }
0x53: {  	v3 =	vor.u32 v3, v4  }
0x54: {  	v4 =	vperm.xlane v3, v0;
	_ =	sdelay $0x1  }
0x55: {  	v3 =	vperm.xlane v3, v2;
	v4 =	vadd.s32 v1, v4;
	_ =	sdelay $0x1  }
0x56: {  	v3 =	vadd.s32 v1, v3;
	_ =	sdelay $0x2  }
0x57: {  	[tilespmem:s20], [sflag:$0x1] =	stream.indirect_vreg.gather [hbm4b:s1+s3], $0x80, v4, vm0, $0xb8;
	[tilespmem:$0x8080] =	vst v63  }
0x58: {  	_ = 	snop  }
0x59: {  	[tilespmem:s21], [sflag:$0x1] =	stream.indirect_vreg.gather [hbm4b:s1+s3], $0x80, v3, vm0, $0xb8;
	[tilespmem:$0x8080] =	vst v63  }
0x5a: {  	v3 =	vld [tilespmem:$0x70];
	_ =	sdelay $0x4  }
0x5b: {  	v63 =	vshll.u32 v3, $0x1  }
0x5c: {  	v3 =	vand.u32 $0x7, v3;
	v4 =	vand.u32 $0xFFFFFFF0, v63  }
0x5d: {  	v3 =	vor.u32 v3, v4  }
0x5e: {  	v4 =	vperm.xlane v3, v0;
	_ =	sdelay $0x1  }
0x5f: {  	v3 =	vperm.xlane v3, v2;
	v4 =	vadd.s32 v1, v4;
	_ =	sdelay $0x1  }
0x60: {  	v3 =	vadd.s32 v1, v3;
	_ =	sdelay $0x2  }
0x61: {  	[tilespmem:s22], [sflag:$0x1] =	stream.indirect_vreg.gather [hbm4b:s1+s3], $0x80, v4, vm0, $0xb8;
	[tilespmem:$0x8080] =	vst v63  }
0x62: {  	_ = 	snop  }
0x63: {  	[tilespmem:s23], [sflag:$0x1] =	stream.indirect_vreg.gather [hbm4b:s1+s3], $0x80, v3, vm0, $0xb8;
	[tilespmem:$0x8080] =	vst v63  }
0x64: {  	_ =	swait.ge [sflag:s24], $0x8000  }
0x65: {  	p0 =	sne.s32 s6, $0x1;
	[sflag:s24] =	ssyncset.done $0x0  }
.Ltmp0:
0x66: {  	[sflag:s24] =	ssyncadd.s32 $0xFFFF8000;
	(pc) =	sbr.rel @p0 .LBB2_1-.Ltmp0, $4  }
0x67: {  	[hbm4b:s5+s3] =	stream.linear.scatter [tilespmem:s8], [sflag:$0x2], $0x8000, $0x38;
	[tilespmem:$0x8080] =	vst v63  }
0x68: {  	_ =	swait.ge [sflag:s7], $0x8000  }
0x69: {  	[sflag:s7] =	ssyncset.done $0x0  }
0x6a: {  	s6 =	sadd.s32 $0xFFFFFFFF, s6;
	[sflag:s7] =	ssyncadd.s32 $0xFFFF8000  }
0x6b: {  	_ =	sfence.sel $0x180000  }
0x6c: {  	[bflag:$0x0] =	sbarrier.arrive $0xFFFF  }
0x6d: {  	p0 =	sne.s32 s2, $0x0;
	_ =	strace $0x90000053  }
0x6e: {  	s0 =	sadd.s32 @!p0 $0x100000, s0;
	[bflag:$0x2] =	sbarrier.arrive $0xFFFF  }
0x6f: {  	[sflag:s0] =	ssyncadd.tile.s32 @!p0 $0x1;
	_ =	shalt  }
.Lfunc_end2:
_tile_overlayer_lowered:
.L_overlay_start_2:
0x70: {  	(tag) =	ssettag $0x2  }
0x71: {  	s0 =	rddreg [dreg:$0x0];
	s2 =	stileid.u32  }
0x72: {  	s1 =	rddreg [dreg:$0x1];
	p0 =	sne.s32 s2, $0x0  }
0x73: {  	s3 =	rddreg [dreg:$0x2];
	[bflag:$0x3] =	sbarrier.arrive $0xFFFF;
	s2 =	simm.s32 @!p0 $0x1C02  }
0x74: {  	[timem:s3], [sflag:s2] =	dma.local @!p0 [hbm:s0], s1  }
0x75: {  	s0 =	simm.s32 @!p0 $0x2  }
0x76: {  	_ =	swait.ge @!p0 [sflag:s0], s1  }
0x77: {  	s1 =	ssub.s32 @!p0 $0x0, s1;
	[sflag:s0] =	ssyncset.done @!p0 $0x0  }
0x78: {  	[sflag:s0] =	ssyncadd.s32 @!p0 s1  }
0x79: {  	[bflag:$0x3] =	sbarrier.arrive $0xFFFF  }
0x7a: {  	_ =	shalt  }

// kernel: kernel.24.cloned.1.call-start
scs
__scs_entry_jumppad:
0x0: {  	(pc) =	sbr.rel $0x88, $3  }
0x1: {  	(tag) =	ssettag $0x0;
	lr =	simm.s32 $0x1  }
0x2: {  	[smem:$0x3F9F] =	sst lr;
	_ =	strace $0xD0000000  }
0x3: {  	_ = 	snop  }
0x4: {  	_ = 	snop  }
0x5: {  	_ = 	snop  }
0x6: {  	_ = 	snop  }
0x7: {  	_ = 	snop  }
__scs_overlays_trampoline_lowered:
0x8: {  	[smem:$0x3FAE] =	sst s0  }
0x9: {  	[smem:$0x3FAF] =	sst s1  }
0xa: {  	[smem:$0x3FB0] =	sst s2  }
0xb: {  	[smem:$0x3FB1] =	sst s3  }
0xc: {  	[smem:$0x3FB2] =	sst s4  }
0xd: {  	[smem:$0x3FB3] =	sst s5  }
0xe: {  	[smem:$0x3FB4] =	sst s6  }
0xf: {  	[smem:$0x3FB5] =	sst s7  }
0x10: {  	[smem:$0x3FB6] =	sst s8  }
0x11: {  	[smem:$0x3FB7] =	sst s9;
	s0 =	simm.s32 @!p0 $0x0  }
0x12: {  	s1 =	sld [smem:$0x3F9D];
	s0 =	simm.s32 @p0 $0x1  }
0x13: {  	[smem:$0x3FB8] =	sst s0;
	s0 =	simm.s32 @!p1 $0x0  }
0x14: {  	s2 =	sld [smem:$0x3F9C];
	s0 =	simm.s32 @p1 $0x1  }
0x15: {  	[smem:$0x3FB9] =	sst s0;
	s0 =	simm.s32 @!p2 $0x0  }
0x16: {  	s3 =	sld [smem:$0x3FDB];
	s0 =	simm.s32 @p2 $0x1  }
0x17: {  	s4 =	simm.s32 $0x1BF5;
	[smem:$0x3FBB] =	sst s0  }
0x18: {  	s0 =	sld [smem:$0x3F9E];
	_ =	swait.ge [sflag:s4], $0x0  }
0x19: {  	s7 =	sld [smem:$0x3F9F]  }
0x1a: {  	s8 =	sadd.s32 $0xFFFFE003, lr  }
0x1b: {  	s9 =	sadd.s32 $0xFFFFFEF7, lr;
	s5 =	simm.s32 $0xFFFFFFFF;
	p2 =	slt.u32 s8, $0xFFFFF086  }
0x1c: {  	p1 =	slt.u32 s9, $0xF7A;
	s5 =	simm.s32 @!p2 $0x0  }
0x1d: {  	s5 =	simm.s32 @p1 $0x1;
	p0 =	seq.s32 s7, s2  }
0x1e: {  	s7 =	smul.u32 @!p0 $0xF7A, s2;
	p2 =	seq.s32 @!p0 s5, $0x0  }
0x1f: {  	s9 =	smul.u32 $0xF7A, s1;
	s8 =	simm.s32 @!p0 $0x1BF5;
	p2 =	por !p2, p0  }
0x20: {  	[sflag:s8] =	ssyncset.s32 @!p0 $0xFFFFF086;
	s6 =	sadd.s32 @!p0 s3, s7;
	s7 =	simm.s32 @!p0 $0x108  }
0x21: {  	s3 =	sadd.s32 s3, s9;
	s6 =	sadd.s32 @!p0 $0x88, s6;
	s7 =	simm.s32 @p2 $0x1082  }
0x22: {  	[simem:s7], [sflag:s8] =	dma.local @!p0 [hbm:s6], $0xF7A  }
0x23: {  	s9 =	sor.u32 $0xD0000000, s2;
	s6 =	simm.s32 $0x108;
	_ =	swait.ge @!p0 [sflag:s8], $0x0  }
0x24: {  	s3 =	sadd.s32 $0x88, s3;
	s6 =	simm.s32 @!p1 $0x1082;
	[sflag:s4] =	ssyncset.s32 $0xFFFFF086  }
0x25: {  	[simem:s6], [sflag:s4] =	dma.local [hbm:s3], $0xF7A  }
0x26: {  	[smem:$0x3F9F] =	sst s1;
	(tag) =	ssettag s2;
	_ =	strace s9  }
0x27: {  	s1 =	sld [smem:$0x3FAF]  }
0x28: {  	s2 =	sld [smem:$0x3FB0]  }
0x29: {  	s4 =	sld [smem:$0x3FB2]  }
0x2a: {  	p0 =	seq.s32 s5, $0x0;
	s5 =	sld [smem:$0x3FB3]  }
0x2b: {  	s6 =	sld [smem:$0x3FB4]  }
0x2c: {  	s7 =	sld [smem:$0x3FB5]  }
0x2d: {  	s3 =	simm.s32 $0x108;
	s8 =	sld [smem:$0x3FB6]  }
0x2e: {  	s3 =	simm.s32 @!p0 $0x1082;
	s9 =	sld [smem:$0x3FB7]  }
0x2f: {  	lr =	sadd.s32 s0, s3;
	s0 =	sld [smem:$0x3FAE]  }
0x30: {  	s3 =	sld [smem:$0x3FB1]  }
0x31: {  	[smem:$0x3FBA] =	sst s10  }
0x32: {  	s10 =	sld [smem:$0x3FB8];
	_ =	sdelay $0x3  }
0x33: {  	p0 =	seq.s32 s10, $0x1;
	s10 =	sld [smem:$0x3FBA];
	_ =	sdelay $0x3  }
0x34: {  	[smem:$0x3FBA] =	sst s10  }
0x35: {  	s10 =	sld [smem:$0x3FB9];
	_ =	sdelay $0x3  }
0x36: {  	p1 =	seq.s32 s10, $0x1;
	s10 =	sld [smem:$0x3FBA];
	_ =	sdelay $0x3  }
0x37: {  	[smem:$0x3FBA] =	sst s10  }
0x38: {  	s10 =	sld [smem:$0x3FBB]  }
0x39: {  	_ = 	snop;
	(pc) =	sbr.ind lr, $3  }
0x3a: {  	_ = 	snop  }
0x3b: {  	_ = 	snop  }
0x3c: {  	p2 =	seq.s32 s10, $0x1;
	s10 =	sld [smem:$0x3FBA]  }
0x3d: {  	_ =	shalt  }
0x3e: {  	_ =	shalt  }
0x3f: {  	_ =	shalt  }
0x40: {  	_ =	shalt  }
0x41: {  	_ =	shalt  }
0x42: {  	_ =	shalt  }
0x43: {  	_ =	shalt  }
0x44: {  	_ =	shalt  }
0x45: {  	_ =	shalt  }
0x46: {  	_ =	shalt  }
0x47: {  	_ =	shalt  }
0x48: {  	_ =	shalt  }
0x49: {  	_ =	shalt  }
0x4a: {  	_ =	shalt  }
0x4b: {  	_ =	shalt  }
0x4c: {  	_ =	shalt  }
0x4d: {  	_ =	shalt  }
0x4e: {  	_ =	shalt  }
0x4f: {  	_ =	shalt  }
0x50: {  	_ =	shalt  }
0x51: {  	_ =	shalt  }
0x52: {  	_ =	shalt  }
0x53: {  	_ =	shalt  }
0x54: {  	_ =	shalt  }
0x55: {  	_ =	shalt  }
0x56: {  	_ =	shalt  }
0x57: {  	_ =	shalt  }
0x58: {  	_ =	shalt  }
0x59: {  	_ =	shalt  }
0x5a: {  	_ =	shalt  }
0x5b: {  	_ =	shalt  }
0x5c: {  	_ =	shalt  }
0x5d: {  	_ =	shalt  }
0x5e: {  	_ =	shalt  }
0x5f: {  	_ =	shalt  }
0x60: {  	_ =	shalt  }
0x61: {  	_ =	shalt  }
0x62: {  	_ =	shalt  }
0x63: {  	_ =	shalt  }
0x64: {  	_ =	shalt  }
0x65: {  	_ =	shalt  }
0x66: {  	_ =	shalt  }
0x67: {  	_ =	shalt  }
0x68: {  	_ =	shalt  }
0x69: {  	_ =	shalt  }
0x6a: {  	_ =	shalt  }
0x6b: {  	_ =	shalt  }
0x6c: {  	_ =	shalt  }
0x6d: {  	_ =	shalt  }
0x6e: {  	_ =	shalt  }
0x6f: {  	_ =	shalt  }
0x70: {  	_ =	shalt  }
0x71: {  	_ =	shalt  }
0x72: {  	_ =	shalt  }
0x73: {  	_ =	shalt  }
0x74: {  	_ =	shalt  }
0x75: {  	_ =	shalt  }
0x76: {  	_ =	shalt  }
0x77: {  	_ =	shalt  }
0x78: {  	_ =	shalt  }
0x79: {  	_ =	shalt  }
0x7a: {  	_ =	shalt  }
0x7b: {  	_ =	shalt  }
0x7c: {  	_ =	shalt  }
0x7d: {  	_ =	shalt  }
0x7e: {  	_ =	shalt  }
0x7f: {  	_ =	shalt  }
0x80: {  	_ =	shalt  }
0x81: {  	_ =	shalt  }
0x82: {  	_ =	shalt  }
0x83: {  	_ =	shalt  }
0x84: {  	_ =	shalt  }
0x85: {  	_ =	shalt  }
0x86: {  	_ =	shalt  }
0x87: {  	_ =	shalt  }
.Lfunc_end0:
.L_simem_size_0:
called_computation.4_lowered:
.L_overlay_start_0:
0x88: {  	s2 =	sld [smem:$0x3FD9]  }
0x89: {  	s3 =	sld [smem:$0x3FFE];
	_ =	sdelay $0x1  }
0x8a: {  	s1 =	srdreg.scid  }
0x8b: {  	s0 =	sand.u32 $0x1, s1  }
0x8c: {  	s14 =	sshll.u32 s0, $0xA;
	s2 =	sadd.s32 s3, s2  }
0x8d: {  	s2 =	sadd.s32 s2, s14  }
0x8e: {  	[smem:$0x3FC6] =	sst s2  }
0x8f: {  	_ = 	snop  }
0x90: {  	s2 =	sld [smem:$0x3FD0];
	_ =	sdelay $0x2  }
0x91: {  	s15 =	simm.s32 $0xB;
	s4 =	simm.s32 $0x10  }
0x92: {  	[smem:s4], [sflag:s15] =	dma.local [hbm:s2], $0x1  }
0x93: {  	_ =	swait.eq [sflag:s15], $0x1  }
0x94: {  	[sflag:s15] =	ssyncset.done $0x0  }
0x95: {  	[sflag:s15] =	ssyncadd.s32 $0xFFFFFFFF  }
0x96: {  	s16 =	sld [smem:$0x14];
	(tm) =	ssettm $0x1  }
0x97: {  	s17 =	sld [smem:$0x3FFB];
	_ =	sdelay $0x3  }
0x98: {  	_ =	strace s17  }
0x99: {  	s3 =	sld [smem:$0x3FFC];
	_ =	sdelay $0x3  }
0x9a: {  	_ =	strace s3  }
0x9b: {  	s3 =	sld [smem:$0x3FFD];
	_ =	sdelay $0x3  }
0x9c: {  	_ =	strace s3  }
0x9d: {  	_ =	strace $0x8FFFFFFF  }
0x9e: {  	s18 =	sld [smem:$0x3FDB];
	_ =	sdelay $0x1  }
0x9f: {  	s19 =	simm.s32 $_scs_section_size  }
0xa0: {  	s5 =	simm.s32 $_size__tile_overlayer_lowered;
	s6 =	simm.s32 $_tile_overlayer_lowered  }
0xa1: {  	s22 =	simm.s32 $0x1BFF;
	s21 =	sshll.u32 s6, $0x1;
	s3 =	sadd.s32 s19, s18  }
0xa2: {  	s7 =	simm.s32 $0x0;
	s20 =	sshll.u32 s5, $0x1;
	s5 =	sadd.s32 s21, s3  }
0xa3: {  	[timem:s7], [sflag:s22] =	dma.local [hbm:s5], s20  }
0xa4: {  	_ =	swait.ge [sflag:s22], s20  }
0xa5: {  	s4 =	ssub.s32 $0x0, s20;
	[sflag:s22] =	ssyncset.done $0x0  }
0xa6: {  	[sflag:s22] =	ssyncadd.s32 s4;
	_ =	sdelay $0x1  }
0xa7: {  	s23 =	simm.s32 $0x1B8B  }
0xa8: {  	_ =	swait.ge [sflag:s23], $0x1  }
0xa9: {  	[sflag:s23] =	ssyncset.done $0x0  }
0xaa: {  	s25 =	simm.s32 $0x1B8E;
	s24 =	sld [smem:$0x3FFE];
	[sflag:s23] =	ssyncadd.s32 $0xFFFFFFFF  }
0xab: {  	s26 =	simm.s32 $execute0_lowered;
	[smem:$0x3FD2] =	sst s25  }
0xac: {  	s5 =	sshll.u32 s26, $0x1;
	_ =	strace $0x8000004F;
	[dreg:$0x1] =	wrdreg $0xFFFFFFFF  }
0xad: {  	s28 =	simm.s32 $_size_execute0_lowered;
	s3 =	sadd.s32 s3, s5;
	[dreg:$0x0] =	wrdreg $0x0  }
0xae: {  	s5 =	sshll.u32 s28, $0x1;
	[dreg:$0x2] =	wrdreg s3  }
0xaf: {  	[dreg:$0x3] =	wrdreg s5  }
0xb0: {  	[dreg:$0x4] =	wrdreg $0xC0  }
0xb1: {  	_ =	task [dreg:s7], $0x5FFFF  }
0xb2: {  	[dreg:$0x1] =	wrdreg $0xFFFFFFFF  }
0xb3: {  	[dreg:$0x0] =	wrdreg $0x60  }
0xb4: {  	[dreg:$0x2] =	wrdreg s16  }
0xb5: {  	[dreg:$0x3] =	wrdreg s24  }
0xb6: {  	[dreg:$0x4] =	wrdreg $0xA  }
0xb7: {  	_ =	task.clear_ibuf [dreg:s7], $0x5FFFF;
	_ =	strace $0x9000004F  }
0xb8: {  	s29 =	simm.s32 $0xA;
	_ =	strace $0x80000051  }
0xb9: {  	_ =	swait.ge [sflag:s29], $0x1  }
0xba: {  	[sflag:s29] =	ssyncadd.s32 $0xFFFFFFFF  }
0xbb: {  	_ =	strace $0x90000051  }
0xbc: {  	_ =	sfence  }
0xbd: {  	s30 =	sld [smem:$0x0];
	_ =	sdelay $0x2  }
0xbe: {  	s31 =	sshll.u32 s1, $0xD;
	s1 =	sshrl.u32 s1, $0x2  }
0xbf: {  	s3 =	sand.u32 $0x4000, s31;
	s1 =	sadd.s32 s1, s30  }
0xc0: {  	s0 =	sor.u32 s3, s0;
	s1 =	sshll.u32 s1, $0x11  }
0xc1: {  	s0 =	sor.u32 s1, s0  }
0xc2: {  	s0 =	sadd.s32 $0x8F2B, s0  }
0xc3: {  	[sflag:s0] =	ssyncadd.remote.s32 $0x1  }
0xc4: {  	_ =	sfence.sel $0xFFFF  }
0xc5: {  	[dreg:$0x0] =	wrdreg $0xFFFFFFFF;
	(pc) =	sbr.abs _section_cstart, $3  }
0xc6: {  	[dreg:$0x1] =	wrdreg $0xFFFFFFFF  }
0xc7: {  	_ =	task.clear_ibuf [dreg:s7], $0x2FFFF;
	_ =	strace $0x9FFFFFFF  }
0xc8: {  	(tm) =	ssettm $0x7FFFFFFF  }
0xc9: {  	_ =	shalt  }
tec
execute0_lowered:
.L_overlay_start_1:
0x0: {  	(tag) =	ssettag $0x1  }
0x1: {  	s2 =	rddreg [dreg:$0x0];
	s0 =	srdreg.scid  }
0x2: {  	s4 =	rddreg [dreg:$0x1];
	s1 =	stileid.u32;
	s3 =	simm.s32 $0x0  }
0x3: {  	s9 =	simm.s32 $0x0;
	s5 =	sand.u32 $0x1, s0;
	s0 =	rddreg [dreg:$0x2]  }
0x4: {  	s6 =	sshll.u32 s1, $0x9;
	s7 =	sshll.u32 s5, $0x8;
	s5 =	ssub.s32 $0x2, s5  }
0x5: {  	[smem:$0x7FF] =	sst s3;
	s6 =	sor.u32 s7, s6;
	s8 =	sshrl.u32 s5, $0x1  }
0x6: {  	_ =	strace $0x80000050;
	s7 =	sshrl.u32 s6, $0x3;
	s5 =	ssub.s32 s5, s8  }
0x7: {  	v2 =	vlaneseq.u32;
	v0 =	vmov s6;
	s6 =	simm.s32 $0x1;
	s8 =	simm.s32 $0x5000;
	s4 =	sadd.s32 s7, s4  }
0x8: {  	v1 =	vimm.f32 $0.0e+00;
	v3 =	vimm.f32 $1.000000000e+00;
	v2 =	vmul.u32 $0x100, v2;
	s5 =	smax.u32 s5, $0x1;
	s7 =	simm.s32 $0x4000;
	s4 =	sadd.s32 $0x2000, s4  }
.LBB2_1:
0x9: {  	s10 =	simm.s32 $0x40;
	s11 =	simm.s32 $0x0  }
.LBB2_2:
0xa: {  	p0 =	sne.s32 s10, $0x3FC0;
	[tilespmem:s11+$0x4000] =	vst v1;
	s11 =	smov.u32 s10;
	s10 =	sadd.s32 $0x40, s10  }
.Ltmp0:
0xb: {  	(pc) =	sbr.rel @p0 .LBB2_2-.Ltmp0, $2  }
0xc: {  	_ =	sdelay $0x2  }
0xd: {  	s11 =	sshra.s32 s11, $0x2  }
0xe: {  	[tilespmem:s11+$0x4000] =	vst v1;
	s10 =	simm.s32 $0x0  }
0xf: {  	[tilespmem:s10], [sflag:$0x1] =	stream.linear.gather [hbm4b:s2+s10], $0x4000, $0x38;
	[tilespmem:$0x5100] =	vst v63  }
0x10: {  	_ =	swait.ge [sflag:s6], $0x4000  }
0x11: {  	[sflag:s6] =	ssyncset.done $0x0  }
0x12: {  	s11 =	simm.s32 $0x0;
	s10 =	simm.s32 $0x40;
	[sflag:s6] =	ssyncadd.s32 $0xFFFFC000  }
.LBB2_4:
0x13: {  	p0 =	sne.s32 s10, $0xFFC0;
	v4 =	vld [tilespmem:s11+$0x0];
	_ =	sdelay $0x4  }
0x14: {  	v4 =	vsub.s32 v4, v0  }
0x15: {  	vm0 =	vlt.u32 v4, $0x100;
	v4 =	vadd.s32 v2, v4  }
0x16: {  	v4 =	vsel vm0, v4, v2  }
.Ltmp1:
0x17: {  	(pc) =	sbr.rel @p0 .LBB2_4-.Ltmp1, $2  }
0x18: {  	_ =	sdelay $0x2  }
0x19: {  	s11 =	sshra.s32 s10, $0x2;
	s10 =	sadd.s32 $0x40, s10;
	[tilespmem:v4+s7+$0x0] =	vst.idx.add.f32.msk vm0, v3  }
0x1a: {  	v4 =	vld [tilespmem:s11+$0x0];
	_ =	sdelay $0x4  }
0x1b: {  	v4 =	vsub.s32 v4, v0  }
0x1c: {  	vm0 =	vlt.u32 v4, $0x100;
	v4 =	vadd.s32 v2, v4  }
0x1d: {  	v4 =	vsel vm0, v4, v2;
	_ =	sdelay $0x4  }
0x1e: {  	[tilespmem:v4+s7+$0x0] =	vst.idx.add.f32.msk vm0, v3  }
0x1f: {  	v33 =	vld [tilespmem:$0x4000]  }
0x20: {  	v32 =	vld [tilespmem:$0x4100]  }
0x21: {  	v36 =	vld [tilespmem:$0x4200]  }
0x22: {  	v41 =	vld [tilespmem:$0x4300]  }
0x23: {  	v50 =	vld [tilespmem:$0x4400]  }
0x24: {  	v56 =	vld [tilespmem:$0x4500]  }
0x25: {  	v4 =	vld [tilespmem:$0x4600]  }
0x26: {  	v18 =	vld [tilespmem:$0x4010]  }
0x27: {  	v15 =	vld [tilespmem:$0x4110]  }
0x28: {  	v20 =	vld [tilespmem:$0x4210]  }
0x29: {  	v24 =	vld [tilespmem:$0x4310]  }
0x2a: {  	v28 =	vld [tilespmem:$0x4410]  }
0x2b: {  	v44 =	vld [tilespmem:$0x4510]  }
0x2c: {  	v48 =	vld [tilespmem:$0x4610]  }
0x2d: {  	v59 =	vld [tilespmem:$0x4710]  }
0x2e: {  	v58 =	vld [tilespmem:$0x4810]  }
0x2f: {  	v9 =	vld [tilespmem:$0x4020]  }
0x30: {  	v8 =	vld [tilespmem:$0x4120]  }
0x31: {  	v11 =	vld [tilespmem:$0x4220]  }
0x32: {  	v13 =	vld [tilespmem:$0x4320]  }
0x33: {  	v19 =	vld [tilespmem:$0x4420]  }
0x34: {  	v23 =	vld [tilespmem:$0x4520]  }
0x35: {  	v27 =	vld [tilespmem:$0x4620]  }
0x36: {  	v35 =	vld [tilespmem:$0x4720]  }
0x37: {  	v40 =	vld [tilespmem:$0x4820]  }
0x38: {  	v47 =	vld [tilespmem:$0x4920]  }
0x39: {  	v55 =	vld [tilespmem:$0x4A20]  }
0x3a: {  	v5 =	vld [tilespmem:$0x4030]  }
0x3b: {  	v6 =	vld [tilespmem:$0x4230]  }
0x3c: {  	v7 =	vld [tilespmem:$0x4330]  }
0x3d: {  	v10 =	vld [tilespmem:$0x4430]  }
0x3e: {  	v12 =	vld [tilespmem:$0x4530]  }
0x3f: {  	v14 =	vld [tilespmem:$0x4630]  }
0x40: {  	v21 =	vld [tilespmem:$0x4730]  }
0x41: {  	v25 =	vld [tilespmem:$0x4830]  }
0x42: {  	v63 =	vld [tilespmem:$0x4040]  }
0x43: {  	v30 =	vld [tilespmem:$0x4930]  }
0x44: {  	v38 =	vld [tilespmem:$0x4A30]  }
0x45: {  	v43 =	vld [tilespmem:$0x4B30]  }
0x46: {  	[tilespmem:$0x1FA40] =	vst v4;
	v4 =	vld [tilespmem:$0x4700]  }
0x47: {  	[tilespmem:$0x1FBB0] =	vst v63;
	v63 =	vld [tilespmem:$0x4550]  }
0x48: {  	v52 =	vld [tilespmem:$0x4C30]  }
0x49: {  	v60 =	vld [tilespmem:$0x4D30]  }
0x4a: {  	v16 =	vld [tilespmem:$0x4E30]  }
0x4b: {  	[tilespmem:$0x1FA50] =	vst v4;
	v4 =	vld [tilespmem:$0x4800]  }
0x4c: {  	[tilespmem:$0x1FC30] =	vst v63;
	v63 =	vld [tilespmem:$0x4860]  }
0x4d: {  	v62 =	vld [tilespmem:$0x4F30]  }
0x4e: {  	v22 =	vld [tilespmem:$0x4140]  }
0x4f: {  	v26 =	vld [tilespmem:$0x4240]  }
0x50: {  	[tilespmem:$0x1FA60] =	vst v4;
	v4 =	vld [tilespmem:$0x4900]  }
0x51: {  	[tilespmem:$0x1FCD0] =	vst v63;
	v63 =	vld [tilespmem:$0x4970]  }
0x52: {  	v29 =	vld [tilespmem:$0x4340]  }
0x53: {  	v31 =	vld [tilespmem:$0x4440]  }
0x54: {  	v34 =	vld [tilespmem:$0x4540]  }
0x55: {  	[tilespmem:$0x1FA70] =	vst v4;
	v4 =	vld [tilespmem:$0x4A00]  }
0x56: {  	[tilespmem:$0x1FD20] =	vst v63;
	v63 =	vld [tilespmem:$0x4A70]  }
0x57: {  	v37 =	vld [tilespmem:$0x4640]  }
0x58: {  	v39 =	vld [tilespmem:$0x4740]  }
0x59: {  	v42 =	vld [tilespmem:$0x4840]  }
0x5a: {  	[tilespmem:$0x1FA90] =	vst v4;
	v4 =	vld [tilespmem:$0x4B00]  }
0x5b: {  	[tilespmem:$0x1FD60] =	vst v63;
	v63 =	vld [tilespmem:$0x4B70]  }
0x5c: {  	v45 =	vld [tilespmem:$0x4940]  }
0x5d: {  	v46 =	vld [tilespmem:$0x4A40]  }
0x5e: {  	v49 =	vld [tilespmem:$0x4B40]  }
0x5f: {  	[tilespmem:$0x1FAB0] =	vst v4;
	v4 =	vld [tilespmem:$0x4C00]  }
0x60: {  	[tilespmem:$0x1FDA0] =	vst v63;
	v63 =	vld [tilespmem:$0x4C70]  }
0x61: {  	v51 =	vld [tilespmem:$0x4C40]  }
0x62: {  	v53 =	vld [tilespmem:$0x4D40]  }
0x63: {  	v54 =	vld [tilespmem:$0x4E40]  }
0x64: {  	[tilespmem:$0x1FAD0] =	vst v4;
	v4 =	vld [tilespmem:$0x4D00]  }
0x65: {  	[tilespmem:$0x1FDE0] =	vst v63;
	v63 =	vld [tilespmem:$0x4D70]  }
0x66: {  	v57 =	vld [tilespmem:$0x4F40]  }
0x67: {  	v61 =	vld [tilespmem:$0x4450]  }
0x68: {  	v17 =	vld [tilespmem:$0x4070]  }
0x69: {  	[tilespmem:$0x1FB00] =	vst v4;
	v4 =	vld [tilespmem:$0x4E00]  }
0x6a: {  	[tilespmem:$0x1FE20] =	vst v63;
	v63 =	vld [tilespmem:$0x4E70]  }
0x6b: {  	[tilespmem:$0x1FD30] =	vst v49;
	v49 =	vld [tilespmem:$0x4050]  }
0x6c: {  	[tilespmem:$0x1FCF0] =	vst v46;
	v46 =	vld [tilespmem:$0x4150]  }
0x6d: {  	[tilespmem:$0x1FDB0] =	vst v53;
	v53 =	vld [tilespmem:$0x4250]  }
0x6e: {  	[tilespmem:$0x1FB30] =	vst v4;
	v4 =	vld [tilespmem:$0x4F00]  }
0x6f: {  	[tilespmem:$0x1FE60] =	vst v63;
	v63 =	vld [tilespmem:$0x4F70]  }
0x70: {  	[tilespmem:$0x1FBD0] =	vst v62;
	v62 =	vld [tilespmem:$0x4350]  }
0x71: {  	[tilespmem:$0x1FBC0] =	vst v22;
	v22 =	vld [tilespmem:$0x4650]  }
0x72: {  	[tilespmem:$0x1FBE0] =	vst v26;
	v26 =	vld [tilespmem:$0x4750]  }
0x73: {  	[tilespmem:$0x1FB60] =	vst v4;
	v4 =	vld [tilespmem:$0x4910]  }
0x74: {  	[tilespmem:$0x1FEA0] =	vst v63;
	v63 =	vld [tilespmem:$0x4080]  }
0x75: {  	[tilespmem:$0x1FBF0] =	vst v29;
	v29 =	vld [tilespmem:$0x4850]  }
0x76: {  	[tilespmem:$0x1FC00] =	vst v31;
	v31 =	vld [tilespmem:$0x4950]  }
0x77: {  	[tilespmem:$0x1FC20] =	vst v34;
	v34 =	vld [tilespmem:$0x4A50]  }
0x78: {  	[tilespmem:$0x1FA80] =	vst v4;
	v4 =	vld [tilespmem:$0x4A10]  }
0x79: {  	[tilespmem:$0x1FE80] =	vst v63;
	v63 =	vld [tilespmem:$0x4180]  }
0x7a: {  	[tilespmem:$0x1FC40] =	vst v37;
	v37 =	vld [tilespmem:$0x4B50]  }
0x7b: {  	[tilespmem:$0x1FC60] =	vst v39;
	v39 =	vld [tilespmem:$0x4C50]  }
0x7c: {  	[tilespmem:$0x1FC90] =	vst v42;
	v42 =	vld [tilespmem:$0x4D50]  }
0x7d: {  	[tilespmem:$0x1FAA0] =	vst v4;
	v4 =	vld [tilespmem:$0x4B10]  }
0x7e: {  	[tilespmem:$0x1FE90] =	vst v63;
	v63 =	vld [tilespmem:$0x4280]  }
0x7f: {  	[tilespmem:$0x1FCC0] =	vst v45;
	v45 =	vld [tilespmem:$0x4E50]  }
0x80: {  	[tilespmem:$0x1FD70] =	vst v51;
	v51 =	vld [tilespmem:$0x4F50]  }
0x81: {  	[tilespmem:$0x1FE30] =	vst v57;
	v57 =	vld [tilespmem:$0x4560]  }
0x82: {  	[tilespmem:$0x1FAC0] =	vst v4;
	v4 =	vld [tilespmem:$0x4C10]  }
0x83: {  	[tilespmem:$0x1FEB0] =	vst v63;
	v63 =	vld [tilespmem:$0x4380]  }
0x84: {  	[tilespmem:$0x1FDF0] =	vst v54;
	v54 =	vld [tilespmem:$0x4660]  }
0x85: {  	[tilespmem:$0x1FC10] =	vst v61;
	v61 =	vld [tilespmem:$0x4760]  }
0x86: {  	[tilespmem:$0x1FB90] =	vst v16;
	v16 =	vld [tilespmem:$0x4170]  }
0x87: {  	[tilespmem:$0x1FAF0] =	vst v4;
	v4 =	vld [tilespmem:$0x4D10]  }
0x88: {  	[tilespmem:$0x1FEC0] =	vst v63;
	v63 =	vld [tilespmem:$0x4480]  }
0x89: {  	v32 =	vadd.f32 v32, v33;
	v8 =	vadd.f32 v8, v9;
	v33 =	vld [tilespmem:$0x4D80]  }
0x8a: {  	v9 =	vld [tilespmem:$0x4190]  }
0x8b: {  	v8 =	vadd.f32 v11, v8;
	v11 =	vld [tilespmem:$0x4090]  }
0x8c: {  	[tilespmem:$0x1FB20] =	vst v4;
	v4 =	vld [tilespmem:$0x4E10]  }
0x8d: {  	[tilespmem:$0x1FED0] =	vst v63;
	v63 =	vld [tilespmem:$0x4580]  }
0x8e: {  	[tilespmem:$0x1FCE0] =	vst v31;
	v31 =	vld [tilespmem:$0x4060]  }
0x8f: {  	[tilespmem:$0x1FCB0] =	vst v29;
	v29 =	vld [tilespmem:$0x4160]  }
0x90: {  	[tilespmem:$0x1FD50] =	vst v37;
	v37 =	vld [tilespmem:$0x4260]  }
0x91: {  	[tilespmem:$0x1FB50] =	vst v4;
	v4 =	vld [tilespmem:$0x4F10]  }
0x92: {  	[tilespmem:$0x1FEE0] =	vst v63;
	v63 =	vld [tilespmem:$0x4680]  }
0x93: {  	[tilespmem:$0x1FDD0] =	vst v42;
	v42 =	vld [tilespmem:$0x4360]  }
0x94: {  	[tilespmem:$0x1FE50] =	vst v51;
	v51 =	vld [tilespmem:$0x4460]  }
0x95: {  	[tilespmem:$0x1FC50] =	vst v22;
	v22 =	vld [tilespmem:$0x4960]  }
0x96: {  	[tilespmem:$0x1FB80] =	vst v4;
	v4 =	vld [tilespmem:$0x4B20]  }
0x97: {  	[tilespmem:$0x1FEF0] =	vst v63;
	v63 =	vld [tilespmem:$0x4780]  }
0x98: {  	[tilespmem:$0x1FC80] =	vst v26;
	v26 =	vld [tilespmem:$0x4A60]  }
0x99: {  	[tilespmem:$0x1FD10] =	vst v34;
	v34 =	vld [tilespmem:$0x4B60]  }
0x9a: {  	[tilespmem:$0x1FD90] =	vst v39;
	v39 =	vld [tilespmem:$0x4C60]  }
0x9b: {  	[tilespmem:$0x1FAE0] =	vst v4;
	v4 =	vld [tilespmem:$0x4C20]  }
0x9c: {  	[tilespmem:$0x1FF00] =	vst v63;
	v63 =	vld [tilespmem:$0x4880]  }
0x9d: {  	[tilespmem:$0x1FE10] =	vst v45;
	v45 =	vld [tilespmem:$0x4D60]  }
0x9e: {  	[tilespmem:$0x1FC70] =	vst v54;
	v54 =	vld [tilespmem:$0x4E60]  }
0x9f: {  	[tilespmem:$0x1FCA0] =	vst v61;
	v61 =	vld [tilespmem:$0x4F60]  }
0xa0: {  	[tilespmem:$0x1FB10] =	vst v4;
	v4 =	vld [tilespmem:$0x4D20]  }
0xa1: {  	[tilespmem:$0x1FF10] =	vst v63;
	v63 =	vld [tilespmem:$0x4980]  }
0xa2: {  	[tilespmem:$0x1FF90] =	vst v33;
	v33 =	vld [tilespmem:$0x4790]  }
0xa3: {  	v9 =	vadd.f32 v9, v11;
	v11 =	vld [tilespmem:$0x4AC0]  }
0xa4: {  	[tilespmem:$0x1FD00] =	vst v22;
	v22 =	vld [tilespmem:$0x4270]  }
0xa5: {  	[tilespmem:$0x1FB40] =	vst v4;
	v4 =	vld [tilespmem:$0x4E20]  }
0xa6: {  	[tilespmem:$0x1FF20] =	vst v63;
	v63 =	vld [tilespmem:$0x4A80]  }
0xa7: {  	[tilespmem:$0x1FD40] =	vst v26;
	v26 =	vld [tilespmem:$0x4370]  }
0xa8: {  	[tilespmem:$0x1FD80] =	vst v34;
	v34 =	vld [tilespmem:$0x4470]  }
0xa9: {  	[tilespmem:$0x1FDC0] =	vst v39;
	v39 =	vld [tilespmem:$0x4570]  }
0xaa: {  	[tilespmem:$0x1FB70] =	vst v4;
	v4 =	vld [tilespmem:$0x4F20]  }
0xab: {  	[tilespmem:$0x1FF40] =	vst v63;
	v63 =	vld [tilespmem:$0x4B80]  }
0xac: {  	v15 =	vadd.f32 v15, v18;
	[tilespmem:$0x1FE00] =	vst v45;
	v45 =	vld [tilespmem:$0x4670]  }
0xad: {  	[tilespmem:$0x1FE40] =	vst v54;
	v54 =	vld [tilespmem:$0x4770]  }
0xae: {  	v32 =	vadd.f32 v36, v32;
	v36 =	vadd.f32 v20, v15;
	[tilespmem:$0x1FE70] =	vst v61;
	v61 =	vld [tilespmem:$0x4870]  }
0xaf: {  	[tilespmem:$0x1FBA0] =	vst v4;
	v4 =	vld [tilespmem:$0x4130]  }
0xb0: {  	v15 =	vadd.f32 v24, v36;
	[tilespmem:$0x1FF50] =	vst v63;
	v63 =	vld [tilespmem:$0x4C80]  }
0xb1: {  	v24 =	vld [tilespmem:$0x1FA60]  }
0xb2: {  	v18 =	vadd.f32 v28, v15;
	v28 =	vld [tilespmem:$0x1FA70]  }
0xb3: {  	v36 =	vld [tilespmem:$0x1FA80]  }
0xb4: {  	v4 =	vadd.f32 v4, v5;
	v5 =	vld [tilespmem:$0x4E80]  }
0xb5: {  	[tilespmem:$0x1FF70] =	vst v63;
	v63 =	vadd.f32 v13, v8;
	v8 =	vld [tilespmem:$0x4290]  }
0xb6: {  	v13 =	vadd.f32 v44, v18;
	v44 =	vld [tilespmem:$0x4490]  }
0xb7: {  	v18 =	vld [tilespmem:$0x1FAC0]  }
0xb8: {  	v4 =	vadd.f32 v6, v4;
	v6 =	vadd.f32 v19, v63;
	v19 =	vld [tilespmem:$0x1FA40]  }
0xb9: {  	v20 =	vadd.f32 v48, v13;
	v48 =	vld [tilespmem:$0x4690]  }
0xba: {  	v63 =	vld [tilespmem:$0x4F90]  }
0xbb: {  	v13 =	vld [tilespmem:$0x41A0]  }
0xbc: {  	v4 =	vadd.f32 v7, v4;
	v7 =	vld [tilespmem:$0x4390]  }
0xbd: {  	v6 =	vadd.f32 v23, v6;
	v23 =	vld [tilespmem:$0x1FA50]  }
0xbe: {  	[tilespmem:$0x1FFB0] =	vst v5;
	v5 =	vadd.f32 v41, v32;
	v41 =	vld [tilespmem:$0x4F80]  }
0xbf: {  	v32 =	vld [tilespmem:$0x4590]  }
0xc0: {  	v4 =	vadd.f32 v10, v4;
	v10 =	vadd.f32 v59, v20;
	v59 =	vld [tilespmem:$0x4890]  }
0xc1: {  	v6 =	vadd.f32 v27, v6;
	v27 =	vld [tilespmem:$0x4990]  }
0xc2: {  	v20 =	vld [tilespmem:$0x1FAE0]  }
0xc3: {  	v5 =	vadd.f32 v50, v5;
	v50 =	vld [tilespmem:$0x1FAA0]  }
0xc4: {  	[tilespmem:$0x1FFE0] =	vst v63;
	v63 =	vadd.f32 v16, v17;
	v17 =	vld [tilespmem:$0x4CA0]  }
0xc5: {  	v16 =	vld [tilespmem:$0x4EA0]  }
0xc6: {  	v6 =	vadd.f32 v35, v6;
	v35 =	vld [tilespmem:$0x4B90]  }
0xc7: {  	v10 =	vadd.f32 v58, v10;
	v58 =	vld [tilespmem:$0x1FAB0]  }
0xc8: {  	v8 =	vadd.f32 v8, v9;
	v4 =	vadd.f32 v12, v4;
	v12 =	vld [tilespmem:$0x40A0]  }
0xc9: {  	v5 =	vadd.f32 v56, v5;
	v56 =	vld [tilespmem:$0x4E90]  }
0xca: {  	v7 =	vadd.f32 v7, v8;
	v8 =	vld [tilespmem:$0x4FC0]  }
0xcb: {  	v6 =	vadd.f32 v40, v6;
	v40 =	vld [tilespmem:$0x4C90]  }
0xcc: {  	[tilespmem:$0x1FFD0] =	vst v41;
	v41 =	vld [tilespmem:$0x1FA90]  }
0xcd: {  	v10 =	vadd.f32 v36, v10;
	v36 =	vld [tilespmem:$0x42A0]  }
0xce: {  	v4 =	vadd.f32 v14, v4;
	v14 =	vld [tilespmem:$0x4FA0]  }
0xcf: {  	v5 =	vadd.f32 v19, v5;
	v19 =	vld [tilespmem:$0x1FAD0]  }
0xd0: {  	[tilespmem:$0x1FF30] =	vst v27;
	v27 =	vld [tilespmem:$0x1FB20]  }
0xd1: {  	v44 =	vadd.f32 v44, v7;
	v7 =	vld [tilespmem:$0x4EC0]  }
0xd2: {  	v6 =	vadd.f32 v47, v6;
	v47 =	vld [tilespmem:$0x4D90]  }
0xd3: {  	v4 =	vadd.f32 v21, v4;
	v21 =	vld [tilespmem:$0x1FAF0]  }
0xd4: {  	v10 =	vadd.f32 v50, v10;
	v50 =	vld [tilespmem:$0x1FB90]  }
0xd5: {  	v5 =	vadd.f32 v23, v5;
	v23 =	vld [tilespmem:$0x1FB00]  }
0xd6: {  	[tilespmem:$0x1FF60] =	vst v35;
	v35 =	vld [tilespmem:$0x1FB50]  }
0xd7: {  	v12 =	vadd.f32 v13, v12;
	v13 =	vld [tilespmem:$0x4BC0]  }
0xd8: {  	v4 =	vadd.f32 v25, v4;
	v25 =	vld [tilespmem:$0x1FB10]  }
0xd9: {  	v6 =	vadd.f32 v55, v6;
	v55 =	vld [tilespmem:$0x1FBC0]  }
0xda: {  	[tilespmem:$0x1FFC0] =	vst v56;
	v56 =	vld [tilespmem:$0x1FBD0]  }
0xdb: {  	v10 =	vadd.f32 v18, v10;
	v18 =	vld [tilespmem:$0x4BA0]  }
0xdc: {  	v5 =	vadd.f32 v24, v5;
	v24 =	vld [tilespmem:$0x4A90]  }
0xdd: {  	[tilespmem:$0x1FF80] =	vst v40;
	v40 =	vld [tilespmem:$0x44A0]  }
0xde: {  	v4 =	vadd.f32 v30, v4;
	v30 =	vld [tilespmem:$0x1FB40]  }
0xdf: {  	v6 =	vadd.f32 v20, v6;
	v20 =	vld [tilespmem:$0x1FD10]  }
0xe0: {  	v5 =	vadd.f32 v28, v5;
	v28 =	vld [tilespmem:$0x1FB30]  }
0xe1: {  	[tilespmem:$0x1FFA0] =	vst v47;
	v10 =	vadd.f32 v21, v10;
	v47 =	vld [tilespmem:$0x1FB80]  }
0xe2: {  	v4 =	vadd.f32 v38, v4;
	v38 =	vld [tilespmem:$0x43A0]  }
0xe3: {  	v10 =	vadd.f32 v27, v10;
	v27 =	vld [tilespmem:$0x45A0]  }
0xe4: {  	v5 =	vadd.f32 v41, v5;
	v41 =	vld [tilespmem:$0x1FB60]  }
0xe5: {  	v4 =	vadd.f32 v43, v4;
	v43 =	vld [tilespmem:$0x46A0]  }
0xe6: {  	v10 =	vadd.f32 v35, v10;
	v35 =	vld [tilespmem:$0x48A0]  }
0xe7: {  	v5 =	vadd.f32 v58, v5;
	v58 =	vld [tilespmem:$0x1FBE0]  }
0xe8: {  	v4 =	vadd.f32 v52, v4;
	v52 =	vld [tilespmem:$0x1FBA0]  }
0xe9: {  	v5 =	vadd.f32 v19, v5;
	v19 =	vld [tilespmem:$0x4DA0]  }
0xea: {  	v21 =	vadd.f32 v47, v10;
	v10 =	vadd.f32 v22, v63;
	v22 =	vld [tilespmem:$0x40B0]  }
0xeb: {  	v47 =	vld [tilespmem:$0x1FC40]  }
0xec: {  	v63 =	vld [tilespmem:$0x1FD00]  }
0xed: {  	v4 =	vadd.f32 v60, v4;
	v60 =	vadd.f32 v29, v31;
	v29 =	vld [tilespmem:$0x1FBF0]  }
0xee: {  	v31 =	vld [tilespmem:$0x1FC00]  }
0xef: {  	v5 =	vadd.f32 v23, v5;
	v23 =	vld [tilespmem:$0x4AA0]  }
0xf0: {  	v10 =	vadd.f32 v26, v10;
	v26 =	vld [tilespmem:$0x41B0]  }
0xf1: {  	v4 =	vadd.f32 v50, v4;
	v50 =	vld [tilespmem:$0x1FC60]  }
0xf2: {  	v5 =	vadd.f32 v28, v5;
	v28 =	vld [tilespmem:$0x47A0]  }
0xf3: {  	v10 =	vadd.f32 v34, v10;
	v34 =	vld [tilespmem:$0x44B0]  }
0xf4: {  	v4 =	vadd.f32 v56, v4;
	v56 =	vld [tilespmem:$0x1FCB0]  }
0xf5: {  	v6 =	vadd.f32 v25, v6;
	v25 =	vadd.f32 v41, v5;
	v5 =	vld [tilespmem:$0x1FB70]  }
0xf6: {  	v41 =	vld [tilespmem:$0x49A0]  }
0xf7: {  	v10 =	vadd.f32 v39, v10;
	v39 =	vld [tilespmem:$0x46B0]  }
0xf8: {  	[tilespmem:$0x1FFF0] =	vst v4;
	v4 =	vadd.f32 v46, v49;
	v46 =	vld [tilespmem:$0x1FC30]  }
0xf9: {  	v6 =	vadd.f32 v30, v6;
	v49 =	vld [tilespmem:$0x1FC50]  }
0xfa: {  	v9 =	vadd.f32 v26, v22;
	v22 =	vld [tilespmem:$0x1FEC0]  }
0xfb: {  	v26 =	vadd.f32 v36, v12;
	v12 =	vld [tilespmem:$0x4CC0];
	v5 =	vadd.f32 v5, v6  }
0xfc: {  	v36 =	vld [tilespmem:$0x1FED0]  }
0xfd: {  	v30 =	vadd.f32 v52, v5;
	v5 =	vld [tilespmem:$0x1FBB0]  }
0xfe: {  	v10 =	vadd.f32 v45, v10;
	v45 =	vld [tilespmem:$0x48B0]  }
0xff: {  	v4 =	vadd.f32 v53, v4;
	v53 =	vld [tilespmem:$0x1FC90]  }
0x100: {  	v10 =	vadd.f32 v54, v10;
	v54 =	vld [tilespmem:$0x1FD60]  }
0x101: {  	v6 =	vadd.f32 v37, v60;
	v37 =	vld [tilespmem:$0x1FC10]  }
0x102: {  	v60 =	vld [tilespmem:$0x1FCE0];
	v5 =	vadd.f32 v55, v5  }
0x103: {  	v4 =	vadd.f32 v62, v4;
	v62 =	vld [tilespmem:$0x1FCF0]  }
0x104: {  	v10 =	vadd.f32 v61, v10;
	v61 =	vld [tilespmem:$0x1FDC0];
	v5 =	vadd.f32 v58, v5  }
0x105: {  	v6 =	vadd.f32 v42, v6;
	v42 =	vld [tilespmem:$0x1FC20]  }
0x106: {  	v52 =	vld [tilespmem:$0x1FC80];
	v5 =	vadd.f32 v29, v5  }
0x107: {  	v6 =	vadd.f32 v51, v6;
	v51 =	vld [tilespmem:$0x1FC70]  }
0x108: {  	v4 =	vadd.f32 v37, v4;
	v37 =	vld [tilespmem:$0x45B0];
	v5 =	vadd.f32 v31, v5  }
0x109: {  	v55 =	vld [tilespmem:$0x1FCA0]  }
0x10a: {  	v6 =	vadd.f32 v57, v6;
	v57 =	vld [tilespmem:$0x1FCC0];
	v5 =	vadd.f32 v42, v5  }
0x10b: {  	v4 =	vadd.f32 v46, v4;
	v58 =	vld [tilespmem:$0x1FCD0]  }
0x10c: {  	v46 =	vld [tilespmem:$0x49B0];
	v6 =	vadd.f32 v51, v6;
	v5 =	vadd.f32 v47, v5  }
0x10d: {  	v4 =	vadd.f32 v49, v4;
	v49 =	vld [tilespmem:$0x4BB0]  }
0x10e: {  	v51 =	vld [tilespmem:$0x1FD30];
	v6 =	vadd.f32 v55, v6;
	v5 =	vadd.f32 v50, v5  }
0x10f: {  	v4 =	vadd.f32 v52, v4;
	v52 =	vld [tilespmem:$0x1FD40]  }
0x110: {  	v29 =	vld [tilespmem:$0x42B0];
	v6 =	vadd.f32 v58, v6;
	v5 =	vadd.f32 v53, v5  }
0x111: {  	v4 =	vadd.f32 v56, v4;
	v56 =	vld [tilespmem:$0x1FD80]  }
0x112: {  	v6 =	vadd.f32 v63, v6;
	v53 =	vld [tilespmem:$0x1FD50];
	v5 =	vadd.f32 v57, v5  }
0x113: {  	v55 =	vld [tilespmem:$0x1FD70];
	v4 =	vadd.f32 v60, v4  }
0x114: {  	v6 =	vadd.f32 v52, v6;
	v57 =	vld [tilespmem:$0x1FD90];
	v5 =	vadd.f32 v62, v5  }
0x115: {  	v60 =	vld [tilespmem:$0x1FDB0];
	v4 =	vadd.f32 v20, v4  }
0x116: {  	v20 =	vld [tilespmem:$0x1FDF0];
	v6 =	vadd.f32 v56, v6;
	v5 =	vadd.f32 v51, v5  }
0x117: {  	v50 =	vld [tilespmem:$0x1FD20];
	v4 =	vadd.f32 v53, v4  }
0x118: {  	v6 =	vadd.f32 v61, v6;
	v61 =	vld [tilespmem:$0x1FE30];
	v5 =	vadd.f32 v55, v5  }
0x119: {  	v4 =	vadd.f32 v57, v4;
	v57 =	vld [tilespmem:$0x1FE00]  }
0x11a: {  	v31 =	vld [tilespmem:$0x43B0];
	v5 =	vadd.f32 v60, v5  }
0x11b: {  	v58 =	vld [tilespmem:$0x1FDA0]  }
0x11c: {  	v42 =	vld [tilespmem:$0x47B0];
	v5 =	vadd.f32 v20, v5  }
0x11d: {  	v63 =	vld [tilespmem:$0x1FDE0];
	v10 =	vadd.f32 v50, v10  }
0x11e: {  	v15 =	vadd.f32 v57, v6;
	v6 =	vadd.f32 v61, v5;
	v5 =	vld [tilespmem:$0x1FE40]  }
0x11f: {  	v62 =	vld [tilespmem:$0x1FDD0];
	v10 =	vadd.f32 v54, v10  }
0x120: {  	v29 =	vadd.f32 v29, v9;
	v9 =	vld [tilespmem:$0x4DC0]  }
0x121: {  	v10 =	vadd.f32 v58, v10;
	v58 =	vld [tilespmem:$0x1FE10]  }
0x122: {  	v47 =	vld [tilespmem:$0x4AB0]  }
0x123: {  	v15 =	vadd.f32 v5, v15;
	v5 =	vld [tilespmem:$0x1FE50]  }
0x124: {  	v52 =	vld [tilespmem:$0x4EB0];
	v4 =	vadd.f32 v62, v4  }
0x125: {  	v29 =	vadd.f32 v31, v29;
	v31 =	vld [tilespmem:$0x1FEE0]  }
0x126: {  	v60 =	vld [tilespmem:$0x1FE20];
	v4 =	vadd.f32 v58, v4  }
0x127: {  	v62 =	vld [tilespmem:$0x1FE70]  }
0x128: {  	v5 =	vadd.f32 v5, v4;
	v4 =	vld [tilespmem:$0x1FE60]  }
0x129: {  	v56 =	vld [tilespmem:$0x42C0];
	v29 =	vadd.f32 v34, v29;
	v10 =	vadd.f32 v63, v10  }
0x12a: {  	v34 =	vld [tilespmem:$0x43D0]  }
0x12b: {  	v29 =	vadd.f32 v37, v29;
	v37 =	vld [tilespmem:$0x48D0];
	v10 =	vadd.f32 v60, v10  }
0x12c: {  	v63 =	vld [tilespmem:$0x1FE80]  }
0x12d: {  	v4 =	vadd.f32 v4, v10;
	v10 =	vadd.f32 v62, v15;
	v62 =	vld [tilespmem:$0x1FE90]  }
0x12e: {  	v50 =	vld [tilespmem:$0x4CB0]  }
0x12f: {  	v29 =	vadd.f32 v39, v29;
	v39 =	vld [tilespmem:$0x4CD0]  }
0x130: {  	v53 =	vld [tilespmem:$0x4FB0]  }
0x131: {  	v54 =	vld [tilespmem:$0x40C0]  }
0x132: {  	v15 =	vadd.f32 v62, v63;
	v63 =	vld [tilespmem:$0x1FEA0]  }
0x133: {  	v29 =	vadd.f32 v42, v29;
	v42 =	vld [tilespmem:$0x1FF50]  }
0x134: {  	v51 =	vld [tilespmem:$0x4DB0]  }
0x135: {  	v29 =	vadd.f32 v45, v29;
	v45 =	vld [tilespmem:$0x1FF80]  }
0x136: {  	v55 =	vld [tilespmem:$0x41C0]  }
0x137: {  	v20 =	vadd.f32 v63, v4;
	v4 =	vld [tilespmem:$0x1FEB0]  }
0x138: {  	v57 =	vld [tilespmem:$0x43C0]  }
0x139: {  	v58 =	vld [tilespmem:$0x44C0]  }
0x13a: {  	v61 =	vld [tilespmem:$0x46C0]  }
0x13b: {  	v60 =	vld [tilespmem:$0x45C0]  }
0x13c: {  	v62 =	vld [tilespmem:$0x47C0];
	v4 =	vadd.f32 v4, v15  }
0x13d: {  	v63 =	vld [tilespmem:$0x48C0]  }
0x13e: {  	v15 =	vld [tilespmem:$0x49C0];
	v4 =	vadd.f32 v22, v4  }
0x13f: {  	v22 =	vadd.f32 v38, v26;
	v26 =	vadd.f32 v32, v44;
	v32 =	vld [tilespmem:$0x42D0]  }
0x140: {  	v38 =	vld [tilespmem:$0x1FF00]  }
0x141: {  	v44 =	vld [tilespmem:$0x1FF30]  }
0x142: {  	v4 =	vadd.f32 v36, v4;
	v36 =	vld [tilespmem:$0x1FEF0]  }
0x143: {  	v22 =	vadd.f32 v40, v22;
	v40 =	vld [tilespmem:$0x1FF10]  }
0x144: {  	v26 =	vadd.f32 v48, v26;
	v48 =	vld [tilespmem:$0x1FF40]  }
0x145: {  	v4 =	vadd.f32 v31, v4;
	v31 =	vld [tilespmem:$0x40D0]  }
0x146: {  	v22 =	vadd.f32 v27, v22;
	v27 =	vld [tilespmem:$0x41D0]  }
0x147: {  	v26 =	vadd.f32 v33, v26;
	v33 =	vld [tilespmem:$0x44D0]  }
0x148: {  	v22 =	vadd.f32 v43, v22;
	v43 =	vld [tilespmem:$0x1FF20]  }
0x149: {  	v26 =	vadd.f32 v59, v26;
	v59 =	vadd.f32 v46, v29;
	v29 =	vld [tilespmem:$0x4AD0]  }
0x14a: {  	v46 =	vld [tilespmem:$0x1FF90]  }
0x14b: {  	v4 =	vadd.f32 v36, v4;
	v36 =	vld [tilespmem:$0x46D0]  }
0x14c: {  	v22 =	vadd.f32 v28, v22;
	v28 =	vld [tilespmem:$0x45D0]  }
0x14d: {  	v26 =	vadd.f32 v44, v26;
	v44 =	vld [tilespmem:$0x1FF70]  }
0x14e: {  	v4 =	vadd.f32 v38, v4;
	v38 =	vld [tilespmem:$0x49D0]  }
0x14f: {  	v22 =	vadd.f32 v35, v22;
	v35 =	vld [tilespmem:$0x47D0]  }
0x150: {  	v24 =	vadd.f32 v24, v26;
	v26 =	vadd.f32 v47, v59;
	v47 =	vld [tilespmem:$0x1FFA0]  }
0x151: {  	v27 =	vadd.f32 v27, v31;
	v59 =	vld [tilespmem:$0x42E0]  }
0x152: {  	v4 =	vadd.f32 v40, v4;
	v40 =	vld [tilespmem:$0x4ED0]  }
0x153: {  	v27 =	vadd.f32 v32, v27;
	v22 =	vadd.f32 v41, v22;
	v41 =	vld [tilespmem:$0x40E0]  }
0x154: {  	v26 =	vadd.f32 v49, v26;
	v49 =	vld [tilespmem:$0x1FFC0]  }
0x155: {  	v4 =	vadd.f32 v43, v4;
	v43 =	vld [tilespmem:$0x1FF60];
	v27 =	vadd.f32 v34, v27  }
0x156: {  	v22 =	vadd.f32 v23, v22;
	v23 =	vld [tilespmem:$0x4BD0];
	v26 =	vadd.f32 v50, v26  }
0x157: {  	v50 =	vld [tilespmem:$0x1FFD0];
	v4 =	vadd.f32 v48, v4;
	v27 =	vadd.f32 v33, v27  }
0x158: {  	v48 =	vld [tilespmem:$0x1FFB0];
	v18 =	vadd.f32 v18, v22;
	v26 =	vadd.f32 v51, v26  }
0x159: {  	v22 =	vld [tilespmem:$0x4DD0];
	v4 =	vadd.f32 v42, v4;
	v27 =	vadd.f32 v28, v27  }
0x15a: {  	v51 =	vld [tilespmem:$0x1FFE0];
	v24 =	vadd.f32 v43, v24;
	v17 =	vadd.f32 v17, v18  }
0x15b: {  	v42 =	vld [tilespmem:$0x40F0];
	v26 =	vadd.f32 v52, v26;
	v4 =	vadd.f32 v44, v4  }
0x15c: {  	v18 =	vld [tilespmem:$0x4FD0];
	v24 =	vadd.f32 v45, v24;
	v17 =	vadd.f32 v19, v17  }
0x15d: {  	v27 =	vadd.f32 v36, v27;
	v19 =	vld [tilespmem:$0x41E0];
	v4 =	vadd.f32 v46, v4  }
0x15e: {  	v24 =	vadd.f32 v47, v24;
	v16 =	vadd.f32 v16, v17;
	v17 =	vld [tilespmem:$0x41F0]  }
0x15f: {  	v52 =	vld [tilespmem:$0x44E0];
	v4 =	vadd.f32 v48, v4;
	v48 =	vadd.f32 v55, v54  }
0x160: {  	v24 =	vadd.f32 v49, v24;
	v14 =	vadd.f32 v14, v16;
	v49 =	vld [tilespmem:$0x42F0]  }
0x161: {  	v4 =	vadd.f32 v50, v4;
	v50 =	vld [tilespmem:$0x43E0];
	v16 =	vadd.f32 v56, v48  }
0x162: {  	v19 =	vadd.f32 v19, v41;
	v24 =	vadd.f32 v51, v24;
	v51 =	vld [tilespmem:$0x43F0]  }
0x163: {  	v36 =	vld [tilespmem:$0x4AE0];
	v26 =	vadd.f32 v53, v26;
	v17 =	vadd.f32 v17, v42  }
0x164: {  	v53 =	vld [tilespmem:$0x44F0];
	v16 =	vadd.f32 v57, v16;
	v19 =	vadd.f32 v59, v19  }
0x165: {  	v54 =	vld [tilespmem:$0x45E0];
	v17 =	vadd.f32 v49, v17  }
0x166: {  	v55 =	vld [tilespmem:$0x45F0];
	v16 =	vadd.f32 v58, v16;
	v19 =	vadd.f32 v50, v19  }
0x167: {  	v56 =	vld [tilespmem:$0x46E0];
	v17 =	vadd.f32 v51, v17  }
0x168: {  	v57 =	vld [tilespmem:$0x46F0];
	v16 =	vadd.f32 v60, v16;
	v19 =	vadd.f32 v52, v19  }
0x169: {  	v58 =	vld [tilespmem:$0x47E0];
	v17 =	vadd.f32 v53, v17  }
0x16a: {  	v59 =	vld [tilespmem:$0x47F0];
	v16 =	vadd.f32 v61, v16;
	v19 =	vadd.f32 v54, v19  }
0x16b: {  	v60 =	vld [tilespmem:$0x48E0];
	v17 =	vadd.f32 v55, v17  }
0x16c: {  	v61 =	vld [tilespmem:$0x48F0];
	v16 =	vadd.f32 v62, v16;
	v19 =	vadd.f32 v56, v19  }
0x16d: {  	v27 =	vadd.f32 v35, v27;
	v62 =	vld [tilespmem:$0x49E0];
	v17 =	vadd.f32 v57, v17  }
0x16e: {  	v16 =	vadd.f32 v63, v16;
	v63 =	vld [tilespmem:$0x49F0];
	v19 =	vadd.f32 v58, v19  }
0x16f: {  	v44 =	vld [tilespmem:$0x4BF0];
	v27 =	vadd.f32 v37, v27;
	v17 =	vadd.f32 v59, v17  }
0x170: {  	v41 =	vld [tilespmem:$0x4AF0];
	v15 =	vadd.f32 v15, v16;
	v37 =	vadd.f32 v60, v19  }
0x171: {  	v27 =	vadd.f32 v38, v27;
	v42 =	vld [tilespmem:$0x4BE0];
	v17 =	vadd.f32 v61, v17  }
0x172: {  	[tilespmem:$0x5010] =	vst v21;
	v46 =	vld [tilespmem:$0x4CE0];
	v11 =	vadd.f32 v11, v15;
	v43 =	vadd.f32 v62, v37  }
0x173: {  	[tilespmem:$0x5000] =	vst v25;
	v48 =	vld [tilespmem:$0x4CF0];
	v45 =	vadd.f32 v29, v27;
	v17 =	vadd.f32 v63, v17  }
0x174: {  	[tilespmem:$0x5020] =	vst v30;
	v49 =	vld [tilespmem:$0x1FFF0];
	v11 =	vadd.f32 v13, v11;
	v47 =	vadd.f32 v36, v43  }
0x175: {  	[tilespmem:$0x5040] =	vst v6;
	v21 =	vadd.f32 v23, v45;
	v50 =	vld [tilespmem:$0x4DE0];
	v17 =	vadd.f32 v41, v17  }
0x176: {  	[tilespmem:$0x5050] =	vst v5;
	v53 =	vld [tilespmem:$0x4DF0];
	v51 =	vadd.f32 v12, v11;
	v52 =	vadd.f32 v42, v47  }
0x177: {  	[tilespmem:$0x5060] =	vst v10;
	v5 =	vadd.f32 v39, v21;
	v55 =	vld [tilespmem:$0x4EE0];
	v54 =	vadd.f32 v44, v17  }
0x178: {  	[tilespmem:$0x5070] =	vst v20;
	v57 =	vld [tilespmem:$0x4EF0];
	v6 =	vadd.f32 v9, v51;
	v56 =	vadd.f32 v46, v52  }
0x179: {  	[tilespmem:$0x50B0] =	vst v26;
	v5 =	vadd.f32 v22, v5;
	v59 =	vld [tilespmem:$0x4FE0];
	v58 =	vadd.f32 v48, v54  }
0x17a: {  	[tilespmem:$0x5080] =	vst v4;
	v61 =	vld [tilespmem:$0x4FF0];
	v4 =	vadd.f32 v7, v6;
	v60 =	vadd.f32 v50, v56  }
0x17b: {  	[tilespmem:$0x50A0] =	vst v14;
	v5 =	vadd.f32 v40, v5;
	v62 =	vadd.f32 v53, v58  }
0x17c: {  	[tilespmem:$0x5090] =	vst v24;
	v4 =	vadd.f32 v8, v4;
	v6 =	vadd.f32 v55, v60  }
0x17d: {  	[tilespmem:$0x5030] =	vst v49;
	v5 =	vadd.f32 v18, v5;
	v63 =	vadd.f32 v57, v62  }
0x17e: {  	[tilespmem:$0x50C0] =	vst v4;
	v4 =	vadd.f32 v59, v6  }
0x17f: {  	s9 =	sadd.s32 $0x1, s9;
	[tilespmem:$0x50D0] =	vst v5;
	v5 =	vadd.f32 v61, v63  }
0x180: {  	p0 =	sne.s32 s9, s5;
	[tilespmem:$0x50E0] =	vst v4  }
.Ltmp2:
0x181: {  	[tilespmem:$0x50F0] =	vst v5;
	(pc) =	sbr.rel @p0 .LBB2_1-.Ltmp2, $4  }
0x182: {  	[hbm4b:s4+s3] =	stream.linear.scatter [tilespmem:s8], [sflag:$0x1], $0x100, $0x38;
	[tilespmem:$0x5100] =	vst v63  }
0x183: {  	_ =	swait.ge [sflag:s6], $0x100  }
0x184: {  	[sflag:s6] =	ssyncset.done $0x0  }
0x185: {  	[sflag:s6] =	ssyncadd.s32 $0xFFFFFF00  }
0x186: {  	_ =	sfence.sel $0x180000  }
0x187: {  	[bflag:$0x0] =	sbarrier.arrive $0xFFFF  }
0x188: {  	p0 =	sne.s32 s1, $0x0;
	_ =	strace $0x90000050  }
0x189: {  	s0 =	sadd.s32 @!p0 $0x100000, s0;
	[bflag:$0x2] =	sbarrier.arrive $0xFFFF  }
0x18a: {  	[sflag:s0] =	ssyncadd.tile.s32 @!p0 $0x1;
	_ =	shalt  }
.Lfunc_end2:
_tile_overlayer_lowered:
.L_overlay_start_2:
0x18b: {  	(tag) =	ssettag $0x2  }
0x18c: {  	s0 =	rddreg [dreg:$0x0];
	s2 =	stileid.u32  }
0x18d: {  	s1 =	rddreg [dreg:$0x1];
	p0 =	sne.s32 s2, $0x0  }
0x18e: {  	s3 =	rddreg [dreg:$0x2];
	[bflag:$0x3] =	sbarrier.arrive $0xFFFF;
	s2 =	simm.s32 @!p0 $0x1C01  }
0x18f: {  	[timem:s3], [sflag:s2] =	dma.local @!p0 [hbm:s0], s1  }
0x190: {  	s0 =	simm.s32 @!p0 $0x1  }
0x191: {  	_ =	swait.ge @!p0 [sflag:s0], s1  }
0x192: {  	s1 =	ssub.s32 @!p0 $0x0, s1;
	[sflag:s0] =	ssyncset.done @!p0 $0x0  }
0x193: {  	[sflag:s0] =	ssyncadd.s32 @!p0 s1  }
0x194: {  	[bflag:$0x3] =	sbarrier.arrive $0xFFFF  }
0x195: {  	_ =	shalt  }

</sc_bundles>
